<compile_context>
chip_gen: v7x
topology: tpu7x:2x2x1
jax: 0.10.2.dev20260603
libtpu: 0.0.44.dev20260713+nightly
codegen_flags: <defaults>
</compile_context>

<pallas_src>
import jax
import jax.numpy as jnp
from jax import lax
from jax.experimental import pallas as pl
from jax.experimental.pallas import tpu as pltpu
from jax.experimental.pallas import tpu_sc as plsc

_B = 16384
_NB1 = 16
_ED = 8
_TAB = 33 * _ED
_STR = 17
_TABP = 576
_W = 4096
_ROW = 131072
_NU = 48


def _body(x_hbm, tab_hbm, out_hbm, tab_v, tabs_v, x_v, out_v, sem_x, sem_o):
    nc = 2
    wid = lax.axis_index("s") * nc + lax.axis_index("c")
    b1 = wid // 2
    hh = wid % 2
    pltpu.sync_copy(tab_hbm, tab_v)
    lane = lax.iota(jnp.int32, 16)
    for i in range(_TABP // 16):
        pos = i * 16 + lane
        src = pos // _STR * _ED + jnp.minimum(pos % _STR, _ED - 1)
        row = plsc.load_gather(tab_v, [jnp.minimum(src, _TAB - 1)])
        tabs_v[pl.ds(i * 16, 16)] = row

    def xrow_off(rv):
        c = rv // 8
        kk = (rv // 2) % 4
        bh = rv % 2
        hc = (hh * 4 + kk) * 3 + c
        return hc * _ROW + b1 * 8192 + bh * _W

    pltpu.async_copy(x_hbm.at[pl.ds(xrow_off(0), _W)], x_v.at[0], sem_x)

    def unit(u, _):
        c = u // 16
        k = (u // 4) % 4
        bh = (u // 2) % 2
        dq = u % 2
        p = u % 4
        rv = u // 2
        slot = rv % 4

        @pl.when(dq == 0)
        def _x_ring():
            pltpu.make_async_copy(
                x_hbm.at[pl.ds(0, _W)], x_v.at[0], sem_x
            ).wait()

            @pl.when(rv + 1 < 24)
            def _prefetch():
                pltpu.async_copy(
                    x_hbm.at[pl.ds(xrow_off(rv + 1), _W)],
                    x_v.at[(rv + 1) % 4],
                    sem_x,
                )

        @pl.when(u >= 4)
        def _wait_drain():
            pltpu.make_async_copy(
                out_hbm.at[pl.ds(0, 4 * _W)], out_v.at[p], sem_o.at[p]
            ).wait()

        base = 11 * _STR * c + 4 * dq
        tds = [jnp.broadcast_to(base + i, (16,)).astype(jnp.int32) for i in range(4)]

        @plsc.parallel_loop(0, _W // 16, 1, unroll=8)
        def j_body(j):
            o = j * 16
            x17 = x_v[slot, pl.ds(o, 16)] * _STR
            for i in range(4):
                ev = plsc.load_gather(tabs_v, [x17 + tds[i]])
                out_v[p, pl.ds(i * _W + o, 16)] = ev

        r0 = (c * _ED + 4 * dq) * 8 + hh * 4 + k
        for i in range(4):
            pltpu.async_copy(
                out_v.at[p, pl.ds(i * _W, _W)],
                out_hbm.at[pl.ds((r0 + i * 8) * _ROW + b1 * 8192 + bh * _W, _W)],
                sem_o.at[p],
            )
        return 0

    lax.fori_loop(0, _NU, unit, 0)
    for pp in range(4):
        pltpu.make_async_copy(
            out_hbm.at[pl.ds(0, 4 * _W)], out_v.at[pp], sem_o.at[pp]
        ).wait()


@jax.jit
def kernel(x, table):
    x1 = (
        x.reshape(_NB1, 8, 128, 8, 8, 3)
        .transpose(3, 5, 0, 1, 4, 2)
        .reshape(-1)
    )
    tab_flat = table.reshape(-1)
    mesh = plsc.VectorSubcoreMesh(core_axis_name="c", subcore_axis_name="s")
    out1 = pl.kernel(
        _body,
        out_type=jax.ShapeDtypeStruct((192 * _ROW,), jnp.float32),
        mesh=mesh,
        compiler_params=pltpu.CompilerParams(needs_layout_passes=False),
        scratch_types=[
            pltpu.VMEM((_TAB,), jnp.float32),
            pltpu.VMEM((_TABP,), jnp.float32),
            pltpu.VMEM((4, _W), jnp.int32),
            pltpu.VMEM((4, 4 * _W), jnp.float32),
            pltpu.SemaphoreType.DMA,
            pltpu.SemaphoreType.DMA((4,)),
        ],
    )(x1, tab_flat)
    return (
        out1.reshape(24, 8, _NB1, 8, 8, 128)
        .transpose(2, 3, 5, 0, 1, 4)
        .reshape(_B, 24, 8, 8)
    )

# --- scband reference (transcript-rebuilt; emitter-appended) ---
"""Pipeline reference for scband-grid-embedding-33492154974420 (READ-ONLY COPY).

The authoritative reference and input builder live on the scoring server;
editing this copy changes nothing except your own understanding.
"""

import jax, jax.numpy as jnp
import numpy as np

EMBEDDING_DIM = 8
VOCAB = 33

def setup_inputs(seed: int = 0) -> dict:
    key = jax.random.key(seed)
    k1, k2 = jax.random.split(key)
    x = jax.random.randint(k1, (16384, 8, 8, 3), 0, 11, dtype=jnp.int32)
    table = jax.random.normal(k2, (VOCAB, EMBEDDING_DIM), dtype=jnp.float32)
    return {"x": x, "table": table}

def reference(x, table):
    b, h, w, c = x.shape
    offset = jnp.array([0, 11, 22], dtype=x.dtype).reshape(1, 1, 1, 3)
    idx = x + offset
    emb = jnp.take(table, idx, axis=0)  # [b, h, w, 3, embedding_dim]
    out = emb.reshape(b, h, w, table.shape[1] * 3)
    out = jnp.transpose(out, (0, 3, 1, 2))  # [b, 3*embedding_dim, h, w]
    return out

if __name__ == "__main__":
    import jax
    _d = setup_inputs()
    print(jax.jit(kernel)(*tuple(_d.values())))

</pallas_src>

<mosaic_0001>
#map = affine_map<(d0, d1) -> (0)>
module attributes {stable_mosaic.version = 14 : i64} {
  func.func @_body(%arg0: i32, %arg1: i32, %arg2: memref<3145728xi32, #tpu.memory_space<hbm>>, %arg3: memref<264xf32, #tpu.memory_space<hbm>>, %arg4: memref<25165824xf32, #tpu.memory_space<hbm>>, %arg5: memref<264xf32, #tpu.memory_space<vmem>>, %arg6: memref<576xf32, #tpu.memory_space<vmem>>, %arg7: memref<4x4096xi32, #tpu.memory_space<vmem>>, %arg8: memref<4x16384xf32, #tpu.memory_space<vmem>>, %arg9: memref<!tpu.dma_semaphore, #tpu.memory_space<semaphore_mem>>, %arg10: memref<4x!tpu.dma_semaphore, #tpu.memory_space<semaphore_mem>>) attributes {dimension_semantics = [#tpu.dimension_semantics<core_parallel>, #tpu.dimension_semantics<subcore_parallel>], iteration_bounds = array<i64: 2, 16>, scalar_prefetch = 0 : i64, scratch_operands = 6 : i64, tpu.core_type = #tpu.core_type<sc_vector_subcore>, window_params = [{transform_indices = #map}, {transform_indices = #map}, {transform_indices = #map}]} {
    %mul3A = arith.constant 2 : i32
    %mul3A_0 = arith.muli %arg1, %mul3A : i32
    %add3A = arith.addi %mul3A_0, %arg0 : i32
    %jit3A = arith.constant 2 : i32
    %div3A = arith.divsi %add3A, %jit3A : i32
    %sign3A = arith.constant 0 : i32
    %sign3A_1 = arith.cmpi sgt, %add3A, %sign3A : i32
    %sign3A_2 = arith.extui %sign3A_1 : i1 to i32
    %sign3A_3 = arith.constant 0 : i32
    %sign3A_4 = arith.cmpi slt, %add3A, %sign3A_3 : i32
    %sign3A_5 = arith.extui %sign3A_4 : i1 to i32
    %sign3A_6 = arith.subi %sign3A_2, %sign3A_5 : i32
    %sign3A_7 = arith.constant 0 : i32
    %sign3A_8 = arith.cmpi sgt, %jit3A, %sign3A_7 : i32
    %sign3A_9 = arith.extui %sign3A_8 : i1 to i32
    %sign3A_10 = arith.constant 0 : i32
    %sign3A_11 = arith.cmpi slt, %jit3A, %sign3A_10 : i32
    %sign3A_12 = arith.extui %sign3A_11 : i1 to i32
    %sign3A_13 = arith.subi %sign3A_9, %sign3A_12 : i32
    %ne3A = arith.cmpi ne, %sign3A_6, %sign3A_13 : i32
    %rem3A = arith.remsi %add3A, %jit3A : i32
    %ne3A_14 = arith.constant 0 : i32
    %ne3A_15 = arith.cmpi ne, %rem3A, %ne3A_14 : i32
    %and3A = arith.andi %ne3A, %ne3A_15 : i1
    %sub3A = arith.constant 1 : i32
    %sub3A_16 = arith.subi %div3A, %sub3A : i32
    %select_n3A = arith.select %and3A, %sub3A_16, %div3A : i32
    %jit3A_17 = arith.constant 2 : i32
    %eq3A = arith.constant 0 : i32
    %eq3A_18 = arith.cmpi eq, %jit3A_17, %eq3A : i32
    %jit3A_19 = arith.constant 1 : i32
    %select_n3A_20 = arith.select %eq3A_18, %jit3A_19, %jit3A_17 : i32
    %rem3A_21 = arith.remsi %add3A, %select_n3A_20 : i32
    %ne3A_22 = arith.constant 0 : i32
    %ne3A_23 = arith.cmpi ne, %rem3A_21, %ne3A_22 : i32
    %lt3A = arith.constant 0 : i32
    %lt3A_24 = arith.cmpi slt, %rem3A_21, %lt3A : i32
    %lt3A_25 = arith.constant 0 : i32
    %lt3A_26 = arith.cmpi slt, %select_n3A_20, %lt3A_25 : i32
    %ne3A_27 = arith.xori %lt3A_24, %lt3A_26 : i1
    %and3A_28 = arith.andi %ne3A_27, %ne3A_23 : i1
    %add3A_29 = arith.addi %rem3A_21, %select_n3A_20 : i32
    %select_n3A_30 = arith.select %and3A_28, %add3A_29, %rem3A_21 : i32
    "tpu.region"() ({
      %run_scoped3A = tpu.sem_alloc : memref<!tpu.dma_semaphore, #tpu.memory_space<semaphore_mem>>
      tpu.enqueue_dma source(%arg3 : memref<264xf32, #tpu.memory_space<hbm>>) target(%arg5 : memref<264xf32, #tpu.memory_space<vmem>>) target_semaphore(%run_scoped3A : memref<!tpu.dma_semaphore, #tpu.memory_space<semaphore_mem>>)
      tpu.wait_dma2 semaphore(%run_scoped3A : memref<!tpu.dma_semaphore, #tpu.memory_space<semaphore_mem>>) src(%arg3 : memref<264xf32, #tpu.memory_space<hbm>>) dst(%arg5 : memref<264xf32, #tpu.memory_space<vmem>>)
      tpu.yield
    }) : () -> ()
    %iota3A = tpu.iota {dimensions = array<i32: 0>} : vector<16xi32>
    %add3A_31 = arith.constant 0 : i32
    %add3A_32 = vector.broadcast %add3A_31 : i32 to vector<16xi32>
    %add3A_33 = arith.addi %add3A_32, %iota3A : vector<16xi32>
    %jit3A_34 = arith.constant 17 : i32
    %div3A_35 = vector.broadcast %jit3A_34 : i32 to vector<16xi32>
    %div3A_36 = arith.divsi %add3A_33, %div3A_35 : vector<16xi32>
    %sign3A_37 = arith.constant 0 : i32
    %sign3A_38 = vector.broadcast %sign3A_37 : i32 to vector<16xi32>
    %sign3A_39 = arith.cmpi sgt, %add3A_33, %sign3A_38 : vector<16xi32>
    %sign3A_40 = arith.extui %sign3A_39 : vector<16xi1> to vector<16xi32>
    %sign3A_41 = arith.constant 0 : i32
    %sign3A_42 = vector.broadcast %sign3A_41 : i32 to vector<16xi32>
    %sign3A_43 = arith.cmpi slt, %add3A_33, %sign3A_42 : vector<16xi32>
    %sign3A_44 = arith.extui %sign3A_43 : vector<16xi1> to vector<16xi32>
    %sign3A_45 = arith.subi %sign3A_40, %sign3A_44 : vector<16xi32>
    %sign3A_46 = arith.constant 0 : i32
    %sign3A_47 = arith.cmpi sgt, %jit3A_34, %sign3A_46 : i32
    %sign3A_48 = arith.extui %sign3A_47 : i1 to i32
    %sign3A_49 = arith.constant 0 : i32
    %sign3A_50 = arith.cmpi slt, %jit3A_34, %sign3A_49 : i32
    %sign3A_51 = arith.extui %sign3A_50 : i1 to i32
    %sign3A_52 = arith.subi %sign3A_48, %sign3A_51 : i32
    %ne3A_53 = vector.broadcast %sign3A_52 : i32 to vector<16xi32>
    %ne3A_54 = arith.cmpi ne, %sign3A_45, %ne3A_53 : vector<16xi32>
    %rem3A_55 = vector.broadcast %jit3A_34 : i32 to vector<16xi32>
    %rem3A_56 = arith.remsi %add3A_33, %rem3A_55 : vector<16xi32>
    %ne3A_57 = arith.constant 0 : i32
    %ne3A_58 = vector.broadcast %ne3A_57 : i32 to vector<16xi32>
    %ne3A_59 = arith.cmpi ne, %rem3A_56, %ne3A_58 : vector<16xi32>
    %and3A_60 = arith.andi %ne3A_54, %ne3A_59 : vector<16xi1>
    %sub3A_61 = arith.constant 1 : i32
    %sub3A_62 = vector.broadcast %sub3A_61 : i32 to vector<16xi32>
    %sub3A_63 = arith.subi %div3A_36, %sub3A_62 : vector<16xi32>
    %select_n3A_64 = arith.select %and3A_60, %sub3A_63, %div3A_36 : vector<16xi1>, vector<16xi32>
    %mul3A_65 = arith.constant 8 : i32
    %mul3A_66 = vector.broadcast %mul3A_65 : i32 to vector<16xi32>
    %mul3A_67 = arith.muli %select_n3A_64, %mul3A_66 : vector<16xi32>
    %jit3A_68 = arith.constant 17 : i32
    %eq3A_69 = arith.constant 0 : i32
    %eq3A_70 = arith.cmpi eq, %jit3A_68, %eq3A_69 : i32
    %jit3A_71 = arith.constant 1 : i32
    %select_n3A_72 = arith.select %eq3A_70, %jit3A_71, %jit3A_68 : i32
    %rem3A_73 = vector.broadcast %select_n3A_72 : i32 to vector<16xi32>
    %rem3A_74 = arith.remsi %add3A_33, %rem3A_73 : vector<16xi32>
    %ne3A_75 = arith.constant 0 : i32
    %ne3A_76 = vector.broadcast %ne3A_75 : i32 to vector<16xi32>
    %ne3A_77 = arith.cmpi ne, %rem3A_74, %ne3A_76 : vector<16xi32>
    %lt3A_78 = arith.constant 0 : i32
    %lt3A_79 = vector.broadcast %lt3A_78 : i32 to vector<16xi32>
    %lt3A_80 = arith.cmpi slt, %rem3A_74, %lt3A_79 : vector<16xi32>
    %lt3A_81 = arith.constant 0 : i32
    %lt3A_82 = arith.cmpi slt, %select_n3A_72, %lt3A_81 : i32
    %ne3A_83 = vector.broadcast %lt3A_82 : i1 to vector<16xi1>
    %ne3A_84 = vector.broadcast %ne3A_83 : vector<16xi1> to vector<16xi1>
    %ne3A_85 = arith.xori %lt3A_80, %ne3A_84 : vector<16xi1>
    %and3A_86 = arith.andi %ne3A_85, %ne3A_77 : vector<16xi1>
    %add3A_87 = vector.broadcast %select_n3A_72 : i32 to vector<16xi32>
    %add3A_88 = arith.addi %rem3A_74, %add3A_87 : vector<16xi32>
    %select_n3A_89 = arith.select %and3A_86, %add3A_88, %rem3A_74 : vector<16xi1>, vector<16xi32>
    %min3A = arith.constant 7 : i32
    %min3A_90 = vector.broadcast %min3A : i32 to vector<16xi32>
    %min3A_91 = arith.minsi %select_n3A_89, %min3A_90 : vector<16xi32>
    %add3A_92 = arith.addi %mul3A_67, %min3A_91 : vector<16xi32>
    %min3A_93 = arith.constant 263 : i32
    %min3A_94 = vector.broadcast %min3A_93 : i32 to vector<16xi32>
    %min3A_95 = arith.minsi %add3A_92, %min3A_94 : vector<16xi32>
    %gather3A = tpu.vector_load_idx %arg5[%min3A_95] : memref<264xf32, #tpu.memory_space<vmem>>[vector<16xi32>], vector<16xf32>,
    %swap3A = arith.constant 0 : index
    %swap3A_96 = tpu.vector_load %arg6[%swap3A] {strides = array<i32>} : memref<576xf32, #tpu.memory_space<vmem>>, vector<16xf32>,
    tpu.vector_store %arg6[%swap3A], %gather3A {strides = array<i32>} : memref<576xf32, #tpu.memory_space<vmem>>, vector<16xf32>,
    %add3A_97 = arith.constant 16 : i32
    %add3A_98 = vector.broadcast %add3A_97 : i32 to vector<16xi32>
    %add3A_99 = arith.addi %add3A_98, %iota3A : vector<16xi32>
    %jit3A_100 = arith.constant 17 : i32
    %div3A_101 = vector.broadcast %jit3A_100 : i32 to vector<16xi32>
    %div3A_102 = arith.divsi %add3A_99, %div3A_101 : vector<16xi32>
    %sign3A_103 = arith.constant 0 : i32
    %sign3A_104 = vector.broadcast %sign3A_103 : i32 to vector<16xi32>
    %sign3A_105 = arith.cmpi sgt, %add3A_99, %sign3A_104 : vector<16xi32>
    %sign3A_106 = arith.extui %sign3A_105 : vector<16xi1> to vector<16xi32>
    %sign3A_107 = arith.constant 0 : i32
    %sign3A_108 = vector.broadcast %sign3A_107 : i32 to vector<16xi32>
    %sign3A_109 = arith.cmpi slt, %add3A_99, %sign3A_108 : vector<16xi32>
    %sign3A_110 = arith.extui %sign3A_109 : vector<16xi1> to vector<16xi32>
    %sign3A_111 = arith.subi %sign3A_106, %sign3A_110 : vector<16xi32>
    %sign3A_112 = arith.constant 0 : i32
    %sign3A_113 = arith.cmpi sgt, %jit3A_100, %sign3A_112 : i32
    %sign3A_114 = arith.extui %sign3A_113 : i1 to i32
    %sign3A_115 = arith.constant 0 : i32
    %sign3A_116 = arith.cmpi slt, %jit3A_100, %sign3A_115 : i32
    %sign3A_117 = arith.extui %sign3A_116 : i1 to i32
    %sign3A_118 = arith.subi %sign3A_114, %sign3A_117 : i32
    %ne3A_119 = vector.broadcast %sign3A_118 : i32 to vector<16xi32>
    %ne3A_120 = arith.cmpi ne, %sign3A_111, %ne3A_119 : vector<16xi32>
    %rem3A_121 = vector.broadcast %jit3A_100 : i32 to vector<16xi32>
    %rem3A_122 = arith.remsi %add3A_99, %rem3A_121 : vector<16xi32>
    %ne3A_123 = arith.constant 0 : i32
    %ne3A_124 = vector.broadcast %ne3A_123 : i32 to vector<16xi32>
    %ne3A_125 = arith.cmpi ne, %rem3A_122, %ne3A_124 : vector<16xi32>
    %and3A_126 = arith.andi %ne3A_120, %ne3A_125 : vector<16xi1>
    %sub3A_127 = arith.constant 1 : i32
    %sub3A_128 = vector.broadcast %sub3A_127 : i32 to vector<16xi32>
    %sub3A_129 = arith.subi %div3A_102, %sub3A_128 : vector<16xi32>
    %select_n3A_130 = arith.select %and3A_126, %sub3A_129, %div3A_102 : vector<16xi1>, vector<16xi32>
    %mul3A_131 = arith.constant 8 : i32
    %mul3A_132 = vector.broadcast %mul3A_131 : i32 to vector<16xi32>
    %mul3A_133 = arith.muli %select_n3A_130, %mul3A_132 : vector<16xi32>
    %jit3A_134 = arith.constant 17 : i32
    %eq3A_135 = arith.constant 0 : i32
    %eq3A_136 = arith.cmpi eq, %jit3A_134, %eq3A_135 : i32
    %jit3A_137 = arith.constant 1 : i32
    %select_n3A_138 = arith.select %eq3A_136, %jit3A_137, %jit3A_134 : i32
    %rem3A_139 = vector.broadcast %select_n3A_138 : i32 to vector<16xi32>
    %rem3A_140 = arith.remsi %add3A_99, %rem3A_139 : vector<16xi32>
    %ne3A_141 = arith.constant 0 : i32
    %ne3A_142 = vector.broadcast %ne3A_141 : i32 to vector<16xi32>
    %ne3A_143 = arith.cmpi ne, %rem3A_140, %ne3A_142 : vector<16xi32>
    %lt3A_144 = arith.constant 0 : i32
    %lt3A_145 = vector.broadcast %lt3A_144 : i32 to vector<16xi32>
    %lt3A_146 = arith.cmpi slt, %rem3A_140, %lt3A_145 : vector<16xi32>
    %lt3A_147 = arith.constant 0 : i32
    %lt3A_148 = arith.cmpi slt, %select_n3A_138, %lt3A_147 : i32
    %ne3A_149 = vector.broadcast %lt3A_148 : i1 to vector<16xi1>
    %ne3A_150 = vector.broadcast %ne3A_149 : vector<16xi1> to vector<16xi1>
    %ne3A_151 = arith.xori %lt3A_146, %ne3A_150 : vector<16xi1>
    %and3A_152 = arith.andi %ne3A_151, %ne3A_143 : vector<16xi1>
    %add3A_153 = vector.broadcast %select_n3A_138 : i32 to vector<16xi32>
    %add3A_154 = arith.addi %rem3A_140, %add3A_153 : vector<16xi32>
    %select_n3A_155 = arith.select %and3A_152, %add3A_154, %rem3A_140 : vector<16xi1>, vector<16xi32>
    %min3A_156 = arith.constant 7 : i32
    %min3A_157 = vector.broadcast %min3A_156 : i32 to vector<16xi32>
    %min3A_158 = arith.minsi %select_n3A_155, %min3A_157 : vector<16xi32>
    %add3A_159 = arith.addi %mul3A_133, %min3A_158 : vector<16xi32>
    %min3A_160 = arith.constant 263 : i32
    %min3A_161 = vector.broadcast %min3A_160 : i32 to vector<16xi32>
    %min3A_162 = arith.minsi %add3A_159, %min3A_161 : vector<16xi32>
    %gather3A_163 = tpu.vector_load_idx %arg5[%min3A_162] : memref<264xf32, #tpu.memory_space<vmem>>[vector<16xi32>], vector<16xf32>,
    %swap3A_164 = arith.constant 16 : index
    %swap3A_165 = tpu.vector_load %arg6[%swap3A_164] {strides = array<i32>} : memref<576xf32, #tpu.memory_space<vmem>>, vector<16xf32>,
    tpu.vector_store %arg6[%swap3A_164], %gather3A_163 {strides = array<i32>} : memref<576xf32, #tpu.memory_space<vmem>>, vector<16xf32>,
    %add3A_166 = arith.constant 32 : i32
    %add3A_167 = vector.broadcast %add3A_166 : i32 to vector<16xi32>
    %add3A_168 = arith.addi %add3A_167, %iota3A : vector<16xi32>
    %jit3A_169 = arith.constant 17 : i32
    %div3A_170 = vector.broadcast %jit3A_169 : i32 to vector<16xi32>
    %div3A_171 = arith.divsi %add3A_168, %div3A_170 : vector<16xi32>
    %sign3A_172 = arith.constant 0 : i32
    %sign3A_173 = vector.broadcast %sign3A_172 : i32 to vector<16xi32>
    %sign3A_174 = arith.cmpi sgt, %add3A_168, %sign3A_173 : vector<16xi32>
    %sign3A_175 = arith.extui %sign3A_174 : vector<16xi1> to vector<16xi32>
    %sign3A_176 = arith.constant 0 : i32
    %sign3A_177 = vector.broadcast %sign3A_176 : i32 to vector<16xi32>
    %sign3A_178 = arith.cmpi slt, %add3A_168, %sign3A_177 : vector<16xi32>
    %sign3A_179 = arith.extui %sign3A_178 : vector<16xi1> to vector<16xi32>
    %sign3A_180 = arith.subi %sign3A_175, %sign3A_179 : vector<16xi32>
    %sign3A_181 = arith.constant 0 : i32
    %sign3A_182 = arith.cmpi sgt, %jit3A_169, %sign3A_181 : i32
    %sign3A_183 = arith.extui %sign3A_182 : i1 to i32
    %sign3A_184 = arith.constant 0 : i32
    %sign3A_185 = arith.cmpi slt, %jit3A_169, %sign3A_184 : i32
    %sign3A_186 = arith.extui %sign3A_185 : i1 to i32
    %sign3A_187 = arith.subi %sign3A_183, %sign3A_186 : i32
    %ne3A_188 = vector.broadcast %sign3A_187 : i32 to vector<16xi32>
    %ne3A_189 = arith.cmpi ne, %sign3A_180, %ne3A_188 : vector<16xi32>
    %rem3A_190 = vector.broadcast %jit3A_169 : i32 to vector<16xi32>
    %rem3A_191 = arith.remsi %add3A_168, %rem3A_190 : vector<16xi32>
    %ne3A_192 = arith.constant 0 : i32
    %ne3A_193 = vector.broadcast %ne3A_192 : i32 to vector<16xi32>
    %ne3A_194 = arith.cmpi ne, %rem3A_191, %ne3A_193 : vector<16xi32>
    %and3A_195 = arith.andi %ne3A_189, %ne3A_194 : vector<16xi1>
    %sub3A_196 = arith.constant 1 : i32
    %sub3A_197 = vector.broadcast %sub3A_196 : i32 to vector<16xi32>
    %sub3A_198 = arith.subi %div3A_171, %sub3A_197 : vector<16xi32>
    %select_n3A_199 = arith.select %and3A_195, %sub3A_198, %div3A_171 : vector<16xi1>, vector<16xi32>
    %mul3A_200 = arith.constant 8 : i32
    %mul3A_201 = vector.broadcast %mul3A_200 : i32 to vector<16xi32>
    %mul3A_202 = arith.muli %select_n3A_199, %mul3A_201 : vector<16xi32>
    %jit3A_203 = arith.constant 17 : i32
    %eq3A_204 = arith.constant 0 : i32
    %eq3A_205 = arith.cmpi eq, %jit3A_203, %eq3A_204 : i32
    %jit3A_206 = arith.constant 1 : i32
    %select_n3A_207 = arith.select %eq3A_205, %jit3A_206, %jit3A_203 : i32
    %rem3A_208 = vector.broadcast %select_n3A_207 : i32 to vector<16xi32>
    %rem3A_209 = arith.remsi %add3A_168, %rem3A_208 : vector<16xi32>
    %ne3A_210 = arith.constant 0 : i32
    %ne3A_211 = vector.broadcast %ne3A_210 : i32 to vector<16xi32>
    %ne3A_212 = arith.cmpi ne, %rem3A_209, %ne3A_211 : vector<16xi32>
    %lt3A_213 = arith.constant 0 : i32
    %lt3A_214 = vector.broadcast %lt3A_213 : i32 to vector<16xi32>
    %lt3A_215 = arith.cmpi slt, %rem3A_209, %lt3A_214 : vector<16xi32>
    %lt3A_216 = arith.constant 0 : i32
    %lt3A_217 = arith.cmpi slt, %select_n3A_207, %lt3A_216 : i32
    %ne3A_218 = vector.broadcast %lt3A_217 : i1 to vector<16xi1>
    %ne3A_219 = vector.broadcast %ne3A_218 : vector<16xi1> to vector<16xi1>
    %ne3A_220 = arith.xori %lt3A_215, %ne3A_219 : vector<16xi1>
    %and3A_221 = arith.andi %ne3A_220, %ne3A_212 : vector<16xi1>
    %add3A_222 = vector.broadcast %select_n3A_207 : i32 to vector<16xi32>
    %add3A_223 = arith.addi %rem3A_209, %add3A_222 : vector<16xi32>
    %select_n3A_224 = arith.select %and3A_221, %add3A_223, %rem3A_209 : vector<16xi1>, vector<16xi32>
    %min3A_225 = arith.constant 7 : i32
    %min3A_226 = vector.broadcast %min3A_225 : i32 to vector<16xi32>
    %min3A_227 = arith.minsi %select_n3A_224, %min3A_226 : vector<16xi32>
    %add3A_228 = arith.addi %mul3A_202, %min3A_227 : vector<16xi32>
    %min3A_229 = arith.constant 263 : i32
    %min3A_230 = vector.broadcast %min3A_229 : i32 to vector<16xi32>
    %min3A_231 = arith.minsi %add3A_228, %min3A_230 : vector<16xi32>
    %gather3A_232 = tpu.vector_load_idx %arg5[%min3A_231] : memref<264xf32, #tpu.memory_space<vmem>>[vector<16xi32>], vector<16xf32>,
    %swap3A_233 = arith.constant 32 : index
    %swap3A_234 = tpu.vector_load %arg6[%swap3A_233] {strides = array<i32>} : memref<576xf32, #tpu.memory_space<vmem>>, vector<16xf32>,
    tpu.vector_store %arg6[%swap3A_233], %gather3A_232 {strides = array<i32>} : memref<576xf32, #tpu.memory_space<vmem>>, vector<16xf32>,
    %add3A_235 = arith.constant 48 : i32
    %add3A_236 = vector.broadcast %add3A_235 : i32 to vector<16xi32>
    %add3A_237 = arith.addi %add3A_236, %iota3A : vector<16xi32>
    %jit3A_238 = arith.constant 17 : i32
    %div3A_239 = vector.broadcast %jit3A_238 : i32 to vector<16xi32>
    %div3A_240 = arith.divsi %add3A_237, %div3A_239 : vector<16xi32>
    %sign3A_241 = arith.constant 0 : i32
    %sign3A_242 = vector.broadcast %sign3A_241 : i32 to vector<16xi32>
    %sign3A_243 = arith.cmpi sgt, %add3A_237, %sign3A_242 : vector<16xi32>
    %sign3A_244 = arith.extui %sign3A_243 : vector<16xi1> to vector<16xi32>
    %sign3A_245 = arith.constant 0 : i32
    %sign3A_246 = vector.broadcast %sign3A_245 : i32 to vector<16xi32>
    %sign3A_247 = arith.cmpi slt, %add3A_237, %sign3A_246 : vector<16xi32>
    %sign3A_248 = arith.extui %sign3A_247 : vector<16xi1> to vector<16xi32>
    %sign3A_249 = arith.subi %sign3A_244, %sign3A_248 : vector<16xi32>
    %sign3A_250 = arith.constant 0 : i32
    %sign3A_251 = arith.cmpi sgt, %jit3A_238, %sign3A_250 : i32
    %sign3A_252 = arith.extui %sign3A_251 : i1 to i32
    %sign3A_253 = arith.constant 0 : i32
    %sign3A_254 = arith.cmpi slt, %jit3A_238, %sign3A_253 : i32
    %sign3A_255 = arith.extui %sign3A_254 : i1 to i32
    %sign3A_256 = arith.subi %sign3A_252, %sign3A_255 : i32
    %ne3A_257 = vector.broadcast %sign3A_256 : i32 to vector<16xi32>
    %ne3A_258 = arith.cmpi ne, %sign3A_249, %ne3A_257 : vector<16xi32>
    %rem3A_259 = vector.broadcast %jit3A_238 : i32 to vector<16xi32>
    %rem3A_260 = arith.remsi %add3A_237, %rem3A_259 : vector<16xi32>
    %ne3A_261 = arith.constant 0 : i32
    %ne3A_262 = vector.broadcast %ne3A_261 : i32 to vector<16xi32>
    %ne3A_263 = arith.cmpi ne, %rem3A_260, %ne3A_262 : vector<16xi32>
    %and3A_264 = arith.andi %ne3A_258, %ne3A_263 : vector<16xi1>
    %sub3A_265 = arith.constant 1 : i32
    %sub3A_266 = vector.broadcast %sub3A_265 : i32 to vector<16xi32>
    %sub3A_267 = arith.subi %div3A_240, %sub3A_266 : vector<16xi32>
    %select_n3A_268 = arith.select %and3A_264, %sub3A_267, %div3A_240 : vector<16xi1>, vector<16xi32>
    %mul3A_269 = arith.constant 8 : i32
    %mul3A_270 = vector.broadcast %mul3A_269 : i32 to vector<16xi32>
    %mul3A_271 = arith.muli %select_n3A_268, %mul3A_270 : vector<16xi32>
    %jit3A_272 = arith.constant 17 : i32
    %eq3A_273 = arith.constant 0 : i32
    %eq3A_274 = arith.cmpi eq, %jit3A_272, %eq3A_273 : i32
    %jit3A_275 = arith.constant 1 : i32
    %select_n3A_276 = arith.select %eq3A_274, %jit3A_275, %jit3A_272 : i32
    %rem3A_277 = vector.broadcast %select_n3A_276 : i32 to vector<16xi32>
    %rem3A_278 = arith.remsi %add3A_237, %rem3A_277 : vector<16xi32>
    %ne3A_279 = arith.constant 0 : i32
    %ne3A_280 = vector.broadcast %ne3A_279 : i32 to vector<16xi32>
    %ne3A_281 = arith.cmpi ne, %rem3A_278, %ne3A_280 : vector<16xi32>
    %lt3A_282 = arith.constant 0 : i32
    %lt3A_283 = vector.broadcast %lt3A_282 : i32 to vector<16xi32>
    %lt3A_284 = arith.cmpi slt, %rem3A_278, %lt3A_283 : vector<16xi32>
    %lt3A_285 = arith.constant 0 : i32
    %lt3A_286 = arith.cmpi slt, %select_n3A_276, %lt3A_285 : i32
    %ne3A_287 = vector.broadcast %lt3A_286 : i1 to vector<16xi1>
    %ne3A_288 = vector.broadcast %ne3A_287 : vector<16xi1> to vector<16xi1>
    %ne3A_289 = arith.xori %lt3A_284, %ne3A_288 : vector<16xi1>
    %and3A_290 = arith.andi %ne3A_289, %ne3A_281 : vector<16xi1>
    %add3A_291 = vector.broadcast %select_n3A_276 : i32 to vector<16xi32>
    %add3A_292 = arith.addi %rem3A_278, %add3A_291 : vector<16xi32>
    %select_n3A_293 = arith.select %and3A_290, %add3A_292, %rem3A_278 : vector<16xi1>, vector<16xi32>
    %min3A_294 = arith.constant 7 : i32
    %min3A_295 = vector.broadcast %min3A_294 : i32 to vector<16xi32>
    %min3A_296 = arith.minsi %select_n3A_293, %min3A_295 : vector<16xi32>
    %add3A_297 = arith.addi %mul3A_271, %min3A_296 : vector<16xi32>
    %min3A_298 = arith.constant 263 : i32
    %min3A_299 = vector.broadcast %min3A_298 : i32 to vector<16xi32>
    %min3A_300 = arith.minsi %add3A_297, %min3A_299 : vector<16xi32>
    %gather3A_301 = tpu.vector_load_idx %arg5[%min3A_300] : memref<264xf32, #tpu.memory_space<vmem>>[vector<16xi32>], vector<16xf32>,
    %swap3A_302 = arith.constant 48 : index
    %swap3A_303 = tpu.vector_load %arg6[%swap3A_302] {strides = array<i32>} : memref<576xf32, #tpu.memory_space<vmem>>, vector<16xf32>,
    tpu.vector_store %arg6[%swap3A_302], %gather3A_301 {strides = array<i32>} : memref<576xf32, #tpu.memory_space<vmem>>, vector<16xf32>,
    %add3A_304 = arith.constant 64 : i32
    %add3A_305 = vector.broadcast %add3A_304 : i32 to vector<16xi32>
    %add3A_306 = arith.addi %add3A_305, %iota3A : vector<16xi32>
    %jit3A_307 = arith.constant 17 : i32
    %div3A_308 = vector.broadcast %jit3A_307 : i32 to vector<16xi32>
    %div3A_309 = arith.divsi %add3A_306, %div3A_308 : vector<16xi32>
    %sign3A_310 = arith.constant 0 : i32
    %sign3A_311 = vector.broadcast %sign3A_310 : i32 to vector<16xi32>
    %sign3A_312 = arith.cmpi sgt, %add3A_306, %sign3A_311 : vector<16xi32>
    %sign3A_313 = arith.extui %sign3A_312 : vector<16xi1> to vector<16xi32>
    %sign3A_314 = arith.constant 0 : i32
    %sign3A_315 = vector.broadcast %sign3A_314 : i32 to vector<16xi32>
    %sign3A_316 = arith.cmpi slt, %add3A_306, %sign3A_315 : vector<16xi32>
    %sign3A_317 = arith.extui %sign3A_316 : vector<16xi1> to vector<16xi32>
    %sign3A_318 = arith.subi %sign3A_313, %sign3A_317 : vector<16xi32>
    %sign3A_319 = arith.constant 0 : i32
    %sign3A_320 = arith.cmpi sgt, %jit3A_307, %sign3A_319 : i32
    %sign3A_321 = arith.extui %sign3A_320 : i1 to i32
    %sign3A_322 = arith.constant 0 : i32
    %sign3A_323 = arith.cmpi slt, %jit3A_307, %sign3A_322 : i32
    %sign3A_324 = arith.extui %sign3A_323 : i1 to i32
    %sign3A_325 = arith.subi %sign3A_321, %sign3A_324 : i32
    %ne3A_326 = vector.broadcast %sign3A_325 : i32 to vector<16xi32>
    %ne3A_327 = arith.cmpi ne, %sign3A_318, %ne3A_326 : vector<16xi32>
    %rem3A_328 = vector.broadcast %jit3A_307 : i32 to vector<16xi32>
    %rem3A_329 = arith.remsi %add3A_306, %rem3A_328 : vector<16xi32>
    %ne3A_330 = arith.constant 0 : i32
    %ne3A_331 = vector.broadcast %ne3A_330 : i32 to vector<16xi32>
    %ne3A_332 = arith.cmpi ne, %rem3A_329, %ne3A_331 : vector<16xi32>
    %and3A_333 = arith.andi %ne3A_327, %ne3A_332 : vector<16xi1>
    %sub3A_334 = arith.constant 1 : i32
    %sub3A_335 = vector.broadcast %sub3A_334 : i32 to vector<16xi32>
    %sub3A_336 = arith.subi %div3A_309, %sub3A_335 : vector<16xi32>
    %select_n3A_337 = arith.select %and3A_333, %sub3A_336, %div3A_309 : vector<16xi1>, vector<16xi32>
    %mul3A_338 = arith.constant 8 : i32
    %mul3A_339 = vector.broadcast %mul3A_338 : i32 to vector<16xi32>
    %mul3A_340 = arith.muli %select_n3A_337, %mul3A_339 : vector<16xi32>
    %jit3A_341 = arith.constant 17 : i32
    %eq3A_342 = arith.constant 0 : i32
    %eq3A_343 = arith.cmpi eq, %jit3A_341, %eq3A_342 : i32
    %jit3A_344 = arith.constant 1 : i32
    %select_n3A_345 = arith.select %eq3A_343, %jit3A_344, %jit3A_341 : i32
    %rem3A_346 = vector.broadcast %select_n3A_345 : i32 to vector<16xi32>
    %rem3A_347 = arith.remsi %add3A_306, %rem3A_346 : vector<16xi32>
    %ne3A_348 = arith.constant 0 : i32
    %ne3A_349 = vector.broadcast %ne3A_348 : i32 to vector<16xi32>
    %ne3A_350 = arith.cmpi ne, %rem3A_347, %ne3A_349 : vector<16xi32>
    %lt3A_351 = arith.constant 0 : i32
    %lt3A_352 = vector.broadcast %lt3A_351 : i32 to vector<16xi32>
    %lt3A_353 = arith.cmpi slt, %rem3A_347, %lt3A_352 : vector<16xi32>
    %lt3A_354 = arith.constant 0 : i32
    %lt3A_355 = arith.cmpi slt, %select_n3A_345, %lt3A_354 : i32
    %ne3A_356 = vector.broadcast %lt3A_355 : i1 to vector<16xi1>
    %ne3A_357 = vector.broadcast %ne3A_356 : vector<16xi1> to vector<16xi1>
    %ne3A_358 = arith.xori %lt3A_353, %ne3A_357 : vector<16xi1>
    %and3A_359 = arith.andi %ne3A_358, %ne3A_350 : vector<16xi1>
    %add3A_360 = vector.broadcast %select_n3A_345 : i32 to vector<16xi32>
    %add3A_361 = arith.addi %rem3A_347, %add3A_360 : vector<16xi32>
    %select_n3A_362 = arith.select %and3A_359, %add3A_361, %rem3A_347 : vector<16xi1>, vector<16xi32>
    %min3A_363 = arith.constant 7 : i32
    %min3A_364 = vector.broadcast %min3A_363 : i32 to vector<16xi32>
    %min3A_365 = arith.minsi %select_n3A_362, %min3A_364 : vector<16xi32>
    %add3A_366 = arith.addi %mul3A_340, %min3A_365 : vector<16xi32>
    %min3A_367 = arith.constant 263 : i32
    %min3A_368 = vector.broadcast %min3A_367 : i32 to vector<16xi32>
    %min3A_369 = arith.minsi %add3A_366, %min3A_368 : vector<16xi32>
    %gather3A_370 = tpu.vector_load_idx %arg5[%min3A_369] : memref<264xf32, #tpu.memory_space<vmem>>[vector<16xi32>], vector<16xf32>,
    %swap3A_371 = arith.constant 64 : index
    %swap3A_372 = tpu.vector_load %arg6[%swap3A_371] {strides = array<i32>} : memref<576xf32, #tpu.memory_space<vmem>>, vector<16xf32>,
    tpu.vector_store %arg6[%swap3A_371], %gather3A_370 {strides = array<i32>} : memref<576xf32, #tpu.memory_space<vmem>>, vector<16xf32>,
    %add3A_373 = arith.constant 80 : i32
    %add3A_374 = vector.broadcast %add3A_373 : i32 to vector<16xi32>
    %add3A_375 = arith.addi %add3A_374, %iota3A : vector<16xi32>
    %jit3A_376 = arith.constant 17 : i32
    %div3A_377 = vector.broadcast %jit3A_376 : i32 to vector<16xi32>
    %div3A_378 = arith.divsi %add3A_375, %div3A_377 : vector<16xi32>
    %sign3A_379 = arith.constant 0 : i32
    %sign3A_380 = vector.broadcast %sign3A_379 : i32 to vector<16xi32>
    %sign3A_381 = arith.cmpi sgt, %add3A_375, %sign3A_380 : vector<16xi32>
    %sign3A_382 = arith.extui %sign3A_381 : vector<16xi1> to vector<16xi32>
    %sign3A_383 = arith.constant 0 : i32
    %sign3A_384 = vector.broadcast %sign3A_383 : i32 to vector<16xi32>
    %sign3A_385 = arith.cmpi slt, %add3A_375, %sign3A_384 : vector<16xi32>
    %sign3A_386 = arith.extui %sign3A_385 : vector<16xi1> to vector<16xi32>
    %sign3A_387 = arith.subi %sign3A_382, %sign3A_386 : vector<16xi32>
    %sign3A_388 = arith.constant 0 : i32
    %sign3A_389 = arith.cmpi sgt, %jit3A_376, %sign3A_388 : i32
    %sign3A_390 = arith.extui %sign3A_389 : i1 to i32
    %sign3A_391 = arith.constant 0 : i32
    %sign3A_392 = arith.cmpi slt, %jit3A_376, %sign3A_391 : i32
    %sign3A_393 = arith.extui %sign3A_392 : i1 to i32
    %sign3A_394 = arith.subi %sign3A_390, %sign3A_393 : i32
    %ne3A_395 = vector.broadcast %sign3A_394 : i32 to vector<16xi32>
    %ne3A_396 = arith.cmpi ne, %sign3A_387, %ne3A_395 : vector<16xi32>
    %rem3A_397 = vector.broadcast %jit3A_376 : i32 to vector<16xi32>
    %rem3A_398 = arith.remsi %add3A_375, %rem3A_397 : vector<16xi32>
    %ne3A_399 = arith.constant 0 : i32
    %ne3A_400 = vector.broadcast %ne3A_399 : i32 to vector<16xi32>
    %ne3A_401 = arith.cmpi ne, %rem3A_398, %ne3A_400 : vector<16xi32>
    %and3A_402 = arith.andi %ne3A_396, %ne3A_401 : vector<16xi1>
    %sub3A_403 = arith.constant 1 : i32
    %sub3A_404 = vector.broadcast %sub3A_403 : i32 to vector<16xi32>
    %sub3A_405 = arith.subi %div3A_378, %sub3A_404 : vector<16xi32>
    %select_n3A_406 = arith.select %and3A_402, %sub3A_405, %div3A_378 : vector<16xi1>, vector<16xi32>
    %mul3A_407 = arith.constant 8 : i32
    %mul3A_408 = vector.broadcast %mul3A_407 : i32 to vector<16xi32>
    %mul3A_409 = arith.muli %select_n3A_406, %mul3A_408 : vector<16xi32>
    %jit3A_410 = arith.constant 17 : i32
    %eq3A_411 = arith.constant 0 : i32
    %eq3A_412 = arith.cmpi eq, %jit3A_410, %eq3A_411 : i32
    %jit3A_413 = arith.constant 1 : i32
    %select_n3A_414 = arith.select %eq3A_412, %jit3A_413, %jit3A_410 : i32
    %rem3A_415 = vector.broadcast %select_n3A_414 : i32 to vector<16xi32>
    %rem3A_416 = arith.remsi %add3A_375, %rem3A_415 : vector<16xi32>
    %ne3A_417 = arith.constant 0 : i32
    %ne3A_418 = vector.broadcast %ne3A_417 : i32 to vector<16xi32>
    %ne3A_419 = arith.cmpi ne, %rem3A_416, %ne3A_418 : vector<16xi32>
    %lt3A_420 = arith.constant 0 : i32
    %lt3A_421 = vector.broadcast %lt3A_420 : i32 to vector<16xi32>
    %lt3A_422 = arith.cmpi slt, %rem3A_416, %lt3A_421 : vector<16xi32>
    %lt3A_423 = arith.constant 0 : i32
    %lt3A_424 = arith.cmpi slt, %select_n3A_414, %lt3A_423 : i32
    %ne3A_425 = vector.broadcast %lt3A_424 : i1 to vector<16xi1>
    %ne3A_426 = vector.broadcast %ne3A_425 : vector<16xi1> to vector<16xi1>
    %ne3A_427 = arith.xori %lt3A_422, %ne3A_426 : vector<16xi1>
    %and3A_428 = arith.andi %ne3A_427, %ne3A_419 : vector<16xi1>
    %add3A_429 = vector.broadcast %select_n3A_414 : i32 to vector<16xi32>
    %add3A_430 = arith.addi %rem3A_416, %add3A_429 : vector<16xi32>
    %select_n3A_431 = arith.select %and3A_428, %add3A_430, %rem3A_416 : vector<16xi1>, vector<16xi32>
    %min3A_432 = arith.constant 7 : i32
    %min3A_433 = vector.broadcast %min3A_432 : i32 to vector<16xi32>
    %min3A_434 = arith.minsi %select_n3A_431, %min3A_433 : vector<16xi32>
    %add3A_435 = arith.addi %mul3A_409, %min3A_434 : vector<16xi32>
    %min3A_436 = arith.constant 263 : i32
    %min3A_437 = vector.broadcast %min3A_436 : i32 to vector<16xi32>
    %min3A_438 = arith.minsi %add3A_435, %min3A_437 : vector<16xi32>
    %gather3A_439 = tpu.vector_load_idx %arg5[%min3A_438] : memref<264xf32, #tpu.memory_space<vmem>>[vector<16xi32>], vector<16xf32>,
    %swap3A_440 = arith.constant 80 : index
    %swap3A_441 = tpu.vector_load %arg6[%swap3A_440] {strides = array<i32>} : memref<576xf32, #tpu.memory_space<vmem>>, vector<16xf32>,
    tpu.vector_store %arg6[%swap3A_440], %gather3A_439 {strides = array<i32>} : memref<576xf32, #tpu.memory_space<vmem>>, vector<16xf32>,
    %add3A_442 = arith.constant 96 : i32
    %add3A_443 = vector.broadcast %add3A_442 : i32 to vector<16xi32>
    %add3A_444 = arith.addi %add3A_443, %iota3A : vector<16xi32>
    %jit3A_445 = arith.constant 17 : i32
    %div3A_446 = vector.broadcast %jit3A_445 : i32 to vector<16xi32>
    %div3A_447 = arith.divsi %add3A_444, %div3A_446 : vector<16xi32>
    %sign3A_448 = arith.constant 0 : i32
    %sign3A_449 = vector.broadcast %sign3A_448 : i32 to vector<16xi32>
    %sign3A_450 = arith.cmpi sgt, %add3A_444, %sign3A_449 : vector<16xi32>
    %sign3A_451 = arith.extui %sign3A_450 : vector<16xi1> to vector<16xi32>
    %sign3A_452 = arith.constant 0 : i32
    %sign3A_453 = vector.broadcast %sign3A_452 : i32 to vector<16xi32>
    %sign3A_454 = arith.cmpi slt, %add3A_444, %sign3A_453 : vector<16xi32>
    %sign3A_455 = arith.extui %sign3A_454 : vector<16xi1> to vector<16xi32>
    %sign3A_456 = arith.subi %sign3A_451, %sign3A_455 : vector<16xi32>
    %sign3A_457 = arith.constant 0 : i32
    %sign3A_458 = arith.cmpi sgt, %jit3A_445, %sign3A_457 : i32
    %sign3A_459 = arith.extui %sign3A_458 : i1 to i32
    %sign3A_460 = arith.constant 0 : i32
    %sign3A_461 = arith.cmpi slt, %jit3A_445, %sign3A_460 : i32
    %sign3A_462 = arith.extui %sign3A_461 : i1 to i32
    %sign3A_463 = arith.subi %sign3A_459, %sign3A_462 : i32
    %ne3A_464 = vector.broadcast %sign3A_463 : i32 to vector<16xi32>
    %ne3A_465 = arith.cmpi ne, %sign3A_456, %ne3A_464 : vector<16xi32>
    %rem3A_466 = vector.broadcast %jit3A_445 : i32 to vector<16xi32>
    %rem3A_467 = arith.remsi %add3A_444, %rem3A_466 : vector<16xi32>
    %ne3A_468 = arith.constant 0 : i32
    %ne3A_469 = vector.broadcast %ne3A_468 : i32 to vector<16xi32>
    %ne3A_470 = arith.cmpi ne, %rem3A_467, %ne3A_469 : vector<16xi32>
    %and3A_471 = arith.andi %ne3A_465, %ne3A_470 : vector<16xi1>
    %sub3A_472 = arith.constant 1 : i32
    %sub3A_473 = vector.broadcast %sub3A_472 : i32 to vector<16xi32>
    %sub3A_474 = arith.subi %div3A_447, %sub3A_473 : vector<16xi32>
    %select_n3A_475 = arith.select %and3A_471, %sub3A_474, %div3A_447 : vector<16xi1>, vector<16xi32>
    %mul3A_476 = arith.constant 8 : i32
    %mul3A_477 = vector.broadcast %mul3A_476 : i32 to vector<16xi32>
    %mul3A_478 = arith.muli %select_n3A_475, %mul3A_477 : vector<16xi32>
    %jit3A_479 = arith.constant 17 : i32
    %eq3A_480 = arith.constant 0 : i32
    %eq3A_481 = arith.cmpi eq, %jit3A_479, %eq3A_480 : i32
    %jit3A_482 = arith.constant 1 : i32
    %select_n3A_483 = arith.select %eq3A_481, %jit3A_482, %jit3A_479 : i32
    %rem3A_484 = vector.broadcast %select_n3A_483 : i32 to vector<16xi32>
    %rem3A_485 = arith.remsi %add3A_444, %rem3A_484 : vector<16xi32>
    %ne3A_486 = arith.constant 0 : i32
    %ne3A_487 = vector.broadcast %ne3A_486 : i32 to vector<16xi32>
    %ne3A_488 = arith.cmpi ne, %rem3A_485, %ne3A_487 : vector<16xi32>
    %lt3A_489 = arith.constant 0 : i32
    %lt3A_490 = vector.broadcast %lt3A_489 : i32 to vector<16xi32>
    %lt3A_491 = arith.cmpi slt, %rem3A_485, %lt3A_490 : vector<16xi32>
    %lt3A_492 = arith.constant 0 : i32
    %lt3A_493 = arith.cmpi slt, %select_n3A_483, %lt3A_492 : i32
    %ne3A_494 = vector.broadcast %lt3A_493 : i1 to vector<16xi1>
    %ne3A_495 = vector.broadcast %ne3A_494 : vector<16xi1> to vector<16xi1>
    %ne3A_496 = arith.xori %lt3A_491, %ne3A_495 : vector<16xi1>
    %and3A_497 = arith.andi %ne3A_496, %ne3A_488 : vector<16xi1>
    %add3A_498 = vector.broadcast %select_n3A_483 : i32 to vector<16xi32>
    %add3A_499 = arith.addi %rem3A_485, %add3A_498 : vector<16xi32>
    %select_n3A_500 = arith.select %and3A_497, %add3A_499, %rem3A_485 : vector<16xi1>, vector<16xi32>
    %min3A_501 = arith.constant 7 : i32
    %min3A_502 = vector.broadcast %min3A_501 : i32 to vector<16xi32>
    %min3A_503 = arith.minsi %select_n3A_500, %min3A_502 : vector<16xi32>
    %add3A_504 = arith.addi %mul3A_478, %min3A_503 : vector<16xi32>
    %min3A_505 = arith.constant 263 : i32
    %min3A_506 = vector.broadcast %min3A_505 : i32 to vector<16xi32>
    %min3A_507 = arith.minsi %add3A_504, %min3A_506 : vector<16xi32>
    %gather3A_508 = tpu.vector_load_idx %arg5[%min3A_507] : memref<264xf32, #tpu.memory_space<vmem>>[vector<16xi32>], vector<16xf32>,
    %swap3A_509 = arith.constant 96 : index
    %swap3A_510 = tpu.vector_load %arg6[%swap3A_509] {strides = array<i32>} : memref<576xf32, #tpu.memory_space<vmem>>, vector<16xf32>,
    tpu.vector_store %arg6[%swap3A_509], %gather3A_508 {strides = array<i32>} : memref<576xf32, #tpu.memory_space<vmem>>, vector<16xf32>,
    %add3A_511 = arith.constant 112 : i32
    %add3A_512 = vector.broadcast %add3A_511 : i32 to vector<16xi32>
    %add3A_513 = arith.addi %add3A_512, %iota3A : vector<16xi32>
    %jit3A_514 = arith.constant 17 : i32
    %div3A_515 = vector.broadcast %jit3A_514 : i32 to vector<16xi32>
    %div3A_516 = arith.divsi %add3A_513, %div3A_515 : vector<16xi32>
    %sign3A_517 = arith.constant 0 : i32
    %sign3A_518 = vector.broadcast %sign3A_517 : i32 to vector<16xi32>
    %sign3A_519 = arith.cmpi sgt, %add3A_513, %sign3A_518 : vector<16xi32>
    %sign3A_520 = arith.extui %sign3A_519 : vector<16xi1> to vector<16xi32>
    %sign3A_521 = arith.constant 0 : i32
    %sign3A_522 = vector.broadcast %sign3A_521 : i32 to vector<16xi32>
    %sign3A_523 = arith.cmpi slt, %add3A_513, %sign3A_522 : vector<16xi32>
    %sign3A_524 = arith.extui %sign3A_523 : vector<16xi1> to vector<16xi32>
    %sign3A_525 = arith.subi %sign3A_520, %sign3A_524 : vector<16xi32>
    %sign3A_526 = arith.constant 0 : i32
    %sign3A_527 = arith.cmpi sgt, %jit3A_514, %sign3A_526 : i32
    %sign3A_528 = arith.extui %sign3A_527 : i1 to i32
    %sign3A_529 = arith.constant 0 : i32
    %sign3A_530 = arith.cmpi slt, %jit3A_514, %sign3A_529 : i32
    %sign3A_531 = arith.extui %sign3A_530 : i1 to i32
    %sign3A_532 = arith.subi %sign3A_528, %sign3A_531 : i32
    %ne3A_533 = vector.broadcast %sign3A_532 : i32 to vector<16xi32>
    %ne3A_534 = arith.cmpi ne, %sign3A_525, %ne3A_533 : vector<16xi32>
    %rem3A_535 = vector.broadcast %jit3A_514 : i32 to vector<16xi32>
    %rem3A_536 = arith.remsi %add3A_513, %rem3A_535 : vector<16xi32>
    %ne3A_537 = arith.constant 0 : i32
    %ne3A_538 = vector.broadcast %ne3A_537 : i32 to vector<16xi32>
    %ne3A_539 = arith.cmpi ne, %rem3A_536, %ne3A_538 : vector<16xi32>
    %and3A_540 = arith.andi %ne3A_534, %ne3A_539 : vector<16xi1>
    %sub3A_541 = arith.constant 1 : i32
    %sub3A_542 = vector.broadcast %sub3A_541 : i32 to vector<16xi32>
    %sub3A_543 = arith.subi %div3A_516, %sub3A_542 : vector<16xi32>
    %select_n3A_544 = arith.select %and3A_540, %sub3A_543, %div3A_516 : vector<16xi1>, vector<16xi32>
    %mul3A_545 = arith.constant 8 : i32
    %mul3A_546 = vector.broadcast %mul3A_545 : i32 to vector<16xi32>
    %mul3A_547 = arith.muli %select_n3A_544, %mul3A_546 : vector<16xi32>
    %jit3A_548 = arith.constant 17 : i32
    %eq3A_549 = arith.constant 0 : i32
    %eq3A_550 = arith.cmpi eq, %jit3A_548, %eq3A_549 : i32
    %jit3A_551 = arith.constant 1 : i32
    %select_n3A_552 = arith.select %eq3A_550, %jit3A_551, %jit3A_548 : i32
    %rem3A_553 = vector.broadcast %select_n3A_552 : i32 to vector<16xi32>
    %rem3A_554 = arith.remsi %add3A_513, %rem3A_553 : vector<16xi32>
    %ne3A_555 = arith.constant 0 : i32
    %ne3A_556 = vector.broadcast %ne3A_555 : i32 to vector<16xi32>
    %ne3A_557 = arith.cmpi ne, %rem3A_554, %ne3A_556 : vector<16xi32>
    %lt3A_558 = arith.constant 0 : i32
    %lt3A_559 = vector.broadcast %lt3A_558 : i32 to vector<16xi32>
    %lt3A_560 = arith.cmpi slt, %rem3A_554, %lt3A_559 : vector<16xi32>
    %lt3A_561 = arith.constant 0 : i32
    %lt3A_562 = arith.cmpi slt, %select_n3A_552, %lt3A_561 : i32
    %ne3A_563 = vector.broadcast %lt3A_562 : i1 to vector<16xi1>
    %ne3A_564 = vector.broadcast %ne3A_563 : vector<16xi1> to vector<16xi1>
    %ne3A_565 = arith.xori %lt3A_560, %ne3A_564 : vector<16xi1>
    %and3A_566 = arith.andi %ne3A_565, %ne3A_557 : vector<16xi1>
    %add3A_567 = vector.broadcast %select_n3A_552 : i32 to vector<16xi32>
    %add3A_568 = arith.addi %rem3A_554, %add3A_567 : vector<16xi32>
    %select_n3A_569 = arith.select %and3A_566, %add3A_568, %rem3A_554 : vector<16xi1>, vector<16xi32>
    %min3A_570 = arith.constant 7 : i32
    %min3A_571 = vector.broadcast %min3A_570 : i32 to vector<16xi32>
    %min3A_572 = arith.minsi %select_n3A_569, %min3A_571 : vector<16xi32>
    %add3A_573 = arith.addi %mul3A_547, %min3A_572 : vector<16xi32>
    %min3A_574 = arith.constant 263 : i32
    %min3A_575 = vector.broadcast %min3A_574 : i32 to vector<16xi32>
    %min3A_576 = arith.minsi %add3A_573, %min3A_575 : vector<16xi32>
    %gather3A_577 = tpu.vector_load_idx %arg5[%min3A_576] : memref<264xf32, #tpu.memory_space<vmem>>[vector<16xi32>], vector<16xf32>,
    %swap3A_578 = arith.constant 112 : index
    %swap3A_579 = tpu.vector_load %arg6[%swap3A_578] {strides = array<i32>} : memref<576xf32, #tpu.memory_space<vmem>>, vector<16xf32>,
    tpu.vector_store %arg6[%swap3A_578], %gather3A_577 {strides = array<i32>} : memref<576xf32, #tpu.memory_space<vmem>>, vector<16xf32>,
    %add3A_580 = arith.constant 128 : i32
    %add3A_581 = vector.broadcast %add3A_580 : i32 to vector<16xi32>
    %add3A_582 = arith.addi %add3A_581, %iota3A : vector<16xi32>
    %jit3A_583 = arith.constant 17 : i32
    %div3A_584 = vector.broadcast %jit3A_583 : i32 to vector<16xi32>
    %div3A_585 = arith.divsi %add3A_582, %div3A_584 : vector<16xi32>
    %sign3A_586 = arith.constant 0 : i32
    %sign3A_587 = vector.broadcast %sign3A_586 : i32 to vector<16xi32>
    %sign3A_588 = arith.cmpi sgt, %add3A_582, %sign3A_587 : vector<16xi32>
    %sign3A_589 = arith.extui %sign3A_588 : vector<16xi1> to vector<16xi32>
    %sign3A_590 = arith.constant 0 : i32
    %sign3A_591 = vector.broadcast %sign3A_590 : i32 to vector<16xi32>
    %sign3A_592 = arith.cmpi slt, %add3A_582, %sign3A_591 : vector<16xi32>
    %sign3A_593 = arith.extui %sign3A_592 : vector<16xi1> to vector<16xi32>
    %sign3A_594 = arith.subi %sign3A_589, %sign3A_593 : vector<16xi32>
    %sign3A_595 = arith.constant 0 : i32
    %sign3A_596 = arith.cmpi sgt, %jit3A_583, %sign3A_595 : i32
    %sign3A_597 = arith.extui %sign3A_596 : i1 to i32
    %sign3A_598 = arith.constant 0 : i32
    %sign3A_599 = arith.cmpi slt, %jit3A_583, %sign3A_598 : i32
    %sign3A_600 = arith.extui %sign3A_599 : i1 to i32
    %sign3A_601 = arith.subi %sign3A_597, %sign3A_600 : i32
    %ne3A_602 = vector.broadcast %sign3A_601 : i32 to vector<16xi32>
    %ne3A_603 = arith.cmpi ne, %sign3A_594, %ne3A_602 : vector<16xi32>
    %rem3A_604 = vector.broadcast %jit3A_583 : i32 to vector<16xi32>
    %rem3A_605 = arith.remsi %add3A_582, %rem3A_604 : vector<16xi32>
    %ne3A_606 = arith.constant 0 : i32
    %ne3A_607 = vector.broadcast %ne3A_606 : i32 to vector<16xi32>
    %ne3A_608 = arith.cmpi ne, %rem3A_605, %ne3A_607 : vector<16xi32>
    %and3A_609 = arith.andi %ne3A_603, %ne3A_608 : vector<16xi1>
    %sub3A_610 = arith.constant 1 : i32
    %sub3A_611 = vector.broadcast %sub3A_610 : i32 to vector<16xi32>
    %sub3A_612 = arith.subi %div3A_585, %sub3A_611 : vector<16xi32>
    %select_n3A_613 = arith.select %and3A_609, %sub3A_612, %div3A_585 : vector<16xi1>, vector<16xi32>
    %mul3A_614 = arith.constant 8 : i32
    %mul3A_615 = vector.broadcast %mul3A_614 : i32 to vector<16xi32>
    %mul3A_616 = arith.muli %select_n3A_613, %mul3A_615 : vector<16xi32>
    %jit3A_617 = arith.constant 17 : i32
    %eq3A_618 = arith.constant 0 : i32
    %eq3A_619 = arith.cmpi eq, %jit3A_617, %eq3A_618 : i32
    %jit3A_620 = arith.constant 1 : i32
    %select_n3A_621 = arith.select %eq3A_619, %jit3A_620, %jit3A_617 : i32
    %rem3A_622 = vector.broadcast %select_n3A_621 : i32 to vector<16xi32>
    %rem3A_623 = arith.remsi %add3A_582, %rem3A_622 : vector<16xi32>
    %ne3A_624 = arith.constant 0 : i32
    %ne3A_625 = vector.broadcast %ne3A_624 : i32 to vector<16xi32>
    %ne3A_626 = arith.cmpi ne, %rem3A_623, %ne3A_625 : vector<16xi32>
    %lt3A_627 = arith.constant 0 : i32
    %lt3A_628 = vector.broadcast %lt3A_627 : i32 to vector<16xi32>
    %lt3A_629 = arith.cmpi slt, %rem3A_623, %lt3A_628 : vector<16xi32>
    %lt3A_630 = arith.constant 0 : i32
    %lt3A_631 = arith.cmpi slt, %select_n3A_621, %lt3A_630 : i32
    %ne3A_632 = vector.broadcast %lt3A_631 : i1 to vector<16xi1>
    %ne3A_633 = vector.broadcast %ne3A_632 : vector<16xi1> to vector<16xi1>
    %ne3A_634 = arith.xori %lt3A_629, %ne3A_633 : vector<16xi1>
    %and3A_635 = arith.andi %ne3A_634, %ne3A_626 : vector<16xi1>
    %add3A_636 = vector.broadcast %select_n3A_621 : i32 to vector<16xi32>
    %add3A_637 = arith.addi %rem3A_623, %add3A_636 : vector<16xi32>
    %select_n3A_638 = arith.select %and3A_635, %add3A_637, %rem3A_623 : vector<16xi1>, vector<16xi32>
    %min3A_639 = arith.constant 7 : i32
    %min3A_640 = vector.broadcast %min3A_639 : i32 to vector<16xi32>
    %min3A_641 = arith.minsi %select_n3A_638, %min3A_640 : vector<16xi32>
    %add3A_642 = arith.addi %mul3A_616, %min3A_641 : vector<16xi32>
    %min3A_643 = arith.constant 263 : i32
    %min3A_644 = vector.broadcast %min3A_643 : i32 to vector<16xi32>
    %min3A_645 = arith.minsi %add3A_642, %min3A_644 : vector<16xi32>
    %gather3A_646 = tpu.vector_load_idx %arg5[%min3A_645] : memref<264xf32, #tpu.memory_space<vmem>>[vector<16xi32>], vector<16xf32>,
    %swap3A_647 = arith.constant 128 : index
    %swap3A_648 = tpu.vector_load %arg6[%swap3A_647] {strides = array<i32>} : memref<576xf32, #tpu.memory_space<vmem>>, vector<16xf32>,
    tpu.vector_store %arg6[%swap3A_647], %gather3A_646 {strides = array<i32>} : memref<576xf32, #tpu.memory_space<vmem>>, vector<16xf32>,
    %add3A_649 = arith.constant 144 : i32
    %add3A_650 = vector.broadcast %add3A_649 : i32 to vector<16xi32>
    %add3A_651 = arith.addi %add3A_650, %iota3A : vector<16xi32>
    %jit3A_652 = arith.constant 17 : i32
    %div3A_653 = vector.broadcast %jit3A_652 : i32 to vector<16xi32>
    %div3A_654 = arith.divsi %add3A_651, %div3A_653 : vector<16xi32>
    %sign3A_655 = arith.constant 0 : i32
    %sign3A_656 = vector.broadcast %sign3A_655 : i32 to vector<16xi32>
    %sign3A_657 = arith.cmpi sgt, %add3A_651, %sign3A_656 : vector<16xi32>
    %sign3A_658 = arith.extui %sign3A_657 : vector<16xi1> to vector<16xi32>
    %sign3A_659 = arith.constant 0 : i32
    %sign3A_660 = vector.broadcast %sign3A_659 : i32 to vector<16xi32>
    %sign3A_661 = arith.cmpi slt, %add3A_651, %sign3A_660 : vector<16xi32>
    %sign3A_662 = arith.extui %sign3A_661 : vector<16xi1> to vector<16xi32>
    %sign3A_663 = arith.subi %sign3A_658, %sign3A_662 : vector<16xi32>
    %sign3A_664 = arith.constant 0 : i32
    %sign3A_665 = arith.cmpi sgt, %jit3A_652, %sign3A_664 : i32
    %sign3A_666 = arith.extui %sign3A_665 : i1 to i32
    %sign3A_667 = arith.constant 0 : i32
    %sign3A_668 = arith.cmpi slt, %jit3A_652, %sign3A_667 : i32
    %sign3A_669 = arith.extui %sign3A_668 : i1 to i32
    %sign3A_670 = arith.subi %sign3A_666, %sign3A_669 : i32
    %ne3A_671 = vector.broadcast %sign3A_670 : i32 to vector<16xi32>
    %ne3A_672 = arith.cmpi ne, %sign3A_663, %ne3A_671 : vector<16xi32>
    %rem3A_673 = vector.broadcast %jit3A_652 : i32 to vector<16xi32>
    %rem3A_674 = arith.remsi %add3A_651, %rem3A_673 : vector<16xi32>
    %ne3A_675 = arith.constant 0 : i32
    %ne3A_676 = vector.broadcast %ne3A_675 : i32 to vector<16xi32>
    %ne3A_677 = arith.cmpi ne, %rem3A_674, %ne3A_676 : vector<16xi32>
    %and3A_678 = arith.andi %ne3A_672, %ne3A_677 : vector<16xi1>
    %sub3A_679 = arith.constant 1 : i32
    %sub3A_680 = vector.broadcast %sub3A_679 : i32 to vector<16xi32>
    %sub3A_681 = arith.subi %div3A_654, %sub3A_680 : vector<16xi32>
    %select_n3A_682 = arith.select %and3A_678, %sub3A_681, %div3A_654 : vector<16xi1>, vector<16xi32>
    %mul3A_683 = arith.constant 8 : i32
    %mul3A_684 = vector.broadcast %mul3A_683 : i32 to vector<16xi32>
    %mul3A_685 = arith.muli %select_n3A_682, %mul3A_684 : vector<16xi32>
    %jit3A_686 = arith.constant 17 : i32
    %eq3A_687 = arith.constant 0 : i32
    %eq3A_688 = arith.cmpi eq, %jit3A_686, %eq3A_687 : i32
    %jit3A_689 = arith.constant 1 : i32
    %select_n3A_690 = arith.select %eq3A_688, %jit3A_689, %jit3A_686 : i32
    %rem3A_691 = vector.broadcast %select_n3A_690 : i32 to vector<16xi32>
    %rem3A_692 = arith.remsi %add3A_651, %rem3A_691 : vector<16xi32>
    %ne3A_693 = arith.constant 0 : i32
    %ne3A_694 = vector.broadcast %ne3A_693 : i32 to vector<16xi32>
    %ne3A_695 = arith.cmpi ne, %rem3A_692, %ne3A_694 : vector<16xi32>
    %lt3A_696 = arith.constant 0 : i32
    %lt3A_697 = vector.broadcast %lt3A_696 : i32 to vector<16xi32>
    %lt3A_698 = arith.cmpi slt, %rem3A_692, %lt3A_697 : vector<16xi32>
    %lt3A_699 = arith.constant 0 : i32
    %lt3A_700 = arith.cmpi slt, %select_n3A_690, %lt3A_699 : i32
    %ne3A_701 = vector.broadcast %lt3A_700 : i1 to vector<16xi1>
    %ne3A_702 = vector.broadcast %ne3A_701 : vector<16xi1> to vector<16xi1>
    %ne3A_703 = arith.xori %lt3A_698, %ne3A_702 : vector<16xi1>
    %and3A_704 = arith.andi %ne3A_703, %ne3A_695 : vector<16xi1>
    %add3A_705 = vector.broadcast %select_n3A_690 : i32 to vector<16xi32>
    %add3A_706 = arith.addi %rem3A_692, %add3A_705 : vector<16xi32>
    %select_n3A_707 = arith.select %and3A_704, %add3A_706, %rem3A_692 : vector<16xi1>, vector<16xi32>
    %min3A_708 = arith.constant 7 : i32
    %min3A_709 = vector.broadcast %min3A_708 : i32 to vector<16xi32>
    %min3A_710 = arith.minsi %select_n3A_707, %min3A_709 : vector<16xi32>
    %add3A_711 = arith.addi %mul3A_685, %min3A_710 : vector<16xi32>
    %min3A_712 = arith.constant 263 : i32
    %min3A_713 = vector.broadcast %min3A_712 : i32 to vector<16xi32>
    %min3A_714 = arith.minsi %add3A_711, %min3A_713 : vector<16xi32>
    %gather3A_715 = tpu.vector_load_idx %arg5[%min3A_714] : memref<264xf32, #tpu.memory_space<vmem>>[vector<16xi32>], vector<16xf32>,
    %swap3A_716 = arith.constant 144 : index
    %swap3A_717 = tpu.vector_load %arg6[%swap3A_716] {strides = array<i32>} : memref<576xf32, #tpu.memory_space<vmem>>, vector<16xf32>,
    tpu.vector_store %arg6[%swap3A_716], %gather3A_715 {strides = array<i32>} : memref<576xf32, #tpu.memory_space<vmem>>, vector<16xf32>,
    %add3A_718 = arith.constant 160 : i32
    %add3A_719 = vector.broadcast %add3A_718 : i32 to vector<16xi32>
    %add3A_720 = arith.addi %add3A_719, %iota3A : vector<16xi32>
    %jit3A_721 = arith.constant 17 : i32
    %div3A_722 = vector.broadcast %jit3A_721 : i32 to vector<16xi32>
    %div3A_723 = arith.divsi %add3A_720, %div3A_722 : vector<16xi32>
    %sign3A_724 = arith.constant 0 : i32
    %sign3A_725 = vector.broadcast %sign3A_724 : i32 to vector<16xi32>
    %sign3A_726 = arith.cmpi sgt, %add3A_720, %sign3A_725 : vector<16xi32>
    %sign3A_727 = arith.extui %sign3A_726 : vector<16xi1> to vector<16xi32>
    %sign3A_728 = arith.constant 0 : i32
    %sign3A_729 = vector.broadcast %sign3A_728 : i32 to vector<16xi32>
    %sign3A_730 = arith.cmpi slt, %add3A_720, %sign3A_729 : vector<16xi32>
    %sign3A_731 = arith.extui %sign3A_730 : vector<16xi1> to vector<16xi32>
    %sign3A_732 = arith.subi %sign3A_727, %sign3A_731 : vector<16xi32>
    %sign3A_733 = arith.constant 0 : i32
    %sign3A_734 = arith.cmpi sgt, %jit3A_721, %sign3A_733 : i32
    %sign3A_735 = arith.extui %sign3A_734 : i1 to i32
    %sign3A_736 = arith.constant 0 : i32
    %sign3A_737 = arith.cmpi slt, %jit3A_721, %sign3A_736 : i32
    %sign3A_738 = arith.extui %sign3A_737 : i1 to i32
    %sign3A_739 = arith.subi %sign3A_735, %sign3A_738 : i32
    %ne3A_740 = vector.broadcast %sign3A_739 : i32 to vector<16xi32>
    %ne3A_741 = arith.cmpi ne, %sign3A_732, %ne3A_740 : vector<16xi32>
    %rem3A_742 = vector.broadcast %jit3A_721 : i32 to vector<16xi32>
    %rem3A_743 = arith.remsi %add3A_720, %rem3A_742 : vector<16xi32>
    %ne3A_744 = arith.constant 0 : i32
    %ne3A_745 = vector.broadcast %ne3A_744 : i32 to vector<16xi32>
    %ne3A_746 = arith.cmpi ne, %rem3A_743, %ne3A_745 : vector<16xi32>
    %and3A_747 = arith.andi %ne3A_741, %ne3A_746 : vector<16xi1>
    %sub3A_748 = arith.constant 1 : i32
    %sub3A_749 = vector.broadcast %sub3A_748 : i32 to vector<16xi32>
    %sub3A_750 = arith.subi %div3A_723, %sub3A_749 : vector<16xi32>
    %select_n3A_751 = arith.select %and3A_747, %sub3A_750, %div3A_723 : vector<16xi1>, vector<16xi32>
    %mul3A_752 = arith.constant 8 : i32
    %mul3A_753 = vector.broadcast %mul3A_752 : i32 to vector<16xi32>
    %mul3A_754 = arith.muli %select_n3A_751, %mul3A_753 : vector<16xi32>
    %jit3A_755 = arith.constant 17 : i32
    %eq3A_756 = arith.constant 0 : i32
    %eq3A_757 = arith.cmpi eq, %jit3A_755, %eq3A_756 : i32
    %jit3A_758 = arith.constant 1 : i32
    %select_n3A_759 = arith.select %eq3A_757, %jit3A_758, %jit3A_755 : i32
    %rem3A_760 = vector.broadcast %select_n3A_759 : i32 to vector<16xi32>
    %rem3A_761 = arith.remsi %add3A_720, %rem3A_760 : vector<16xi32>
    %ne3A_762 = arith.constant 0 : i32
    %ne3A_763 = vector.broadcast %ne3A_762 : i32 to vector<16xi32>
    %ne3A_764 = arith.cmpi ne, %rem3A_761, %ne3A_763 : vector<16xi32>
    %lt3A_765 = arith.constant 0 : i32
    %lt3A_766 = vector.broadcast %lt3A_765 : i32 to vector<16xi32>
    %lt3A_767 = arith.cmpi slt, %rem3A_761, %lt3A_766 : vector<16xi32>
    %lt3A_768 = arith.constant 0 : i32
    %lt3A_769 = arith.cmpi slt, %select_n3A_759, %lt3A_768 : i32
    %ne3A_770 = vector.broadcast %lt3A_769 : i1 to vector<16xi1>
    %ne3A_771 = vector.broadcast %ne3A_770 : vector<16xi1> to vector<16xi1>
    %ne3A_772 = arith.xori %lt3A_767, %ne3A_771 : vector<16xi1>
    %and3A_773 = arith.andi %ne3A_772, %ne3A_764 : vector<16xi1>
    %add3A_774 = vector.broadcast %select_n3A_759 : i32 to vector<16xi32>
    %add3A_775 = arith.addi %rem3A_761, %add3A_774 : vector<16xi32>
    %select_n3A_776 = arith.select %and3A_773, %add3A_775, %rem3A_761 : vector<16xi1>, vector<16xi32>
    %min3A_777 = arith.constant 7 : i32
    %min3A_778 = vector.broadcast %min3A_777 : i32 to vector<16xi32>
    %min3A_779 = arith.minsi %select_n3A_776, %min3A_778 : vector<16xi32>
    %add3A_780 = arith.addi %mul3A_754, %min3A_779 : vector<16xi32>
    %min3A_781 = arith.constant 263 : i32
    %min3A_782 = vector.broadcast %min3A_781 : i32 to vector<16xi32>
    %min3A_783 = arith.minsi %add3A_780, %min3A_782 : vector<16xi32>
    %gather3A_784 = tpu.vector_load_idx %arg5[%min3A_783] : memref<264xf32, #tpu.memory_space<vmem>>[vector<16xi32>], vector<16xf32>,
    %swap3A_785 = arith.constant 160 : index
    %swap3A_786 = tpu.vector_load %arg6[%swap3A_785] {strides = array<i32>} : memref<576xf32, #tpu.memory_space<vmem>>, vector<16xf32>,
    tpu.vector_store %arg6[%swap3A_785], %gather3A_784 {strides = array<i32>} : memref<576xf32, #tpu.memory_space<vmem>>, vector<16xf32>,
    %add3A_787 = arith.constant 176 : i32
    %add3A_788 = vector.broadcast %add3A_787 : i32 to vector<16xi32>
    %add3A_789 = arith.addi %add3A_788, %iota3A : vector<16xi32>
    %jit3A_790 = arith.constant 17 : i32
    %div3A_791 = vector.broadcast %jit3A_790 : i32 to vector<16xi32>
    %div3A_792 = arith.divsi %add3A_789, %div3A_791 : vector<16xi32>
    %sign3A_793 = arith.constant 0 : i32
    %sign3A_794 = vector.broadcast %sign3A_793 : i32 to vector<16xi32>
    %sign3A_795 = arith.cmpi sgt, %add3A_789, %sign3A_794 : vector<16xi32>
    %sign3A_796 = arith.extui %sign3A_795 : vector<16xi1> to vector<16xi32>
    %sign3A_797 = arith.constant 0 : i32
    %sign3A_798 = vector.broadcast %sign3A_797 : i32 to vector<16xi32>
    %sign3A_799 = arith.cmpi slt, %add3A_789, %sign3A_798 : vector<16xi32>
    %sign3A_800 = arith.extui %sign3A_799 : vector<16xi1> to vector<16xi32>
    %sign3A_801 = arith.subi %sign3A_796, %sign3A_800 : vector<16xi32>
    %sign3A_802 = arith.constant 0 : i32
    %sign3A_803 = arith.cmpi sgt, %jit3A_790, %sign3A_802 : i32
    %sign3A_804 = arith.extui %sign3A_803 : i1 to i32
    %sign3A_805 = arith.constant 0 : i32
    %sign3A_806 = arith.cmpi slt, %jit3A_790, %sign3A_805 : i32
    %sign3A_807 = arith.extui %sign3A_806 : i1 to i32
    %sign3A_808 = arith.subi %sign3A_804, %sign3A_807 : i32
    %ne3A_809 = vector.broadcast %sign3A_808 : i32 to vector<16xi32>
    %ne3A_810 = arith.cmpi ne, %sign3A_801, %ne3A_809 : vector<16xi32>
    %rem3A_811 = vector.broadcast %jit3A_790 : i32 to vector<16xi32>
    %rem3A_812 = arith.remsi %add3A_789, %rem3A_811 : vector<16xi32>
    %ne3A_813 = arith.constant 0 : i32
    %ne3A_814 = vector.broadcast %ne3A_813 : i32 to vector<16xi32>
    %ne3A_815 = arith.cmpi ne, %rem3A_812, %ne3A_814 : vector<16xi32>
    %and3A_816 = arith.andi %ne3A_810, %ne3A_815 : vector<16xi1>
    %sub3A_817 = arith.constant 1 : i32
    %sub3A_818 = vector.broadcast %sub3A_817 : i32 to vector<16xi32>
    %sub3A_819 = arith.subi %div3A_792, %sub3A_818 : vector<16xi32>
    %select_n3A_820 = arith.select %and3A_816, %sub3A_819, %div3A_792 : vector<16xi1>, vector<16xi32>
    %mul3A_821 = arith.constant 8 : i32
    %mul3A_822 = vector.broadcast %mul3A_821 : i32 to vector<16xi32>
    %mul3A_823 = arith.muli %select_n3A_820, %mul3A_822 : vector<16xi32>
    %jit3A_824 = arith.constant 17 : i32
    %eq3A_825 = arith.constant 0 : i32
    %eq3A_826 = arith.cmpi eq, %jit3A_824, %eq3A_825 : i32
    %jit3A_827 = arith.constant 1 : i32
    %select_n3A_828 = arith.select %eq3A_826, %jit3A_827, %jit3A_824 : i32
    %rem3A_829 = vector.broadcast %select_n3A_828 : i32 to vector<16xi32>
    %rem3A_830 = arith.remsi %add3A_789, %rem3A_829 : vector<16xi32>
    %ne3A_831 = arith.constant 0 : i32
    %ne3A_832 = vector.broadcast %ne3A_831 : i32 to vector<16xi32>
    %ne3A_833 = arith.cmpi ne, %rem3A_830, %ne3A_832 : vector<16xi32>
    %lt3A_834 = arith.constant 0 : i32
    %lt3A_835 = vector.broadcast %lt3A_834 : i32 to vector<16xi32>
    %lt3A_836 = arith.cmpi slt, %rem3A_830, %lt3A_835 : vector<16xi32>
    %lt3A_837 = arith.constant 0 : i32
    %lt3A_838 = arith.cmpi slt, %select_n3A_828, %lt3A_837 : i32
    %ne3A_839 = vector.broadcast %lt3A_838 : i1 to vector<16xi1>
    %ne3A_840 = vector.broadcast %ne3A_839 : vector<16xi1> to vector<16xi1>
    %ne3A_841 = arith.xori %lt3A_836, %ne3A_840 : vector<16xi1>
    %and3A_842 = arith.andi %ne3A_841, %ne3A_833 : vector<16xi1>
    %add3A_843 = vector.broadcast %select_n3A_828 : i32 to vector<16xi32>
    %add3A_844 = arith.addi %rem3A_830, %add3A_843 : vector<16xi32>
    %select_n3A_845 = arith.select %and3A_842, %add3A_844, %rem3A_830 : vector<16xi1>, vector<16xi32>
    %min3A_846 = arith.constant 7 : i32
    %min3A_847 = vector.broadcast %min3A_846 : i32 to vector<16xi32>
    %min3A_848 = arith.minsi %select_n3A_845, %min3A_847 : vector<16xi32>
    %add3A_849 = arith.addi %mul3A_823, %min3A_848 : vector<16xi32>
    %min3A_850 = arith.constant 263 : i32
    %min3A_851 = vector.broadcast %min3A_850 : i32 to vector<16xi32>
    %min3A_852 = arith.minsi %add3A_849, %min3A_851 : vector<16xi32>
    %gather3A_853 = tpu.vector_load_idx %arg5[%min3A_852] : memref<264xf32, #tpu.memory_space<vmem>>[vector<16xi32>], vector<16xf32>,
    %swap3A_854 = arith.constant 176 : index
    %swap3A_855 = tpu.vector_load %arg6[%swap3A_854] {strides = array<i32>} : memref<576xf32, #tpu.memory_space<vmem>>, vector<16xf32>,
    tpu.vector_store %arg6[%swap3A_854], %gather3A_853 {strides = array<i32>} : memref<576xf32, #tpu.memory_space<vmem>>, vector<16xf32>,
    %add3A_856 = arith.constant 192 : i32
    %add3A_857 = vector.broadcast %add3A_856 : i32 to vector<16xi32>
    %add3A_858 = arith.addi %add3A_857, %iota3A : vector<16xi32>
    %jit3A_859 = arith.constant 17 : i32
    %div3A_860 = vector.broadcast %jit3A_859 : i32 to vector<16xi32>
    %div3A_861 = arith.divsi %add3A_858, %div3A_860 : vector<16xi32>
    %sign3A_862 = arith.constant 0 : i32
    %sign3A_863 = vector.broadcast %sign3A_862 : i32 to vector<16xi32>
    %sign3A_864 = arith.cmpi sgt, %add3A_858, %sign3A_863 : vector<16xi32>
    %sign3A_865 = arith.extui %sign3A_864 : vector<16xi1> to vector<16xi32>
    %sign3A_866 = arith.constant 0 : i32
    %sign3A_867 = vector.broadcast %sign3A_866 : i32 to vector<16xi32>
    %sign3A_868 = arith.cmpi slt, %add3A_858, %sign3A_867 : vector<16xi32>
    %sign3A_869 = arith.extui %sign3A_868 : vector<16xi1> to vector<16xi32>
    %sign3A_870 = arith.subi %sign3A_865, %sign3A_869 : vector<16xi32>
    %sign3A_871 = arith.constant 0 : i32
    %sign3A_872 = arith.cmpi sgt, %jit3A_859, %sign3A_871 : i32
    %sign3A_873 = arith.extui %sign3A_872 : i1 to i32
    %sign3A_874 = arith.constant 0 : i32
    %sign3A_875 = arith.cmpi slt, %jit3A_859, %sign3A_874 : i32
    %sign3A_876 = arith.extui %sign3A_875 : i1 to i32
    %sign3A_877 = arith.subi %sign3A_873, %sign3A_876 : i32
    %ne3A_878 = vector.broadcast %sign3A_877 : i32 to vector<16xi32>
    %ne3A_879 = arith.cmpi ne, %sign3A_870, %ne3A_878 : vector<16xi32>
    %rem3A_880 = vector.broadcast %jit3A_859 : i32 to vector<16xi32>
    %rem3A_881 = arith.remsi %add3A_858, %rem3A_880 : vector<16xi32>
    %ne3A_882 = arith.constant 0 : i32
    %ne3A_883 = vector.broadcast %ne3A_882 : i32 to vector<16xi32>
    %ne3A_884 = arith.cmpi ne, %rem3A_881, %ne3A_883 : vector<16xi32>
    %and3A_885 = arith.andi %ne3A_879, %ne3A_884 : vector<16xi1>
    %sub3A_886 = arith.constant 1 : i32
    %sub3A_887 = vector.broadcast %sub3A_886 : i32 to vector<16xi32>
    %sub3A_888 = arith.subi %div3A_861, %sub3A_887 : vector<16xi32>
    %select_n3A_889 = arith.select %and3A_885, %sub3A_888, %div3A_861 : vector<16xi1>, vector<16xi32>
    %mul3A_890 = arith.constant 8 : i32
    %mul3A_891 = vector.broadcast %mul3A_890 : i32 to vector<16xi32>
    %mul3A_892 = arith.muli %select_n3A_889, %mul3A_891 : vector<16xi32>
    %jit3A_893 = arith.constant 17 : i32
    %eq3A_894 = arith.constant 0 : i32
    %eq3A_895 = arith.cmpi eq, %jit3A_893, %eq3A_894 : i32
    %jit3A_896 = arith.constant 1 : i32
    %select_n3A_897 = arith.select %eq3A_895, %jit3A_896, %jit3A_893 : i32
    %rem3A_898 = vector.broadcast %select_n3A_897 : i32 to vector<16xi32>
    %rem3A_899 = arith.remsi %add3A_858, %rem3A_898 : vector<16xi32>
    %ne3A_900 = arith.constant 0 : i32
    %ne3A_901 = vector.broadcast %ne3A_900 : i32 to vector<16xi32>
    %ne3A_902 = arith.cmpi ne, %rem3A_899, %ne3A_901 : vector<16xi32>
    %lt3A_903 = arith.constant 0 : i32
    %lt3A_904 = vector.broadcast %lt3A_903 : i32 to vector<16xi32>
    %lt3A_905 = arith.cmpi slt, %rem3A_899, %lt3A_904 : vector<16xi32>
    %lt3A_906 = arith.constant 0 : i32
    %lt3A_907 = arith.cmpi slt, %select_n3A_897, %lt3A_906 : i32
    %ne3A_908 = vector.broadcast %lt3A_907 : i1 to vector<16xi1>
    %ne3A_909 = vector.broadcast %ne3A_908 : vector<16xi1> to vector<16xi1>
    %ne3A_910 = arith.xori %lt3A_905, %ne3A_909 : vector<16xi1>
    %and3A_911 = arith.andi %ne3A_910, %ne3A_902 : vector<16xi1>
    %add3A_912 = vector.broadcast %select_n3A_897 : i32 to vector<16xi32>
    %add3A_913 = arith.addi %rem3A_899, %add3A_912 : vector<16xi32>
    %select_n3A_914 = arith.select %and3A_911, %add3A_913, %rem3A_899 : vector<16xi1>, vector<16xi32>
    %min3A_915 = arith.constant 7 : i32
    %min3A_916 = vector.broadcast %min3A_915 : i32 to vector<16xi32>
    %min3A_917 = arith.minsi %select_n3A_914, %min3A_916 : vector<16xi32>
    %add3A_918 = arith.addi %mul3A_892, %min3A_917 : vector<16xi32>
    %min3A_919 = arith.constant 263 : i32
    %min3A_920 = vector.broadcast %min3A_919 : i32 to vector<16xi32>
    %min3A_921 = arith.minsi %add3A_918, %min3A_920 : vector<16xi32>
    %gather3A_922 = tpu.vector_load_idx %arg5[%min3A_921] : memref<264xf32, #tpu.memory_space<vmem>>[vector<16xi32>], vector<16xf32>,
    %swap3A_923 = arith.constant 192 : index
    %swap3A_924 = tpu.vector_load %arg6[%swap3A_923] {strides = array<i32>} : memref<576xf32, #tpu.memory_space<vmem>>, vector<16xf32>,
    tpu.vector_store %arg6[%swap3A_923], %gather3A_922 {strides = array<i32>} : memref<576xf32, #tpu.memory_space<vmem>>, vector<16xf32>,
    %add3A_925 = arith.constant 208 : i32
    %add3A_926 = vector.broadcast %add3A_925 : i32 to vector<16xi32>
    %add3A_927 = arith.addi %add3A_926, %iota3A : vector<16xi32>
    %jit3A_928 = arith.constant 17 : i32
    %div3A_929 = vector.broadcast %jit3A_928 : i32 to vector<16xi32>
    %div3A_930 = arith.divsi %add3A_927, %div3A_929 : vector<16xi32>
    %sign3A_931 = arith.constant 0 : i32
    %sign3A_932 = vector.broadcast %sign3A_931 : i32 to vector<16xi32>
    %sign3A_933 = arith.cmpi sgt, %add3A_927, %sign3A_932 : vector<16xi32>
    %sign3A_934 = arith.extui %sign3A_933 : vector<16xi1> to vector<16xi32>
    %sign3A_935 = arith.constant 0 : i32
    %sign3A_936 = vector.broadcast %sign3A_935 : i32 to vector<16xi32>
    %sign3A_937 = arith.cmpi slt, %add3A_927, %sign3A_936 : vector<16xi32>
    %sign3A_938 = arith.extui %sign3A_937 : vector<16xi1> to vector<16xi32>
    %sign3A_939 = arith.subi %sign3A_934, %sign3A_938 : vector<16xi32>
    %sign3A_940 = arith.constant 0 : i32
    %sign3A_941 = arith.cmpi sgt, %jit3A_928, %sign3A_940 : i32
    %sign3A_942 = arith.extui %sign3A_941 : i1 to i32
    %sign3A_943 = arith.constant 0 : i32
    %sign3A_944 = arith.cmpi slt, %jit3A_928, %sign3A_943 : i32
    %sign3A_945 = arith.extui %sign3A_944 : i1 to i32
    %sign3A_946 = arith.subi %sign3A_942, %sign3A_945 : i32
    %ne3A_947 = vector.broadcast %sign3A_946 : i32 to vector<16xi32>
    %ne3A_948 = arith.cmpi ne, %sign3A_939, %ne3A_947 : vector<16xi32>
    %rem3A_949 = vector.broadcast %jit3A_928 : i32 to vector<16xi32>
    %rem3A_950 = arith.remsi %add3A_927, %rem3A_949 : vector<16xi32>
    %ne3A_951 = arith.constant 0 : i32
    %ne3A_952 = vector.broadcast %ne3A_951 : i32 to vector<16xi32>
    %ne3A_953 = arith.cmpi ne, %rem3A_950, %ne3A_952 : vector<16xi32>
    %and3A_954 = arith.andi %ne3A_948, %ne3A_953 : vector<16xi1>
    %sub3A_955 = arith.constant 1 : i32
    %sub3A_956 = vector.broadcast %sub3A_955 : i32 to vector<16xi32>
    %sub3A_957 = arith.subi %div3A_930, %sub3A_956 : vector<16xi32>
    %select_n3A_958 = arith.select %and3A_954, %sub3A_957, %div3A_930 : vector<16xi1>, vector<16xi32>
    %mul3A_959 = arith.constant 8 : i32
    %mul3A_960 = vector.broadcast %mul3A_959 : i32 to vector<16xi32>
    %mul3A_961 = arith.muli %select_n3A_958, %mul3A_960 : vector<16xi32>
    %jit3A_962 = arith.constant 17 : i32
    %eq3A_963 = arith.constant 0 : i32
    %eq3A_964 = arith.cmpi eq, %jit3A_962, %eq3A_963 : i32
    %jit3A_965 = arith.constant 1 : i32
    %select_n3A_966 = arith.select %eq3A_964, %jit3A_965, %jit3A_962 : i32
    %rem3A_967 = vector.broadcast %select_n3A_966 : i32 to vector<16xi32>
    %rem3A_968 = arith.remsi %add3A_927, %rem3A_967 : vector<16xi32>
    %ne3A_969 = arith.constant 0 : i32
    %ne3A_970 = vector.broadcast %ne3A_969 : i32 to vector<16xi32>
    %ne3A_971 = arith.cmpi ne, %rem3A_968, %ne3A_970 : vector<16xi32>
    %lt3A_972 = arith.constant 0 : i32
    %lt3A_973 = vector.broadcast %lt3A_972 : i32 to vector<16xi32>
    %lt3A_974 = arith.cmpi slt, %rem3A_968, %lt3A_973 : vector<16xi32>
    %lt3A_975 = arith.constant 0 : i32
    %lt3A_976 = arith.cmpi slt, %select_n3A_966, %lt3A_975 : i32
    %ne3A_977 = vector.broadcast %lt3A_976 : i1 to vector<16xi1>
    %ne3A_978 = vector.broadcast %ne3A_977 : vector<16xi1> to vector<16xi1>
    %ne3A_979 = arith.xori %lt3A_974, %ne3A_978 : vector<16xi1>
    %and3A_980 = arith.andi %ne3A_979, %ne3A_971 : vector<16xi1>
    %add3A_981 = vector.broadcast %select_n3A_966 : i32 to vector<16xi32>
    %add3A_982 = arith.addi %rem3A_968, %add3A_981 : vector<16xi32>
    %select_n3A_983 = arith.select %and3A_980, %add3A_982, %rem3A_968 : vector<16xi1>, vector<16xi32>
    %min3A_984 = arith.constant 7 : i32
    %min3A_985 = vector.broadcast %min3A_984 : i32 to vector<16xi32>
    %min3A_986 = arith.minsi %select_n3A_983, %min3A_985 : vector<16xi32>
    %add3A_987 = arith.addi %mul3A_961, %min3A_986 : vector<16xi32>
    %min3A_988 = arith.constant 263 : i32
    %min3A_989 = vector.broadcast %min3A_988 : i32 to vector<16xi32>
    %min3A_990 = arith.minsi %add3A_987, %min3A_989 : vector<16xi32>
    %gather3A_991 = tpu.vector_load_idx %arg5[%min3A_990] : memref<264xf32, #tpu.memory_space<vmem>>[vector<16xi32>], vector<16xf32>,
    %swap3A_992 = arith.constant 208 : index
    %swap3A_993 = tpu.vector_load %arg6[%swap3A_992] {strides = array<i32>} : memref<576xf32, #tpu.memory_space<vmem>>, vector<16xf32>,
    tpu.vector_store %arg6[%swap3A_992], %gather3A_991 {strides = array<i32>} : memref<576xf32, #tpu.memory_space<vmem>>, vector<16xf32>,
    %add3A_994 = arith.constant 224 : i32
    %add3A_995 = vector.broadcast %add3A_994 : i32 to vector<16xi32>
    %add3A_996 = arith.addi %add3A_995, %iota3A : vector<16xi32>
    %jit3A_997 = arith.constant 17 : i32
    %div3A_998 = vector.broadcast %jit3A_997 : i32 to vector<16xi32>
    %div3A_999 = arith.divsi %add3A_996, %div3A_998 : vector<16xi32>
    %sign3A_1000 = arith.constant 0 : i32
    %sign3A_1001 = vector.broadcast %sign3A_1000 : i32 to vector<16xi32>
    %sign3A_1002 = arith.cmpi sgt, %add3A_996, %sign3A_1001 : vector<16xi32>
    %sign3A_1003 = arith.extui %sign3A_1002 : vector<16xi1> to vector<16xi32>
    %sign3A_1004 = arith.constant 0 : i32
    %sign3A_1005 = vector.broadcast %sign3A_1004 : i32 to vector<16xi32>
    %sign3A_1006 = arith.cmpi slt, %add3A_996, %sign3A_1005 : vector<16xi32>
    %sign3A_1007 = arith.extui %sign3A_1006 : vector<16xi1> to vector<16xi32>
    %sign3A_1008 = arith.subi %sign3A_1003, %sign3A_1007 : vector<16xi32>
    %sign3A_1009 = arith.constant 0 : i32
    %sign3A_1010 = arith.cmpi sgt, %jit3A_997, %sign3A_1009 : i32
    %sign3A_1011 = arith.extui %sign3A_1010 : i1 to i32
    %sign3A_1012 = arith.constant 0 : i32
    %sign3A_1013 = arith.cmpi slt, %jit3A_997, %sign3A_1012 : i32
    %sign3A_1014 = arith.extui %sign3A_1013 : i1 to i32
    %sign3A_1015 = arith.subi %sign3A_1011, %sign3A_1014 : i32
    %ne3A_1016 = vector.broadcast %sign3A_1015 : i32 to vector<16xi32>
    %ne3A_1017 = arith.cmpi ne, %sign3A_1008, %ne3A_1016 : vector<16xi32>
    %rem3A_1018 = vector.broadcast %jit3A_997 : i32 to vector<16xi32>
    %rem3A_1019 = arith.remsi %add3A_996, %rem3A_1018 : vector<16xi32>
    %ne3A_1020 = arith.constant 0 : i32
    %ne3A_1021 = vector.broadcast %ne3A_1020 : i32 to vector<16xi32>
    %ne3A_1022 = arith.cmpi ne, %rem3A_1019, %ne3A_1021 : vector<16xi32>
    %and3A_1023 = arith.andi %ne3A_1017, %ne3A_1022 : vector<16xi1>
    %sub3A_1024 = arith.constant 1 : i32
    %sub3A_1025 = vector.broadcast %sub3A_1024 : i32 to vector<16xi32>
    %sub3A_1026 = arith.subi %div3A_999, %sub3A_1025 : vector<16xi32>
    %select_n3A_1027 = arith.select %and3A_1023, %sub3A_1026, %div3A_999 : vector<16xi1>, vector<16xi32>
    %mul3A_1028 = arith.constant 8 : i32
    %mul3A_1029 = vector.broadcast %mul3A_1028 : i32 to vector<16xi32>
    %mul3A_1030 = arith.muli %select_n3A_1027, %mul3A_1029 : vector<16xi32>
    %jit3A_1031 = arith.constant 17 : i32
    %eq3A_1032 = arith.constant 0 : i32
    %eq3A_1033 = arith.cmpi eq, %jit3A_1031, %eq3A_1032 : i32
    %jit3A_1034 = arith.constant 1 : i32
    %select_n3A_1035 = arith.select %eq3A_1033, %jit3A_1034, %jit3A_1031 : i32
    %rem3A_1036 = vector.broadcast %select_n3A_1035 : i32 to vector<16xi32>
    %rem3A_1037 = arith.remsi %add3A_996, %rem3A_1036 : vector<16xi32>
    %ne3A_1038 = arith.constant 0 : i32
    %ne3A_1039 = vector.broadcast %ne3A_1038 : i32 to vector<16xi32>
    %ne3A_1040 = arith.cmpi ne, %rem3A_1037, %ne3A_1039 : vector<16xi32>
    %lt3A_1041 = arith.constant 0 : i32
    %lt3A_1042 = vector.broadcast %lt3A_1041 : i32 to vector<16xi32>
    %lt3A_1043 = arith.cmpi slt, %rem3A_1037, %lt3A_1042 : vector<16xi32>
    %lt3A_1044 = arith.constant 0 : i32
    %lt3A_1045 = arith.cmpi slt, %select_n3A_1035, %lt3A_1044 : i32
    %ne3A_1046 = vector.broadcast %lt3A_1045 : i1 to vector<16xi1>
    %ne3A_1047 = vector.broadcast %ne3A_1046 : vector<16xi1> to vector<16xi1>
    %ne3A_1048 = arith.xori %lt3A_1043, %ne3A_1047 : vector<16xi1>
    %and3A_1049 = arith.andi %ne3A_1048, %ne3A_1040 : vector<16xi1>
    %add3A_1050 = vector.broadcast %select_n3A_1035 : i32 to vector<16xi32>
    %add3A_1051 = arith.addi %rem3A_1037, %add3A_1050 : vector<16xi32>
    %select_n3A_1052 = arith.select %and3A_1049, %add3A_1051, %rem3A_1037 : vector<16xi1>, vector<16xi32>
    %min3A_1053 = arith.constant 7 : i32
    %min3A_1054 = vector.broadcast %min3A_1053 : i32 to vector<16xi32>
    %min3A_1055 = arith.minsi %select_n3A_1052, %min3A_1054 : vector<16xi32>
    %add3A_1056 = arith.addi %mul3A_1030, %min3A_1055 : vector<16xi32>
    %min3A_1057 = arith.constant 263 : i32
    %min3A_1058 = vector.broadcast %min3A_1057 : i32 to vector<16xi32>
    %min3A_1059 = arith.minsi %add3A_1056, %min3A_1058 : vector<16xi32>
    %gather3A_1060 = tpu.vector_load_idx %arg5[%min3A_1059] : memref<264xf32, #tpu.memory_space<vmem>>[vector<16xi32>], vector<16xf32>,
    %swap3A_1061 = arith.constant 224 : index
    %swap3A_1062 = tpu.vector_load %arg6[%swap3A_1061] {strides = array<i32>} : memref<576xf32, #tpu.memory_space<vmem>>, vector<16xf32>,
    tpu.vector_store %arg6[%swap3A_1061], %gather3A_1060 {strides = array<i32>} : memref<576xf32, #tpu.memory_space<vmem>>, vector<16xf32>,
    %add3A_1063 = arith.constant 240 : i32
    %add3A_1064 = vector.broadcast %add3A_1063 : i32 to vector<16xi32>
    %add3A_1065 = arith.addi %add3A_1064, %iota3A : vector<16xi32>
    %jit3A_1066 = arith.constant 17 : i32
    %div3A_1067 = vector.broadcast %jit3A_1066 : i32 to vector<16xi32>
    %div3A_1068 = arith.divsi %add3A_1065, %div3A_1067 : vector<16xi32>
    %sign3A_1069 = arith.constant 0 : i32
    %sign3A_1070 = vector.broadcast %sign3A_1069 : i32 to vector<16xi32>
    %sign3A_1071 = arith.cmpi sgt, %add3A_1065, %sign3A_1070 : vector<16xi32>
    %sign3A_1072 = arith.extui %sign3A_1071 : vector<16xi1> to vector<16xi32>
    %sign3A_1073 = arith.constant 0 : i32
    %sign3A_1074 = vector.broadcast %sign3A_1073 : i32 to vector<16xi32>
    %sign3A_1075 = arith.cmpi slt, %add3A_1065, %sign3A_1074 : vector<16xi32>
    %sign3A_1076 = arith.extui %sign3A_1075 : vector<16xi1> to vector<16xi32>
    %sign3A_1077 = arith.subi %sign3A_1072, %sign3A_1076 : vector<16xi32>
    %sign3A_1078 = arith.constant 0 : i32
    %sign3A_1079 = arith.cmpi sgt, %jit3A_1066, %sign3A_1078 : i32
    %sign3A_1080 = arith.extui %sign3A_1079 : i1 to i32
    %sign3A_1081 = arith.constant 0 : i32
    %sign3A_1082 = arith.cmpi slt, %jit3A_1066, %sign3A_1081 : i32
    %sign3A_1083 = arith.extui %sign3A_1082 : i1 to i32
    %sign3A_1084 = arith.subi %sign3A_1080, %sign3A_1083 : i32
    %ne3A_1085 = vector.broadcast %sign3A_1084 : i32 to vector<16xi32>
    %ne3A_1086 = arith.cmpi ne, %sign3A_1077, %ne3A_1085 : vector<16xi32>
    %rem3A_1087 = vector.broadcast %jit3A_1066 : i32 to vector<16xi32>
    %rem3A_1088 = arith.remsi %add3A_1065, %rem3A_1087 : vector<16xi32>
    %ne3A_1089 = arith.constant 0 : i32
    %ne3A_1090 = vector.broadcast %ne3A_1089 : i32 to vector<16xi32>
    %ne3A_1091 = arith.cmpi ne, %rem3A_1088, %ne3A_1090 : vector<16xi32>
    %and3A_1092 = arith.andi %ne3A_1086, %ne3A_1091 : vector<16xi1>
    %sub3A_1093 = arith.constant 1 : i32
    %sub3A_1094 = vector.broadcast %sub3A_1093 : i32 to vector<16xi32>
    %sub3A_1095 = arith.subi %div3A_1068, %sub3A_1094 : vector<16xi32>
    %select_n3A_1096 = arith.select %and3A_1092, %sub3A_1095, %div3A_1068 : vector<16xi1>, vector<16xi32>
    %mul3A_1097 = arith.constant 8 : i32
    %mul3A_1098 = vector.broadcast %mul3A_1097 : i32 to vector<16xi32>
    %mul3A_1099 = arith.muli %select_n3A_1096, %mul3A_1098 : vector<16xi32>
    %jit3A_1100 = arith.constant 17 : i32
    %eq3A_1101 = arith.constant 0 : i32
    %eq3A_1102 = arith.cmpi eq, %jit3A_1100, %eq3A_1101 : i32
    %jit3A_1103 = arith.constant 1 : i32
    %select_n3A_1104 = arith.select %eq3A_1102, %jit3A_1103, %jit3A_1100 : i32
    %rem3A_1105 = vector.broadcast %select_n3A_1104 : i32 to vector<16xi32>
    %rem3A_1106 = arith.remsi %add3A_1065, %rem3A_1105 : vector<16xi32>
    %ne3A_1107 = arith.constant 0 : i32
    %ne3A_1108 = vector.broadcast %ne3A_1107 : i32 to vector<16xi32>
    %ne3A_1109 = arith.cmpi ne, %rem3A_1106, %ne3A_1108 : vector<16xi32>
    %lt3A_1110 = arith.constant 0 : i32
    %lt3A_1111 = vector.broadcast %lt3A_1110 : i32 to vector<16xi32>
    %lt3A_1112 = arith.cmpi slt, %rem3A_1106, %lt3A_1111 : vector<16xi32>
    %lt3A_1113 = arith.constant 0 : i32
    %lt3A_1114 = arith.cmpi slt, %select_n3A_1104, %lt3A_1113 : i32
    %ne3A_1115 = vector.broadcast %lt3A_1114 : i1 to vector<16xi1>
    %ne3A_1116 = vector.broadcast %ne3A_1115 : vector<16xi1> to vector<16xi1>
    %ne3A_1117 = arith.xori %lt3A_1112, %ne3A_1116 : vector<16xi1>
    %and3A_1118 = arith.andi %ne3A_1117, %ne3A_1109 : vector<16xi1>
    %add3A_1119 = vector.broadcast %select_n3A_1104 : i32 to vector<16xi32>
    %add3A_1120 = arith.addi %rem3A_1106, %add3A_1119 : vector<16xi32>
    %select_n3A_1121 = arith.select %and3A_1118, %add3A_1120, %rem3A_1106 : vector<16xi1>, vector<16xi32>
    %min3A_1122 = arith.constant 7 : i32
    %min3A_1123 = vector.broadcast %min3A_1122 : i32 to vector<16xi32>
    %min3A_1124 = arith.minsi %select_n3A_1121, %min3A_1123 : vector<16xi32>
    %add3A_1125 = arith.addi %mul3A_1099, %min3A_1124 : vector<16xi32>
    %min3A_1126 = arith.constant 263 : i32
    %min3A_1127 = vector.broadcast %min3A_1126 : i32 to vector<16xi32>
    %min3A_1128 = arith.minsi %add3A_1125, %min3A_1127 : vector<16xi32>
    %gather3A_1129 = tpu.vector_load_idx %arg5[%min3A_1128] : memref<264xf32, #tpu.memory_space<vmem>>[vector<16xi32>], vector<16xf32>,
    %swap3A_1130 = arith.constant 240 : index
    %swap3A_1131 = tpu.vector_load %arg6[%swap3A_1130] {strides = array<i32>} : memref<576xf32, #tpu.memory_space<vmem>>, vector<16xf32>,
    tpu.vector_store %arg6[%swap3A_1130], %gather3A_1129 {strides = array<i32>} : memref<576xf32, #tpu.memory_space<vmem>>, vector<16xf32>,
    %add3A_1132 = arith.constant 256 : i32
    %add3A_1133 = vector.broadcast %add3A_1132 : i32 to vector<16xi32>
    %add3A_1134 = arith.addi %add3A_1133, %iota3A : vector<16xi32>
    %jit3A_1135 = arith.constant 17 : i32
    %div3A_1136 = vector.broadcast %jit3A_1135 : i32 to vector<16xi32>
    %div3A_1137 = arith.divsi %add3A_1134, %div3A_1136 : vector<16xi32>
    %sign3A_1138 = arith.constant 0 : i32
    %sign3A_1139 = vector.broadcast %sign3A_1138 : i32 to vector<16xi32>
    %sign3A_1140 = arith.cmpi sgt, %add3A_1134, %sign3A_1139 : vector<16xi32>
    %sign3A_1141 = arith.extui %sign3A_1140 : vector<16xi1> to vector<16xi32>
    %sign3A_1142 = arith.constant 0 : i32
    %sign3A_1143 = vector.broadcast %sign3A_1142 : i32 to vector<16xi32>
    %sign3A_1144 = arith.cmpi slt, %add3A_1134, %sign3A_1143 : vector<16xi32>
    %sign3A_1145 = arith.extui %sign3A_1144 : vector<16xi1> to vector<16xi32>
    %sign3A_1146 = arith.subi %sign3A_1141, %sign3A_1145 : vector<16xi32>
    %sign3A_1147 = arith.constant 0 : i32
    %sign3A_1148 = arith.cmpi sgt, %jit3A_1135, %sign3A_1147 : i32
    %sign3A_1149 = arith.extui %sign3A_1148 : i1 to i32
    %sign3A_1150 = arith.constant 0 : i32
    %sign3A_1151 = arith.cmpi slt, %jit3A_1135, %sign3A_1150 : i32
    %sign3A_1152 = arith.extui %sign3A_1151 : i1 to i32
    %sign3A_1153 = arith.subi %sign3A_1149, %sign3A_1152 : i32
    %ne3A_1154 = vector.broadcast %sign3A_1153 : i32 to vector<16xi32>
    %ne3A_1155 = arith.cmpi ne, %sign3A_1146, %ne3A_1154 : vector<16xi32>
    %rem3A_1156 = vector.broadcast %jit3A_1135 : i32 to vector<16xi32>
    %rem3A_1157 = arith.remsi %add3A_1134, %rem3A_1156 : vector<16xi32>
    %ne3A_1158 = arith.constant 0 : i32
    %ne3A_1159 = vector.broadcast %ne3A_1158 : i32 to vector<16xi32>
    %ne3A_1160 = arith.cmpi ne, %rem3A_1157, %ne3A_1159 : vector<16xi32>
    %and3A_1161 = arith.andi %ne3A_1155, %ne3A_1160 : vector<16xi1>
    %sub3A_1162 = arith.constant 1 : i32
    %sub3A_1163 = vector.broadcast %sub3A_1162 : i32 to vector<16xi32>
    %sub3A_1164 = arith.subi %div3A_1137, %sub3A_1163 : vector<16xi32>
    %select_n3A_1165 = arith.select %and3A_1161, %sub3A_1164, %div3A_1137 : vector<16xi1>, vector<16xi32>
    %mul3A_1166 = arith.constant 8 : i32
    %mul3A_1167 = vector.broadcast %mul3A_1166 : i32 to vector<16xi32>
    %mul3A_1168 = arith.muli %select_n3A_1165, %mul3A_1167 : vector<16xi32>
    %jit3A_1169 = arith.constant 17 : i32
    %eq3A_1170 = arith.constant 0 : i32
    %eq3A_1171 = arith.cmpi eq, %jit3A_1169, %eq3A_1170 : i32
    %jit3A_1172 = arith.constant 1 : i32
    %select_n3A_1173 = arith.select %eq3A_1171, %jit3A_1172, %jit3A_1169 : i32
    %rem3A_1174 = vector.broadcast %select_n3A_1173 : i32 to vector<16xi32>
    %rem3A_1175 = arith.remsi %add3A_1134, %rem3A_1174 : vector<16xi32>
    %ne3A_1176 = arith.constant 0 : i32
    %ne3A_1177 = vector.broadcast %ne3A_1176 : i32 to vector<16xi32>
    %ne3A_1178 = arith.cmpi ne, %rem3A_1175, %ne3A_1177 : vector<16xi32>
    %lt3A_1179 = arith.constant 0 : i32
    %lt3A_1180 = vector.broadcast %lt3A_1179 : i32 to vector<16xi32>
    %lt3A_1181 = arith.cmpi slt, %rem3A_1175, %lt3A_1180 : vector<16xi32>
    %lt3A_1182 = arith.constant 0 : i32
    %lt3A_1183 = arith.cmpi slt, %select_n3A_1173, %lt3A_1182 : i32
    %ne3A_1184 = vector.broadcast %lt3A_1183 : i1 to vector<16xi1>
    %ne3A_1185 = vector.broadcast %ne3A_1184 : vector<16xi1> to vector<16xi1>
    %ne3A_1186 = arith.xori %lt3A_1181, %ne3A_1185 : vector<16xi1>
    %and3A_1187 = arith.andi %ne3A_1186, %ne3A_1178 : vector<16xi1>
    %add3A_1188 = vector.broadcast %select_n3A_1173 : i32 to vector<16xi32>
    %add3A_1189 = arith.addi %rem3A_1175, %add3A_1188 : vector<16xi32>
    %select_n3A_1190 = arith.select %and3A_1187, %add3A_1189, %rem3A_1175 : vector<16xi1>, vector<16xi32>
    %min3A_1191 = arith.constant 7 : i32
    %min3A_1192 = vector.broadcast %min3A_1191 : i32 to vector<16xi32>
    %min3A_1193 = arith.minsi %select_n3A_1190, %min3A_1192 : vector<16xi32>
    %add3A_1194 = arith.addi %mul3A_1168, %min3A_1193 : vector<16xi32>
    %min3A_1195 = arith.constant 263 : i32
    %min3A_1196 = vector.broadcast %min3A_1195 : i32 to vector<16xi32>
    %min3A_1197 = arith.minsi %add3A_1194, %min3A_1196 : vector<16xi32>
    %gather3A_1198 = tpu.vector_load_idx %arg5[%min3A_1197] : memref<264xf32, #tpu.memory_space<vmem>>[vector<16xi32>], vector<16xf32>,
    %swap3A_1199 = arith.constant 256 : index
    %swap3A_1200 = tpu.vector_load %arg6[%swap3A_1199] {strides = array<i32>} : memref<576xf32, #tpu.memory_space<vmem>>, vector<16xf32>,
    tpu.vector_store %arg6[%swap3A_1199], %gather3A_1198 {strides = array<i32>} : memref<576xf32, #tpu.memory_space<vmem>>, vector<16xf32>,
    %add3A_1201 = arith.constant 272 : i32
    %add3A_1202 = vector.broadcast %add3A_1201 : i32 to vector<16xi32>
    %add3A_1203 = arith.addi %add3A_1202, %iota3A : vector<16xi32>
    %jit3A_1204 = arith.constant 17 : i32
    %div3A_1205 = vector.broadcast %jit3A_1204 : i32 to vector<16xi32>
    %div3A_1206 = arith.divsi %add3A_1203, %div3A_1205 : vector<16xi32>
    %sign3A_1207 = arith.constant 0 : i32
    %sign3A_1208 = vector.broadcast %sign3A_1207 : i32 to vector<16xi32>
    %sign3A_1209 = arith.cmpi sgt, %add3A_1203, %sign3A_1208 : vector<16xi32>
    %sign3A_1210 = arith.extui %sign3A_1209 : vector<16xi1> to vector<16xi32>
    %sign3A_1211 = arith.constant 0 : i32
    %sign3A_1212 = vector.broadcast %sign3A_1211 : i32 to vector<16xi32>
    %sign3A_1213 = arith.cmpi slt, %add3A_1203, %sign3A_1212 : vector<16xi32>
    %sign3A_1214 = arith.extui %sign3A_1213 : vector<16xi1> to vector<16xi32>
    %sign3A_1215 = arith.subi %sign3A_1210, %sign3A_1214 : vector<16xi32>
    %sign3A_1216 = arith.constant 0 : i32
    %sign3A_1217 = arith.cmpi sgt, %jit3A_1204, %sign3A_1216 : i32
    %sign3A_1218 = arith.extui %sign3A_1217 : i1 to i32
    %sign3A_1219 = arith.constant 0 : i32
    %sign3A_1220 = arith.cmpi slt, %jit3A_1204, %sign3A_1219 : i32
    %sign3A_1221 = arith.extui %sign3A_1220 : i1 to i32
    %sign3A_1222 = arith.subi %sign3A_1218, %sign3A_1221 : i32
    %ne3A_1223 = vector.broadcast %sign3A_1222 : i32 to vector<16xi32>
    %ne3A_1224 = arith.cmpi ne, %sign3A_1215, %ne3A_1223 : vector<16xi32>
    %rem3A_1225 = vector.broadcast %jit3A_1204 : i32 to vector<16xi32>
    %rem3A_1226 = arith.remsi %add3A_1203, %rem3A_1225 : vector<16xi32>
    %ne3A_1227 = arith.constant 0 : i32
    %ne3A_1228 = vector.broadcast %ne3A_1227 : i32 to vector<16xi32>
    %ne3A_1229 = arith.cmpi ne, %rem3A_1226, %ne3A_1228 : vector<16xi32>
    %and3A_1230 = arith.andi %ne3A_1224, %ne3A_1229 : vector<16xi1>
    %sub3A_1231 = arith.constant 1 : i32
    %sub3A_1232 = vector.broadcast %sub3A_1231 : i32 to vector<16xi32>
    %sub3A_1233 = arith.subi %div3A_1206, %sub3A_1232 : vector<16xi32>
    %select_n3A_1234 = arith.select %and3A_1230, %sub3A_1233, %div3A_1206 : vector<16xi1>, vector<16xi32>
    %mul3A_1235 = arith.constant 8 : i32
    %mul3A_1236 = vector.broadcast %mul3A_1235 : i32 to vector<16xi32>
    %mul3A_1237 = arith.muli %select_n3A_1234, %mul3A_1236 : vector<16xi32>
    %jit3A_1238 = arith.constant 17 : i32
    %eq3A_1239 = arith.constant 0 : i32
    %eq3A_1240 = arith.cmpi eq, %jit3A_1238, %eq3A_1239 : i32
    %jit3A_1241 = arith.constant 1 : i32
    %select_n3A_1242 = arith.select %eq3A_1240, %jit3A_1241, %jit3A_1238 : i32
    %rem3A_1243 = vector.broadcast %select_n3A_1242 : i32 to vector<16xi32>
    %rem3A_1244 = arith.remsi %add3A_1203, %rem3A_1243 : vector<16xi32>
    %ne3A_1245 = arith.constant 0 : i32
    %ne3A_1246 = vector.broadcast %ne3A_1245 : i32 to vector<16xi32>
    %ne3A_1247 = arith.cmpi ne, %rem3A_1244, %ne3A_1246 : vector<16xi32>
    %lt3A_1248 = arith.constant 0 : i32
    %lt3A_1249 = vector.broadcast %lt3A_1248 : i32 to vector<16xi32>
    %lt3A_1250 = arith.cmpi slt, %rem3A_1244, %lt3A_1249 : vector<16xi32>
    %lt3A_1251 = arith.constant 0 : i32
    %lt3A_1252 = arith.cmpi slt, %select_n3A_1242, %lt3A_1251 : i32
    %ne3A_1253 = vector.broadcast %lt3A_1252 : i1 to vector<16xi1>
    %ne3A_1254 = vector.broadcast %ne3A_1253 : vector<16xi1> to vector<16xi1>
    %ne3A_1255 = arith.xori %lt3A_1250, %ne3A_1254 : vector<16xi1>
    %and3A_1256 = arith.andi %ne3A_1255, %ne3A_1247 : vector<16xi1>
    %add3A_1257 = vector.broadcast %select_n3A_1242 : i32 to vector<16xi32>
    %add3A_1258 = arith.addi %rem3A_1244, %add3A_1257 : vector<16xi32>
    %select_n3A_1259 = arith.select %and3A_1256, %add3A_1258, %rem3A_1244 : vector<16xi1>, vector<16xi32>
    %min3A_1260 = arith.constant 7 : i32
    %min3A_1261 = vector.broadcast %min3A_1260 : i32 to vector<16xi32>
    %min3A_1262 = arith.minsi %select_n3A_1259, %min3A_1261 : vector<16xi32>
    %add3A_1263 = arith.addi %mul3A_1237, %min3A_1262 : vector<16xi32>
    %min3A_1264 = arith.constant 263 : i32
    %min3A_1265 = vector.broadcast %min3A_1264 : i32 to vector<16xi32>
    %min3A_1266 = arith.minsi %add3A_1263, %min3A_1265 : vector<16xi32>
    %gather3A_1267 = tpu.vector_load_idx %arg5[%min3A_1266] : memref<264xf32, #tpu.memory_space<vmem>>[vector<16xi32>], vector<16xf32>,
    %swap3A_1268 = arith.constant 272 : index
    %swap3A_1269 = tpu.vector_load %arg6[%swap3A_1268] {strides = array<i32>} : memref<576xf32, #tpu.memory_space<vmem>>, vector<16xf32>,
    tpu.vector_store %arg6[%swap3A_1268], %gather3A_1267 {strides = array<i32>} : memref<576xf32, #tpu.memory_space<vmem>>, vector<16xf32>,
    %add3A_1270 = arith.constant 288 : i32
    %add3A_1271 = vector.broadcast %add3A_1270 : i32 to vector<16xi32>
    %add3A_1272 = arith.addi %add3A_1271, %iota3A : vector<16xi32>
    %jit3A_1273 = arith.constant 17 : i32
    %div3A_1274 = vector.broadcast %jit3A_1273 : i32 to vector<16xi32>
    %div3A_1275 = arith.divsi %add3A_1272, %div3A_1274 : vector<16xi32>
    %sign3A_1276 = arith.constant 0 : i32
    %sign3A_1277 = vector.broadcast %sign3A_1276 : i32 to vector<16xi32>
    %sign3A_1278 = arith.cmpi sgt, %add3A_1272, %sign3A_1277 : vector<16xi32>
    %sign3A_1279 = arith.extui %sign3A_1278 : vector<16xi1> to vector<16xi32>
    %sign3A_1280 = arith.constant 0 : i32
    %sign3A_1281 = vector.broadcast %sign3A_1280 : i32 to vector<16xi32>
    %sign3A_1282 = arith.cmpi slt, %add3A_1272, %sign3A_1281 : vector<16xi32>
    %sign3A_1283 = arith.extui %sign3A_1282 : vector<16xi1> to vector<16xi32>
    %sign3A_1284 = arith.subi %sign3A_1279, %sign3A_1283 : vector<16xi32>
    %sign3A_1285 = arith.constant 0 : i32
    %sign3A_1286 = arith.cmpi sgt, %jit3A_1273, %sign3A_1285 : i32
    %sign3A_1287 = arith.extui %sign3A_1286 : i1 to i32
    %sign3A_1288 = arith.constant 0 : i32
    %sign3A_1289 = arith.cmpi slt, %jit3A_1273, %sign3A_1288 : i32
    %sign3A_1290 = arith.extui %sign3A_1289 : i1 to i32
    %sign3A_1291 = arith.subi %sign3A_1287, %sign3A_1290 : i32
    %ne3A_1292 = vector.broadcast %sign3A_1291 : i32 to vector<16xi32>
    %ne3A_1293 = arith.cmpi ne, %sign3A_1284, %ne3A_1292 : vector<16xi32>
    %rem3A_1294 = vector.broadcast %jit3A_1273 : i32 to vector<16xi32>
    %rem3A_1295 = arith.remsi %add3A_1272, %rem3A_1294 : vector<16xi32>
    %ne3A_1296 = arith.constant 0 : i32
    %ne3A_1297 = vector.broadcast %ne3A_1296 : i32 to vector<16xi32>
    %ne3A_1298 = arith.cmpi ne, %rem3A_1295, %ne3A_1297 : vector<16xi32>
    %and3A_1299 = arith.andi %ne3A_1293, %ne3A_1298 : vector<16xi1>
    %sub3A_1300 = arith.constant 1 : i32
    %sub3A_1301 = vector.broadcast %sub3A_1300 : i32 to vector<16xi32>
    %sub3A_1302 = arith.subi %div3A_1275, %sub3A_1301 : vector<16xi32>
    %select_n3A_1303 = arith.select %and3A_1299, %sub3A_1302, %div3A_1275 : vector<16xi1>, vector<16xi32>
    %mul3A_1304 = arith.constant 8 : i32
    %mul3A_1305 = vector.broadcast %mul3A_1304 : i32 to vector<16xi32>
    %mul3A_1306 = arith.muli %select_n3A_1303, %mul3A_1305 : vector<16xi32>
    %jit3A_1307 = arith.constant 17 : i32
    %eq3A_1308 = arith.constant 0 : i32
    %eq3A_1309 = arith.cmpi eq, %jit3A_1307, %eq3A_1308 : i32
    %jit3A_1310 = arith.constant 1 : i32
    %select_n3A_1311 = arith.select %eq3A_1309, %jit3A_1310, %jit3A_1307 : i32
    %rem3A_1312 = vector.broadcast %select_n3A_1311 : i32 to vector<16xi32>
    %rem3A_1313 = arith.remsi %add3A_1272, %rem3A_1312 : vector<16xi32>
    %ne3A_1314 = arith.constant 0 : i32
    %ne3A_1315 = vector.broadcast %ne3A_1314 : i32 to vector<16xi32>
    %ne3A_1316 = arith.cmpi ne, %rem3A_1313, %ne3A_1315 : vector<16xi32>
    %lt3A_1317 = arith.constant 0 : i32
    %lt3A_1318 = vector.broadcast %lt3A_1317 : i32 to vector<16xi32>
    %lt3A_1319 = arith.cmpi slt, %rem3A_1313, %lt3A_1318 : vector<16xi32>
    %lt3A_1320 = arith.constant 0 : i32
    %lt3A_1321 = arith.cmpi slt, %select_n3A_1311, %lt3A_1320 : i32
    %ne3A_1322 = vector.broadcast %lt3A_1321 : i1 to vector<16xi1>
    %ne3A_1323 = vector.broadcast %ne3A_1322 : vector<16xi1> to vector<16xi1>
    %ne3A_1324 = arith.xori %lt3A_1319, %ne3A_1323 : vector<16xi1>
    %and3A_1325 = arith.andi %ne3A_1324, %ne3A_1316 : vector<16xi1>
    %add3A_1326 = vector.broadcast %select_n3A_1311 : i32 to vector<16xi32>
    %add3A_1327 = arith.addi %rem3A_1313, %add3A_1326 : vector<16xi32>
    %select_n3A_1328 = arith.select %and3A_1325, %add3A_1327, %rem3A_1313 : vector<16xi1>, vector<16xi32>
    %min3A_1329 = arith.constant 7 : i32
    %min3A_1330 = vector.broadcast %min3A_1329 : i32 to vector<16xi32>
    %min3A_1331 = arith.minsi %select_n3A_1328, %min3A_1330 : vector<16xi32>
    %add3A_1332 = arith.addi %mul3A_1306, %min3A_1331 : vector<16xi32>
    %min3A_1333 = arith.constant 263 : i32
    %min3A_1334 = vector.broadcast %min3A_1333 : i32 to vector<16xi32>
    %min3A_1335 = arith.minsi %add3A_1332, %min3A_1334 : vector<16xi32>
    %gather3A_1336 = tpu.vector_load_idx %arg5[%min3A_1335] : memref<264xf32, #tpu.memory_space<vmem>>[vector<16xi32>], vector<16xf32>,
    %swap3A_1337 = arith.constant 288 : index
    %swap3A_1338 = tpu.vector_load %arg6[%swap3A_1337] {strides = array<i32>} : memref<576xf32, #tpu.memory_space<vmem>>, vector<16xf32>,
    tpu.vector_store %arg6[%swap3A_1337], %gather3A_1336 {strides = array<i32>} : memref<576xf32, #tpu.memory_space<vmem>>, vector<16xf32>,
    %add3A_1339 = arith.constant 304 : i32
    %add3A_1340 = vector.broadcast %add3A_1339 : i32 to vector<16xi32>
    %add3A_1341 = arith.addi %add3A_1340, %iota3A : vector<16xi32>
    %jit3A_1342 = arith.constant 17 : i32
    %div3A_1343 = vector.broadcast %jit3A_1342 : i32 to vector<16xi32>
    %div3A_1344 = arith.divsi %add3A_1341, %div3A_1343 : vector<16xi32>
    %sign3A_1345 = arith.constant 0 : i32
    %sign3A_1346 = vector.broadcast %sign3A_1345 : i32 to vector<16xi32>
    %sign3A_1347 = arith.cmpi sgt, %add3A_1341, %sign3A_1346 : vector<16xi32>
    %sign3A_1348 = arith.extui %sign3A_1347 : vector<16xi1> to vector<16xi32>
    %sign3A_1349 = arith.constant 0 : i32
    %sign3A_1350 = vector.broadcast %sign3A_1349 : i32 to vector<16xi32>
    %sign3A_1351 = arith.cmpi slt, %add3A_1341, %sign3A_1350 : vector<16xi32>
    %sign3A_1352 = arith.extui %sign3A_1351 : vector<16xi1> to vector<16xi32>
    %sign3A_1353 = arith.subi %sign3A_1348, %sign3A_1352 : vector<16xi32>
    %sign3A_1354 = arith.constant 0 : i32
    %sign3A_1355 = arith.cmpi sgt, %jit3A_1342, %sign3A_1354 : i32
    %sign3A_1356 = arith.extui %sign3A_1355 : i1 to i32
    %sign3A_1357 = arith.constant 0 : i32
    %sign3A_1358 = arith.cmpi slt, %jit3A_1342, %sign3A_1357 : i32
    %sign3A_1359 = arith.extui %sign3A_1358 : i1 to i32
    %sign3A_1360 = arith.subi %sign3A_1356, %sign3A_1359 : i32
    %ne3A_1361 = vector.broadcast %sign3A_1360 : i32 to vector<16xi32>
    %ne3A_1362 = arith.cmpi ne, %sign3A_1353, %ne3A_1361 : vector<16xi32>
    %rem3A_1363 = vector.broadcast %jit3A_1342 : i32 to vector<16xi32>
    %rem3A_1364 = arith.remsi %add3A_1341, %rem3A_1363 : vector<16xi32>
    %ne3A_1365 = arith.constant 0 : i32
    %ne3A_1366 = vector.broadcast %ne3A_1365 : i32 to vector<16xi32>
    %ne3A_1367 = arith.cmpi ne, %rem3A_1364, %ne3A_1366 : vector<16xi32>
    %and3A_1368 = arith.andi %ne3A_1362, %ne3A_1367 : vector<16xi1>
    %sub3A_1369 = arith.constant 1 : i32
    %sub3A_1370 = vector.broadcast %sub3A_1369 : i32 to vector<16xi32>
    %sub3A_1371 = arith.subi %div3A_1344, %sub3A_1370 : vector<16xi32>
    %select_n3A_1372 = arith.select %and3A_1368, %sub3A_1371, %div3A_1344 : vector<16xi1>, vector<16xi32>
    %mul3A_1373 = arith.constant 8 : i32
    %mul3A_1374 = vector.broadcast %mul3A_1373 : i32 to vector<16xi32>
    %mul3A_1375 = arith.muli %select_n3A_1372, %mul3A_1374 : vector<16xi32>
    %jit3A_1376 = arith.constant 17 : i32
    %eq3A_1377 = arith.constant 0 : i32
    %eq3A_1378 = arith.cmpi eq, %jit3A_1376, %eq3A_1377 : i32
    %jit3A_1379 = arith.constant 1 : i32
    %select_n3A_1380 = arith.select %eq3A_1378, %jit3A_1379, %jit3A_1376 : i32
    %rem3A_1381 = vector.broadcast %select_n3A_1380 : i32 to vector<16xi32>
    %rem3A_1382 = arith.remsi %add3A_1341, %rem3A_1381 : vector<16xi32>
    %ne3A_1383 = arith.constant 0 : i32
    %ne3A_1384 = vector.broadcast %ne3A_1383 : i32 to vector<16xi32>
    %ne3A_1385 = arith.cmpi ne, %rem3A_1382, %ne3A_1384 : vector<16xi32>
    %lt3A_1386 = arith.constant 0 : i32
    %lt3A_1387 = vector.broadcast %lt3A_1386 : i32 to vector<16xi32>
    %lt3A_1388 = arith.cmpi slt, %rem3A_1382, %lt3A_1387 : vector<16xi32>
    %lt3A_1389 = arith.constant 0 : i32
    %lt3A_1390 = arith.cmpi slt, %select_n3A_1380, %lt3A_1389 : i32
    %ne3A_1391 = vector.broadcast %lt3A_1390 : i1 to vector<16xi1>
    %ne3A_1392 = vector.broadcast %ne3A_1391 : vector<16xi1> to vector<16xi1>
    %ne3A_1393 = arith.xori %lt3A_1388, %ne3A_1392 : vector<16xi1>
    %and3A_1394 = arith.andi %ne3A_1393, %ne3A_1385 : vector<16xi1>
    %add3A_1395 = vector.broadcast %select_n3A_1380 : i32 to vector<16xi32>
    %add3A_1396 = arith.addi %rem3A_1382, %add3A_1395 : vector<16xi32>
    %select_n3A_1397 = arith.select %and3A_1394, %add3A_1396, %rem3A_1382 : vector<16xi1>, vector<16xi32>
    %min3A_1398 = arith.constant 7 : i32
    %min3A_1399 = vector.broadcast %min3A_1398 : i32 to vector<16xi32>
    %min3A_1400 = arith.minsi %select_n3A_1397, %min3A_1399 : vector<16xi32>
    %add3A_1401 = arith.addi %mul3A_1375, %min3A_1400 : vector<16xi32>
    %min3A_1402 = arith.constant 263 : i32
    %min3A_1403 = vector.broadcast %min3A_1402 : i32 to vector<16xi32>
    %min3A_1404 = arith.minsi %add3A_1401, %min3A_1403 : vector<16xi32>
    %gather3A_1405 = tpu.vector_load_idx %arg5[%min3A_1404] : memref<264xf32, #tpu.memory_space<vmem>>[vector<16xi32>], vector<16xf32>,
    %swap3A_1406 = arith.constant 304 : index
    %swap3A_1407 = tpu.vector_load %arg6[%swap3A_1406] {strides = array<i32>} : memref<576xf32, #tpu.memory_space<vmem>>, vector<16xf32>,
    tpu.vector_store %arg6[%swap3A_1406], %gather3A_1405 {strides = array<i32>} : memref<576xf32, #tpu.memory_space<vmem>>, vector<16xf32>,
    %add3A_1408 = arith.constant 320 : i32
    %add3A_1409 = vector.broadcast %add3A_1408 : i32 to vector<16xi32>
    %add3A_1410 = arith.addi %add3A_1409, %iota3A : vector<16xi32>
    %jit3A_1411 = arith.constant 17 : i32
    %div3A_1412 = vector.broadcast %jit3A_1411 : i32 to vector<16xi32>
    %div3A_1413 = arith.divsi %add3A_1410, %div3A_1412 : vector<16xi32>
    %sign3A_1414 = arith.constant 0 : i32
    %sign3A_1415 = vector.broadcast %sign3A_1414 : i32 to vector<16xi32>
    %sign3A_1416 = arith.cmpi sgt, %add3A_1410, %sign3A_1415 : vector<16xi32>
    %sign3A_1417 = arith.extui %sign3A_1416 : vector<16xi1> to vector<16xi32>
    %sign3A_1418 = arith.constant 0 : i32
    %sign3A_1419 = vector.broadcast %sign3A_1418 : i32 to vector<16xi32>
    %sign3A_1420 = arith.cmpi slt, %add3A_1410, %sign3A_1419 : vector<16xi32>
    %sign3A_1421 = arith.extui %sign3A_1420 : vector<16xi1> to vector<16xi32>
    %sign3A_1422 = arith.subi %sign3A_1417, %sign3A_1421 : vector<16xi32>
    %sign3A_1423 = arith.constant 0 : i32
    %sign3A_1424 = arith.cmpi sgt, %jit3A_1411, %sign3A_1423 : i32
    %sign3A_1425 = arith.extui %sign3A_1424 : i1 to i32
    %sign3A_1426 = arith.constant 0 : i32
    %sign3A_1427 = arith.cmpi slt, %jit3A_1411, %sign3A_1426 : i32
    %sign3A_1428 = arith.extui %sign3A_1427 : i1 to i32
    %sign3A_1429 = arith.subi %sign3A_1425, %sign3A_1428 : i32
    %ne3A_1430 = vector.broadcast %sign3A_1429 : i32 to vector<16xi32>
    %ne3A_1431 = arith.cmpi ne, %sign3A_1422, %ne3A_1430 : vector<16xi32>
    %rem3A_1432 = vector.broadcast %jit3A_1411 : i32 to vector<16xi32>
    %rem3A_1433 = arith.remsi %add3A_1410, %rem3A_1432 : vector<16xi32>
    %ne3A_1434 = arith.constant 0 : i32
    %ne3A_1435 = vector.broadcast %ne3A_1434 : i32 to vector<16xi32>
    %ne3A_1436 = arith.cmpi ne, %rem3A_1433, %ne3A_1435 : vector<16xi32>
    %and3A_1437 = arith.andi %ne3A_1431, %ne3A_1436 : vector<16xi1>
    %sub3A_1438 = arith.constant 1 : i32
    %sub3A_1439 = vector.broadcast %sub3A_1438 : i32 to vector<16xi32>
    %sub3A_1440 = arith.subi %div3A_1413, %sub3A_1439 : vector<16xi32>
    %select_n3A_1441 = arith.select %and3A_1437, %sub3A_1440, %div3A_1413 : vector<16xi1>, vector<16xi32>
    %mul3A_1442 = arith.constant 8 : i32
    %mul3A_1443 = vector.broadcast %mul3A_1442 : i32 to vector<16xi32>
    %mul3A_1444 = arith.muli %select_n3A_1441, %mul3A_1443 : vector<16xi32>
    %jit3A_1445 = arith.constant 17 : i32
    %eq3A_1446 = arith.constant 0 : i32
    %eq3A_1447 = arith.cmpi eq, %jit3A_1445, %eq3A_1446 : i32
    %jit3A_1448 = arith.constant 1 : i32
    %select_n3A_1449 = arith.select %eq3A_1447, %jit3A_1448, %jit3A_1445 : i32
    %rem3A_1450 = vector.broadcast %select_n3A_1449 : i32 to vector<16xi32>
    %rem3A_1451 = arith.remsi %add3A_1410, %rem3A_1450 : vector<16xi32>
    %ne3A_1452 = arith.constant 0 : i32
    %ne3A_1453 = vector.broadcast %ne3A_1452 : i32 to vector<16xi32>
    %ne3A_1454 = arith.cmpi ne, %rem3A_1451, %ne3A_1453 : vector<16xi32>
    %lt3A_1455 = arith.constant 0 : i32
    %lt3A_1456 = vector.broadcast %lt3A_1455 : i32 to vector<16xi32>
    %lt3A_1457 = arith.cmpi slt, %rem3A_1451, %lt3A_1456 : vector<16xi32>
    %lt3A_1458 = arith.constant 0 : i32
    %lt3A_1459 = arith.cmpi slt, %select_n3A_1449, %lt3A_1458 : i32
    %ne3A_1460 = vector.broadcast %lt3A_1459 : i1 to vector<16xi1>
    %ne3A_1461 = vector.broadcast %ne3A_1460 : vector<16xi1> to vector<16xi1>
    %ne3A_1462 = arith.xori %lt3A_1457, %ne3A_1461 : vector<16xi1>
    %and3A_1463 = arith.andi %ne3A_1462, %ne3A_1454 : vector<16xi1>
    %add3A_1464 = vector.broadcast %select_n3A_1449 : i32 to vector<16xi32>
    %add3A_1465 = arith.addi %rem3A_1451, %add3A_1464 : vector<16xi32>
    %select_n3A_1466 = arith.select %and3A_1463, %add3A_1465, %rem3A_1451 : vector<16xi1>, vector<16xi32>
    %min3A_1467 = arith.constant 7 : i32
    %min3A_1468 = vector.broadcast %min3A_1467 : i32 to vector<16xi32>
    %min3A_1469 = arith.minsi %select_n3A_1466, %min3A_1468 : vector<16xi32>
    %add3A_1470 = arith.addi %mul3A_1444, %min3A_1469 : vector<16xi32>
    %min3A_1471 = arith.constant 263 : i32
    %min3A_1472 = vector.broadcast %min3A_1471 : i32 to vector<16xi32>
    %min3A_1473 = arith.minsi %add3A_1470, %min3A_1472 : vector<16xi32>
    %gather3A_1474 = tpu.vector_load_idx %arg5[%min3A_1473] : memref<264xf32, #tpu.memory_space<vmem>>[vector<16xi32>], vector<16xf32>,
    %swap3A_1475 = arith.constant 320 : index
    %swap3A_1476 = tpu.vector_load %arg6[%swap3A_1475] {strides = array<i32>} : memref<576xf32, #tpu.memory_space<vmem>>, vector<16xf32>,
    tpu.vector_store %arg6[%swap3A_1475], %gather3A_1474 {strides = array<i32>} : memref<576xf32, #tpu.memory_space<vmem>>, vector<16xf32>,
    %add3A_1477 = arith.constant 336 : i32
    %add3A_1478 = vector.broadcast %add3A_1477 : i32 to vector<16xi32>
    %add3A_1479 = arith.addi %add3A_1478, %iota3A : vector<16xi32>
    %jit3A_1480 = arith.constant 17 : i32
    %div3A_1481 = vector.broadcast %jit3A_1480 : i32 to vector<16xi32>
    %div3A_1482 = arith.divsi %add3A_1479, %div3A_1481 : vector<16xi32>
    %sign3A_1483 = arith.constant 0 : i32
    %sign3A_1484 = vector.broadcast %sign3A_1483 : i32 to vector<16xi32>
    %sign3A_1485 = arith.cmpi sgt, %add3A_1479, %sign3A_1484 : vector<16xi32>
    %sign3A_1486 = arith.extui %sign3A_1485 : vector<16xi1> to vector<16xi32>
    %sign3A_1487 = arith.constant 0 : i32
    %sign3A_1488 = vector.broadcast %sign3A_1487 : i32 to vector<16xi32>
    %sign3A_1489 = arith.cmpi slt, %add3A_1479, %sign3A_1488 : vector<16xi32>
    %sign3A_1490 = arith.extui %sign3A_1489 : vector<16xi1> to vector<16xi32>
    %sign3A_1491 = arith.subi %sign3A_1486, %sign3A_1490 : vector<16xi32>
    %sign3A_1492 = arith.constant 0 : i32
    %sign3A_1493 = arith.cmpi sgt, %jit3A_1480, %sign3A_1492 : i32
    %sign3A_1494 = arith.extui %sign3A_1493 : i1 to i32
    %sign3A_1495 = arith.constant 0 : i32
    %sign3A_1496 = arith.cmpi slt, %jit3A_1480, %sign3A_1495 : i32
    %sign3A_1497 = arith.extui %sign3A_1496 : i1 to i32
    %sign3A_1498 = arith.subi %sign3A_1494, %sign3A_1497 : i32
    %ne3A_1499 = vector.broadcast %sign3A_1498 : i32 to vector<16xi32>
    %ne3A_1500 = arith.cmpi ne, %sign3A_1491, %ne3A_1499 : vector<16xi32>
    %rem3A_1501 = vector.broadcast %jit3A_1480 : i32 to vector<16xi32>
    %rem3A_1502 = arith.remsi %add3A_1479, %rem3A_1501 : vector<16xi32>
    %ne3A_1503 = arith.constant 0 : i32
    %ne3A_1504 = vector.broadcast %ne3A_1503 : i32 to vector<16xi32>
    %ne3A_1505 = arith.cmpi ne, %rem3A_1502, %ne3A_1504 : vector<16xi32>
    %and3A_1506 = arith.andi %ne3A_1500, %ne3A_1505 : vector<16xi1>
    %sub3A_1507 = arith.constant 1 : i32
    %sub3A_1508 = vector.broadcast %sub3A_1507 : i32 to vector<16xi32>
    %sub3A_1509 = arith.subi %div3A_1482, %sub3A_1508 : vector<16xi32>
    %select_n3A_1510 = arith.select %and3A_1506, %sub3A_1509, %div3A_1482 : vector<16xi1>, vector<16xi32>
    %mul3A_1511 = arith.constant 8 : i32
    %mul3A_1512 = vector.broadcast %mul3A_1511 : i32 to vector<16xi32>
    %mul3A_1513 = arith.muli %select_n3A_1510, %mul3A_1512 : vector<16xi32>
    %jit3A_1514 = arith.constant 17 : i32
    %eq3A_1515 = arith.constant 0 : i32
    %eq3A_1516 = arith.cmpi eq, %jit3A_1514, %eq3A_1515 : i32
    %jit3A_1517 = arith.constant 1 : i32
    %select_n3A_1518 = arith.select %eq3A_1516, %jit3A_1517, %jit3A_1514 : i32
    %rem3A_1519 = vector.broadcast %select_n3A_1518 : i32 to vector<16xi32>
    %rem3A_1520 = arith.remsi %add3A_1479, %rem3A_1519 : vector<16xi32>
    %ne3A_1521 = arith.constant 0 : i32
    %ne3A_1522 = vector.broadcast %ne3A_1521 : i32 to vector<16xi32>
    %ne3A_1523 = arith.cmpi ne, %rem3A_1520, %ne3A_1522 : vector<16xi32>
    %lt3A_1524 = arith.constant 0 : i32
    %lt3A_1525 = vector.broadcast %lt3A_1524 : i32 to vector<16xi32>
    %lt3A_1526 = arith.cmpi slt, %rem3A_1520, %lt3A_1525 : vector<16xi32>
    %lt3A_1527 = arith.constant 0 : i32
    %lt3A_1528 = arith.cmpi slt, %select_n3A_1518, %lt3A_1527 : i32
    %ne3A_1529 = vector.broadcast %lt3A_1528 : i1 to vector<16xi1>
    %ne3A_1530 = vector.broadcast %ne3A_1529 : vector<16xi1> to vector<16xi1>
    %ne3A_1531 = arith.xori %lt3A_1526, %ne3A_1530 : vector<16xi1>
    %and3A_1532 = arith.andi %ne3A_1531, %ne3A_1523 : vector<16xi1>
    %add3A_1533 = vector.broadcast %select_n3A_1518 : i32 to vector<16xi32>
    %add3A_1534 = arith.addi %rem3A_1520, %add3A_1533 : vector<16xi32>
    %select_n3A_1535 = arith.select %and3A_1532, %add3A_1534, %rem3A_1520 : vector<16xi1>, vector<16xi32>
    %min3A_1536 = arith.constant 7 : i32
    %min3A_1537 = vector.broadcast %min3A_1536 : i32 to vector<16xi32>
    %min3A_1538 = arith.minsi %select_n3A_1535, %min3A_1537 : vector<16xi32>
    %add3A_1539 = arith.addi %mul3A_1513, %min3A_1538 : vector<16xi32>
    %min3A_1540 = arith.constant 263 : i32
    %min3A_1541 = vector.broadcast %min3A_1540 : i32 to vector<16xi32>
    %min3A_1542 = arith.minsi %add3A_1539, %min3A_1541 : vector<16xi32>
    %gather3A_1543 = tpu.vector_load_idx %arg5[%min3A_1542] : memref<264xf32, #tpu.memory_space<vmem>>[vector<16xi32>], vector<16xf32>,
    %swap3A_1544 = arith.constant 336 : index
    %swap3A_1545 = tpu.vector_load %arg6[%swap3A_1544] {strides = array<i32>} : memref<576xf32, #tpu.memory_space<vmem>>, vector<16xf32>,
    tpu.vector_store %arg6[%swap3A_1544], %gather3A_1543 {strides = array<i32>} : memref<576xf32, #tpu.memory_space<vmem>>, vector<16xf32>,
    %add3A_1546 = arith.constant 352 : i32
    %add3A_1547 = vector.broadcast %add3A_1546 : i32 to vector<16xi32>
    %add3A_1548 = arith.addi %add3A_1547, %iota3A : vector<16xi32>
    %jit3A_1549 = arith.constant 17 : i32
    %div3A_1550 = vector.broadcast %jit3A_1549 : i32 to vector<16xi32>
    %div3A_1551 = arith.divsi %add3A_1548, %div3A_1550 : vector<16xi32>
    %sign3A_1552 = arith.constant 0 : i32
    %sign3A_1553 = vector.broadcast %sign3A_1552 : i32 to vector<16xi32>
    %sign3A_1554 = arith.cmpi sgt, %add3A_1548, %sign3A_1553 : vector<16xi32>
    %sign3A_1555 = arith.extui %sign3A_1554 : vector<16xi1> to vector<16xi32>
    %sign3A_1556 = arith.constant 0 : i32
    %sign3A_1557 = vector.broadcast %sign3A_1556 : i32 to vector<16xi32>
    %sign3A_1558 = arith.cmpi slt, %add3A_1548, %sign3A_1557 : vector<16xi32>
    %sign3A_1559 = arith.extui %sign3A_1558 : vector<16xi1> to vector<16xi32>
    %sign3A_1560 = arith.subi %sign3A_1555, %sign3A_1559 : vector<16xi32>
    %sign3A_1561 = arith.constant 0 : i32
    %sign3A_1562 = arith.cmpi sgt, %jit3A_1549, %sign3A_1561 : i32
    %sign3A_1563 = arith.extui %sign3A_1562 : i1 to i32
    %sign3A_1564 = arith.constant 0 : i32
    %sign3A_1565 = arith.cmpi slt, %jit3A_1549, %sign3A_1564 : i32
    %sign3A_1566 = arith.extui %sign3A_1565 : i1 to i32
    %sign3A_1567 = arith.subi %sign3A_1563, %sign3A_1566 : i32
    %ne3A_1568 = vector.broadcast %sign3A_1567 : i32 to vector<16xi32>
    %ne3A_1569 = arith.cmpi ne, %sign3A_1560, %ne3A_1568 : vector<16xi32>
    %rem3A_1570 = vector.broadcast %jit3A_1549 : i32 to vector<16xi32>
    %rem3A_1571 = arith.remsi %add3A_1548, %rem3A_1570 : vector<16xi32>
    %ne3A_1572 = arith.constant 0 : i32
    %ne3A_1573 = vector.broadcast %ne3A_1572 : i32 to vector<16xi32>
    %ne3A_1574 = arith.cmpi ne, %rem3A_1571, %ne3A_1573 : vector<16xi32>
    %and3A_1575 = arith.andi %ne3A_1569, %ne3A_1574 : vector<16xi1>
    %sub3A_1576 = arith.constant 1 : i32
    %sub3A_1577 = vector.broadcast %sub3A_1576 : i32 to vector<16xi32>
    %sub3A_1578 = arith.subi %div3A_1551, %sub3A_1577 : vector<16xi32>
    %select_n3A_1579 = arith.select %and3A_1575, %sub3A_1578, %div3A_1551 : vector<16xi1>, vector<16xi32>
    %mul3A_1580 = arith.constant 8 : i32
    %mul3A_1581 = vector.broadcast %mul3A_1580 : i32 to vector<16xi32>
    %mul3A_1582 = arith.muli %select_n3A_1579, %mul3A_1581 : vector<16xi32>
    %jit3A_1583 = arith.constant 17 : i32
    %eq3A_1584 = arith.constant 0 : i32
    %eq3A_1585 = arith.cmpi eq, %jit3A_1583, %eq3A_1584 : i32
    %jit3A_1586 = arith.constant 1 : i32
    %select_n3A_1587 = arith.select %eq3A_1585, %jit3A_1586, %jit3A_1583 : i32
    %rem3A_1588 = vector.broadcast %select_n3A_1587 : i32 to vector<16xi32>
    %rem3A_1589 = arith.remsi %add3A_1548, %rem3A_1588 : vector<16xi32>
    %ne3A_1590 = arith.constant 0 : i32
    %ne3A_1591 = vector.broadcast %ne3A_1590 : i32 to vector<16xi32>
    %ne3A_1592 = arith.cmpi ne, %rem3A_1589, %ne3A_1591 : vector<16xi32>
    %lt3A_1593 = arith.constant 0 : i32
    %lt3A_1594 = vector.broadcast %lt3A_1593 : i32 to vector<16xi32>
    %lt3A_1595 = arith.cmpi slt, %rem3A_1589, %lt3A_1594 : vector<16xi32>
    %lt3A_1596 = arith.constant 0 : i32
    %lt3A_1597 = arith.cmpi slt, %select_n3A_1587, %lt3A_1596 : i32
    %ne3A_1598 = vector.broadcast %lt3A_1597 : i1 to vector<16xi1>
    %ne3A_1599 = vector.broadcast %ne3A_1598 : vector<16xi1> to vector<16xi1>
    %ne3A_1600 = arith.xori %lt3A_1595, %ne3A_1599 : vector<16xi1>
    %and3A_1601 = arith.andi %ne3A_1600, %ne3A_1592 : vector<16xi1>
    %add3A_1602 = vector.broadcast %select_n3A_1587 : i32 to vector<16xi32>
    %add3A_1603 = arith.addi %rem3A_1589, %add3A_1602 : vector<16xi32>
    %select_n3A_1604 = arith.select %and3A_1601, %add3A_1603, %rem3A_1589 : vector<16xi1>, vector<16xi32>
    %min3A_1605 = arith.constant 7 : i32
    %min3A_1606 = vector.broadcast %min3A_1605 : i32 to vector<16xi32>
    %min3A_1607 = arith.minsi %select_n3A_1604, %min3A_1606 : vector<16xi32>
    %add3A_1608 = arith.addi %mul3A_1582, %min3A_1607 : vector<16xi32>
    %min3A_1609 = arith.constant 263 : i32
    %min3A_1610 = vector.broadcast %min3A_1609 : i32 to vector<16xi32>
    %min3A_1611 = arith.minsi %add3A_1608, %min3A_1610 : vector<16xi32>
    %gather3A_1612 = tpu.vector_load_idx %arg5[%min3A_1611] : memref<264xf32, #tpu.memory_space<vmem>>[vector<16xi32>], vector<16xf32>,
    %swap3A_1613 = arith.constant 352 : index
    %swap3A_1614 = tpu.vector_load %arg6[%swap3A_1613] {strides = array<i32>} : memref<576xf32, #tpu.memory_space<vmem>>, vector<16xf32>,
    tpu.vector_store %arg6[%swap3A_1613], %gather3A_1612 {strides = array<i32>} : memref<576xf32, #tpu.memory_space<vmem>>, vector<16xf32>,
    %add3A_1615 = arith.constant 368 : i32
    %add3A_1616 = vector.broadcast %add3A_1615 : i32 to vector<16xi32>
    %add3A_1617 = arith.addi %add3A_1616, %iota3A : vector<16xi32>
    %jit3A_1618 = arith.constant 17 : i32
    %div3A_1619 = vector.broadcast %jit3A_1618 : i32 to vector<16xi32>
    %div3A_1620 = arith.divsi %add3A_1617, %div3A_1619 : vector<16xi32>
    %sign3A_1621 = arith.constant 0 : i32
    %sign3A_1622 = vector.broadcast %sign3A_1621 : i32 to vector<16xi32>
    %sign3A_1623 = arith.cmpi sgt, %add3A_1617, %sign3A_1622 : vector<16xi32>
    %sign3A_1624 = arith.extui %sign3A_1623 : vector<16xi1> to vector<16xi32>
    %sign3A_1625 = arith.constant 0 : i32
    %sign3A_1626 = vector.broadcast %sign3A_1625 : i32 to vector<16xi32>
    %sign3A_1627 = arith.cmpi slt, %add3A_1617, %sign3A_1626 : vector<16xi32>
    %sign3A_1628 = arith.extui %sign3A_1627 : vector<16xi1> to vector<16xi32>
    %sign3A_1629 = arith.subi %sign3A_1624, %sign3A_1628 : vector<16xi32>
    %sign3A_1630 = arith.constant 0 : i32
    %sign3A_1631 = arith.cmpi sgt, %jit3A_1618, %sign3A_1630 : i32
    %sign3A_1632 = arith.extui %sign3A_1631 : i1 to i32
    %sign3A_1633 = arith.constant 0 : i32
    %sign3A_1634 = arith.cmpi slt, %jit3A_1618, %sign3A_1633 : i32
    %sign3A_1635 = arith.extui %sign3A_1634 : i1 to i32
    %sign3A_1636 = arith.subi %sign3A_1632, %sign3A_1635 : i32
    %ne3A_1637 = vector.broadcast %sign3A_1636 : i32 to vector<16xi32>
    %ne3A_1638 = arith.cmpi ne, %sign3A_1629, %ne3A_1637 : vector<16xi32>
    %rem3A_1639 = vector.broadcast %jit3A_1618 : i32 to vector<16xi32>
    %rem3A_1640 = arith.remsi %add3A_1617, %rem3A_1639 : vector<16xi32>
    %ne3A_1641 = arith.constant 0 : i32
    %ne3A_1642 = vector.broadcast %ne3A_1641 : i32 to vector<16xi32>
    %ne3A_1643 = arith.cmpi ne, %rem3A_1640, %ne3A_1642 : vector<16xi32>
    %and3A_1644 = arith.andi %ne3A_1638, %ne3A_1643 : vector<16xi1>
    %sub3A_1645 = arith.constant 1 : i32
    %sub3A_1646 = vector.broadcast %sub3A_1645 : i32 to vector<16xi32>
    %sub3A_1647 = arith.subi %div3A_1620, %sub3A_1646 : vector<16xi32>
    %select_n3A_1648 = arith.select %and3A_1644, %sub3A_1647, %div3A_1620 : vector<16xi1>, vector<16xi32>
    %mul3A_1649 = arith.constant 8 : i32
    %mul3A_1650 = vector.broadcast %mul3A_1649 : i32 to vector<16xi32>
    %mul3A_1651 = arith.muli %select_n3A_1648, %mul3A_1650 : vector<16xi32>
    %jit3A_1652 = arith.constant 17 : i32
    %eq3A_1653 = arith.constant 0 : i32
    %eq3A_1654 = arith.cmpi eq, %jit3A_1652, %eq3A_1653 : i32
    %jit3A_1655 = arith.constant 1 : i32
    %select_n3A_1656 = arith.select %eq3A_1654, %jit3A_1655, %jit3A_1652 : i32
    %rem3A_1657 = vector.broadcast %select_n3A_1656 : i32 to vector<16xi32>
    %rem3A_1658 = arith.remsi %add3A_1617, %rem3A_1657 : vector<16xi32>
    %ne3A_1659 = arith.constant 0 : i32
    %ne3A_1660 = vector.broadcast %ne3A_1659 : i32 to vector<16xi32>
    %ne3A_1661 = arith.cmpi ne, %rem3A_1658, %ne3A_1660 : vector<16xi32>
    %lt3A_1662 = arith.constant 0 : i32
    %lt3A_1663 = vector.broadcast %lt3A_1662 : i32 to vector<16xi32>
    %lt3A_1664 = arith.cmpi slt, %rem3A_1658, %lt3A_1663 : vector<16xi32>
    %lt3A_1665 = arith.constant 0 : i32
    %lt3A_1666 = arith.cmpi slt, %select_n3A_1656, %lt3A_1665 : i32
    %ne3A_1667 = vector.broadcast %lt3A_1666 : i1 to vector<16xi1>
    %ne3A_1668 = vector.broadcast %ne3A_1667 : vector<16xi1> to vector<16xi1>
    %ne3A_1669 = arith.xori %lt3A_1664, %ne3A_1668 : vector<16xi1>
    %and3A_1670 = arith.andi %ne3A_1669, %ne3A_1661 : vector<16xi1>
    %add3A_1671 = vector.broadcast %select_n3A_1656 : i32 to vector<16xi32>
    %add3A_1672 = arith.addi %rem3A_1658, %add3A_1671 : vector<16xi32>
    %select_n3A_1673 = arith.select %and3A_1670, %add3A_1672, %rem3A_1658 : vector<16xi1>, vector<16xi32>
    %min3A_1674 = arith.constant 7 : i32
    %min3A_1675 = vector.broadcast %min3A_1674 : i32 to vector<16xi32>
    %min3A_1676 = arith.minsi %select_n3A_1673, %min3A_1675 : vector<16xi32>
    %add3A_1677 = arith.addi %mul3A_1651, %min3A_1676 : vector<16xi32>
    %min3A_1678 = arith.constant 263 : i32
    %min3A_1679 = vector.broadcast %min3A_1678 : i32 to vector<16xi32>
    %min3A_1680 = arith.minsi %add3A_1677, %min3A_1679 : vector<16xi32>
    %gather3A_1681 = tpu.vector_load_idx %arg5[%min3A_1680] : memref<264xf32, #tpu.memory_space<vmem>>[vector<16xi32>], vector<16xf32>,
    %swap3A_1682 = arith.constant 368 : index
    %swap3A_1683 = tpu.vector_load %arg6[%swap3A_1682] {strides = array<i32>} : memref<576xf32, #tpu.memory_space<vmem>>, vector<16xf32>,
    tpu.vector_store %arg6[%swap3A_1682], %gather3A_1681 {strides = array<i32>} : memref<576xf32, #tpu.memory_space<vmem>>, vector<16xf32>,
    %add3A_1684 = arith.constant 384 : i32
    %add3A_1685 = vector.broadcast %add3A_1684 : i32 to vector<16xi32>
    %add3A_1686 = arith.addi %add3A_1685, %iota3A : vector<16xi32>
    %jit3A_1687 = arith.constant 17 : i32
    %div3A_1688 = vector.broadcast %jit3A_1687 : i32 to vector<16xi32>
    %div3A_1689 = arith.divsi %add3A_1686, %div3A_1688 : vector<16xi32>
    %sign3A_1690 = arith.constant 0 : i32
    %sign3A_1691 = vector.broadcast %sign3A_1690 : i32 to vector<16xi32>
    %sign3A_1692 = arith.cmpi sgt, %add3A_1686, %sign3A_1691 : vector<16xi32>
    %sign3A_1693 = arith.extui %sign3A_1692 : vector<16xi1> to vector<16xi32>
    %sign3A_1694 = arith.constant 0 : i32
    %sign3A_1695 = vector.broadcast %sign3A_1694 : i32 to vector<16xi32>
    %sign3A_1696 = arith.cmpi slt, %add3A_1686, %sign3A_1695 : vector<16xi32>
    %sign3A_1697 = arith.extui %sign3A_1696 : vector<16xi1> to vector<16xi32>
    %sign3A_1698 = arith.subi %sign3A_1693, %sign3A_1697 : vector<16xi32>
    %sign3A_1699 = arith.constant 0 : i32
    %sign3A_1700 = arith.cmpi sgt, %jit3A_1687, %sign3A_1699 : i32
    %sign3A_1701 = arith.extui %sign3A_1700 : i1 to i32
    %sign3A_1702 = arith.constant 0 : i32
    %sign3A_1703 = arith.cmpi slt, %jit3A_1687, %sign3A_1702 : i32
    %sign3A_1704 = arith.extui %sign3A_1703 : i1 to i32
    %sign3A_1705 = arith.subi %sign3A_1701, %sign3A_1704 : i32
    %ne3A_1706 = vector.broadcast %sign3A_1705 : i32 to vector<16xi32>
    %ne3A_1707 = arith.cmpi ne, %sign3A_1698, %ne3A_1706 : vector<16xi32>
    %rem3A_1708 = vector.broadcast %jit3A_1687 : i32 to vector<16xi32>
    %rem3A_1709 = arith.remsi %add3A_1686, %rem3A_1708 : vector<16xi32>
    %ne3A_1710 = arith.constant 0 : i32
    %ne3A_1711 = vector.broadcast %ne3A_1710 : i32 to vector<16xi32>
    %ne3A_1712 = arith.cmpi ne, %rem3A_1709, %ne3A_1711 : vector<16xi32>
    %and3A_1713 = arith.andi %ne3A_1707, %ne3A_1712 : vector<16xi1>
    %sub3A_1714 = arith.constant 1 : i32
    %sub3A_1715 = vector.broadcast %sub3A_1714 : i32 to vector<16xi32>
    %sub3A_1716 = arith.subi %div3A_1689, %sub3A_1715 : vector<16xi32>
    %select_n3A_1717 = arith.select %and3A_1713, %sub3A_1716, %div3A_1689 : vector<16xi1>, vector<16xi32>
    %mul3A_1718 = arith.constant 8 : i32
    %mul3A_1719 = vector.broadcast %mul3A_1718 : i32 to vector<16xi32>
    %mul3A_1720 = arith.muli %select_n3A_1717, %mul3A_1719 : vector<16xi32>
    %jit3A_1721 = arith.constant 17 : i32
    %eq3A_1722 = arith.constant 0 : i32
    %eq3A_1723 = arith.cmpi eq, %jit3A_1721, %eq3A_1722 : i32
    %jit3A_1724 = arith.constant 1 : i32
    %select_n3A_1725 = arith.select %eq3A_1723, %jit3A_1724, %jit3A_1721 : i32
    %rem3A_1726 = vector.broadcast %select_n3A_1725 : i32 to vector<16xi32>
    %rem3A_1727 = arith.remsi %add3A_1686, %rem3A_1726 : vector<16xi32>
    %ne3A_1728 = arith.constant 0 : i32
    %ne3A_1729 = vector.broadcast %ne3A_1728 : i32 to vector<16xi32>
    %ne3A_1730 = arith.cmpi ne, %rem3A_1727, %ne3A_1729 : vector<16xi32>
    %lt3A_1731 = arith.constant 0 : i32
    %lt3A_1732 = vector.broadcast %lt3A_1731 : i32 to vector<16xi32>
    %lt3A_1733 = arith.cmpi slt, %rem3A_1727, %lt3A_1732 : vector<16xi32>
    %lt3A_1734 = arith.constant 0 : i32
    %lt3A_1735 = arith.cmpi slt, %select_n3A_1725, %lt3A_1734 : i32
    %ne3A_1736 = vector.broadcast %lt3A_1735 : i1 to vector<16xi1>
    %ne3A_1737 = vector.broadcast %ne3A_1736 : vector<16xi1> to vector<16xi1>
    %ne3A_1738 = arith.xori %lt3A_1733, %ne3A_1737 : vector<16xi1>
    %and3A_1739 = arith.andi %ne3A_1738, %ne3A_1730 : vector<16xi1>
    %add3A_1740 = vector.broadcast %select_n3A_1725 : i32 to vector<16xi32>
    %add3A_1741 = arith.addi %rem3A_1727, %add3A_1740 : vector<16xi32>
    %select_n3A_1742 = arith.select %and3A_1739, %add3A_1741, %rem3A_1727 : vector<16xi1>, vector<16xi32>
    %min3A_1743 = arith.constant 7 : i32
    %min3A_1744 = vector.broadcast %min3A_1743 : i32 to vector<16xi32>
    %min3A_1745 = arith.minsi %select_n3A_1742, %min3A_1744 : vector<16xi32>
    %add3A_1746 = arith.addi %mul3A_1720, %min3A_1745 : vector<16xi32>
    %min3A_1747 = arith.constant 263 : i32
    %min3A_1748 = vector.broadcast %min3A_1747 : i32 to vector<16xi32>
    %min3A_1749 = arith.minsi %add3A_1746, %min3A_1748 : vector<16xi32>
    %gather3A_1750 = tpu.vector_load_idx %arg5[%min3A_1749] : memref<264xf32, #tpu.memory_space<vmem>>[vector<16xi32>], vector<16xf32>,
    %swap3A_1751 = arith.constant 384 : index
    %swap3A_1752 = tpu.vector_load %arg6[%swap3A_1751] {strides = array<i32>} : memref<576xf32, #tpu.memory_space<vmem>>, vector<16xf32>,
    tpu.vector_store %arg6[%swap3A_1751], %gather3A_1750 {strides = array<i32>} : memref<576xf32, #tpu.memory_space<vmem>>, vector<16xf32>,
    %add3A_1753 = arith.constant 400 : i32
    %add3A_1754 = vector.broadcast %add3A_1753 : i32 to vector<16xi32>
    %add3A_1755 = arith.addi %add3A_1754, %iota3A : vector<16xi32>
    %jit3A_1756 = arith.constant 17 : i32
    %div3A_1757 = vector.broadcast %jit3A_1756 : i32 to vector<16xi32>
    %div3A_1758 = arith.divsi %add3A_1755, %div3A_1757 : vector<16xi32>
    %sign3A_1759 = arith.constant 0 : i32
    %sign3A_1760 = vector.broadcast %sign3A_1759 : i32 to vector<16xi32>
    %sign3A_1761 = arith.cmpi sgt, %add3A_1755, %sign3A_1760 : vector<16xi32>
    %sign3A_1762 = arith.extui %sign3A_1761 : vector<16xi1> to vector<16xi32>
    %sign3A_1763 = arith.constant 0 : i32
    %sign3A_1764 = vector.broadcast %sign3A_1763 : i32 to vector<16xi32>
    %sign3A_1765 = arith.cmpi slt, %add3A_1755, %sign3A_1764 : vector<16xi32>
    %sign3A_1766 = arith.extui %sign3A_1765 : vector<16xi1> to vector<16xi32>
    %sign3A_1767 = arith.subi %sign3A_1762, %sign3A_1766 : vector<16xi32>
    %sign3A_1768 = arith.constant 0 : i32
    %sign3A_1769 = arith.cmpi sgt, %jit3A_1756, %sign3A_1768 : i32
    %sign3A_1770 = arith.extui %sign3A_1769 : i1 to i32
    %sign3A_1771 = arith.constant 0 : i32
    %sign3A_1772 = arith.cmpi slt, %jit3A_1756, %sign3A_1771 : i32
    %sign3A_1773 = arith.extui %sign3A_1772 : i1 to i32
    %sign3A_1774 = arith.subi %sign3A_1770, %sign3A_1773 : i32
    %ne3A_1775 = vector.broadcast %sign3A_1774 : i32 to vector<16xi32>
    %ne3A_1776 = arith.cmpi ne, %sign3A_1767, %ne3A_1775 : vector<16xi32>
    %rem3A_1777 = vector.broadcast %jit3A_1756 : i32 to vector<16xi32>
    %rem3A_1778 = arith.remsi %add3A_1755, %rem3A_1777 : vector<16xi32>
    %ne3A_1779 = arith.constant 0 : i32
    %ne3A_1780 = vector.broadcast %ne3A_1779 : i32 to vector<16xi32>
    %ne3A_1781 = arith.cmpi ne, %rem3A_1778, %ne3A_1780 : vector<16xi32>
    %and3A_1782 = arith.andi %ne3A_1776, %ne3A_1781 : vector<16xi1>
    %sub3A_1783 = arith.constant 1 : i32
    %sub3A_1784 = vector.broadcast %sub3A_1783 : i32 to vector<16xi32>
    %sub3A_1785 = arith.subi %div3A_1758, %sub3A_1784 : vector<16xi32>
    %select_n3A_1786 = arith.select %and3A_1782, %sub3A_1785, %div3A_1758 : vector<16xi1>, vector<16xi32>
    %mul3A_1787 = arith.constant 8 : i32
    %mul3A_1788 = vector.broadcast %mul3A_1787 : i32 to vector<16xi32>
    %mul3A_1789 = arith.muli %select_n3A_1786, %mul3A_1788 : vector<16xi32>
    %jit3A_1790 = arith.constant 17 : i32
    %eq3A_1791 = arith.constant 0 : i32
    %eq3A_1792 = arith.cmpi eq, %jit3A_1790, %eq3A_1791 : i32
    %jit3A_1793 = arith.constant 1 : i32
    %select_n3A_1794 = arith.select %eq3A_1792, %jit3A_1793, %jit3A_1790 : i32
    %rem3A_1795 = vector.broadcast %select_n3A_1794 : i32 to vector<16xi32>
    %rem3A_1796 = arith.remsi %add3A_1755, %rem3A_1795 : vector<16xi32>
    %ne3A_1797 = arith.constant 0 : i32
    %ne3A_1798 = vector.broadcast %ne3A_1797 : i32 to vector<16xi32>
    %ne3A_1799 = arith.cmpi ne, %rem3A_1796, %ne3A_1798 : vector<16xi32>
    %lt3A_1800 = arith.constant 0 : i32
    %lt3A_1801 = vector.broadcast %lt3A_1800 : i32 to vector<16xi32>
    %lt3A_1802 = arith.cmpi slt, %rem3A_1796, %lt3A_1801 : vector<16xi32>
    %lt3A_1803 = arith.constant 0 : i32
    %lt3A_1804 = arith.cmpi slt, %select_n3A_1794, %lt3A_1803 : i32
    %ne3A_1805 = vector.broadcast %lt3A_1804 : i1 to vector<16xi1>
    %ne3A_1806 = vector.broadcast %ne3A_1805 : vector<16xi1> to vector<16xi1>
    %ne3A_1807 = arith.xori %lt3A_1802, %ne3A_1806 : vector<16xi1>
    %and3A_1808 = arith.andi %ne3A_1807, %ne3A_1799 : vector<16xi1>
    %add3A_1809 = vector.broadcast %select_n3A_1794 : i32 to vector<16xi32>
    %add3A_1810 = arith.addi %rem3A_1796, %add3A_1809 : vector<16xi32>
    %select_n3A_1811 = arith.select %and3A_1808, %add3A_1810, %rem3A_1796 : vector<16xi1>, vector<16xi32>
    %min3A_1812 = arith.constant 7 : i32
    %min3A_1813 = vector.broadcast %min3A_1812 : i32 to vector<16xi32>
    %min3A_1814 = arith.minsi %select_n3A_1811, %min3A_1813 : vector<16xi32>
    %add3A_1815 = arith.addi %mul3A_1789, %min3A_1814 : vector<16xi32>
    %min3A_1816 = arith.constant 263 : i32
    %min3A_1817 = vector.broadcast %min3A_1816 : i32 to vector<16xi32>
    %min3A_1818 = arith.minsi %add3A_1815, %min3A_1817 : vector<16xi32>
    %gather3A_1819 = tpu.vector_load_idx %arg5[%min3A_1818] : memref<264xf32, #tpu.memory_space<vmem>>[vector<16xi32>], vector<16xf32>,
    %swap3A_1820 = arith.constant 400 : index
    %swap3A_1821 = tpu.vector_load %arg6[%swap3A_1820] {strides = array<i32>} : memref<576xf32, #tpu.memory_space<vmem>>, vector<16xf32>,
    tpu.vector_store %arg6[%swap3A_1820], %gather3A_1819 {strides = array<i32>} : memref<576xf32, #tpu.memory_space<vmem>>, vector<16xf32>,
    %add3A_1822 = arith.constant 416 : i32
    %add3A_1823 = vector.broadcast %add3A_1822 : i32 to vector<16xi32>
    %add3A_1824 = arith.addi %add3A_1823, %iota3A : vector<16xi32>
    %jit3A_1825 = arith.constant 17 : i32
    %div3A_1826 = vector.broadcast %jit3A_1825 : i32 to vector<16xi32>
    %div3A_1827 = arith.divsi %add3A_1824, %div3A_1826 : vector<16xi32>
    %sign3A_1828 = arith.constant 0 : i32
    %sign3A_1829 = vector.broadcast %sign3A_1828 : i32 to vector<16xi32>
    %sign3A_1830 = arith.cmpi sgt, %add3A_1824, %sign3A_1829 : vector<16xi32>
    %sign3A_1831 = arith.extui %sign3A_1830 : vector<16xi1> to vector<16xi32>
    %sign3A_1832 = arith.constant 0 : i32
    %sign3A_1833 = vector.broadcast %sign3A_1832 : i32 to vector<16xi32>
    %sign3A_1834 = arith.cmpi slt, %add3A_1824, %sign3A_1833 : vector<16xi32>
    %sign3A_1835 = arith.extui %sign3A_1834 : vector<16xi1> to vector<16xi32>
    %sign3A_1836 = arith.subi %sign3A_1831, %sign3A_1835 : vector<16xi32>
    %sign3A_1837 = arith.constant 0 : i32
    %sign3A_1838 = arith.cmpi sgt, %jit3A_1825, %sign3A_1837 : i32
    %sign3A_1839 = arith.extui %sign3A_1838 : i1 to i32
    %sign3A_1840 = arith.constant 0 : i32
    %sign3A_1841 = arith.cmpi slt, %jit3A_1825, %sign3A_1840 : i32
    %sign3A_1842 = arith.extui %sign3A_1841 : i1 to i32
    %sign3A_1843 = arith.subi %sign3A_1839, %sign3A_1842 : i32
    %ne3A_1844 = vector.broadcast %sign3A_1843 : i32 to vector<16xi32>
    %ne3A_1845 = arith.cmpi ne, %sign3A_1836, %ne3A_1844 : vector<16xi32>
    %rem3A_1846 = vector.broadcast %jit3A_1825 : i32 to vector<16xi32>
    %rem3A_1847 = arith.remsi %add3A_1824, %rem3A_1846 : vector<16xi32>
    %ne3A_1848 = arith.constant 0 : i32
    %ne3A_1849 = vector.broadcast %ne3A_1848 : i32 to vector<16xi32>
    %ne3A_1850 = arith.cmpi ne, %rem3A_1847, %ne3A_1849 : vector<16xi32>
    %and3A_1851 = arith.andi %ne3A_1845, %ne3A_1850 : vector<16xi1>
    %sub3A_1852 = arith.constant 1 : i32
    %sub3A_1853 = vector.broadcast %sub3A_1852 : i32 to vector<16xi32>
    %sub3A_1854 = arith.subi %div3A_1827, %sub3A_1853 : vector<16xi32>
    %select_n3A_1855 = arith.select %and3A_1851, %sub3A_1854, %div3A_1827 : vector<16xi1>, vector<16xi32>
    %mul3A_1856 = arith.constant 8 : i32
    %mul3A_1857 = vector.broadcast %mul3A_1856 : i32 to vector<16xi32>
    %mul3A_1858 = arith.muli %select_n3A_1855, %mul3A_1857 : vector<16xi32>
    %jit3A_1859 = arith.constant 17 : i32
    %eq3A_1860 = arith.constant 0 : i32
    %eq3A_1861 = arith.cmpi eq, %jit3A_1859, %eq3A_1860 : i32
    %jit3A_1862 = arith.constant 1 : i32
    %select_n3A_1863 = arith.select %eq3A_1861, %jit3A_1862, %jit3A_1859 : i32
    %rem3A_1864 = vector.broadcast %select_n3A_1863 : i32 to vector<16xi32>
    %rem3A_1865 = arith.remsi %add3A_1824, %rem3A_1864 : vector<16xi32>
    %ne3A_1866 = arith.constant 0 : i32
    %ne3A_1867 = vector.broadcast %ne3A_1866 : i32 to vector<16xi32>
    %ne3A_1868 = arith.cmpi ne, %rem3A_1865, %ne3A_1867 : vector<16xi32>
    %lt3A_1869 = arith.constant 0 : i32
    %lt3A_1870 = vector.broadcast %lt3A_1869 : i32 to vector<16xi32>
    %lt3A_1871 = arith.cmpi slt, %rem3A_1865, %lt3A_1870 : vector<16xi32>
    %lt3A_1872 = arith.constant 0 : i32
    %lt3A_1873 = arith.cmpi slt, %select_n3A_1863, %lt3A_1872 : i32
    %ne3A_1874 = vector.broadcast %lt3A_1873 : i1 to vector<16xi1>
    %ne3A_1875 = vector.broadcast %ne3A_1874 : vector<16xi1> to vector<16xi1>
    %ne3A_1876 = arith.xori %lt3A_1871, %ne3A_1875 : vector<16xi1>
    %and3A_1877 = arith.andi %ne3A_1876, %ne3A_1868 : vector<16xi1>
    %add3A_1878 = vector.broadcast %select_n3A_1863 : i32 to vector<16xi32>
    %add3A_1879 = arith.addi %rem3A_1865, %add3A_1878 : vector<16xi32>
    %select_n3A_1880 = arith.select %and3A_1877, %add3A_1879, %rem3A_1865 : vector<16xi1>, vector<16xi32>
    %min3A_1881 = arith.constant 7 : i32
    %min3A_1882 = vector.broadcast %min3A_1881 : i32 to vector<16xi32>
    %min3A_1883 = arith.minsi %select_n3A_1880, %min3A_1882 : vector<16xi32>
    %add3A_1884 = arith.addi %mul3A_1858, %min3A_1883 : vector<16xi32>
    %min3A_1885 = arith.constant 263 : i32
    %min3A_1886 = vector.broadcast %min3A_1885 : i32 to vector<16xi32>
    %min3A_1887 = arith.minsi %add3A_1884, %min3A_1886 : vector<16xi32>
    %gather3A_1888 = tpu.vector_load_idx %arg5[%min3A_1887] : memref<264xf32, #tpu.memory_space<vmem>>[vector<16xi32>], vector<16xf32>,
    %swap3A_1889 = arith.constant 416 : index
    %swap3A_1890 = tpu.vector_load %arg6[%swap3A_1889] {strides = array<i32>} : memref<576xf32, #tpu.memory_space<vmem>>, vector<16xf32>,
    tpu.vector_store %arg6[%swap3A_1889], %gather3A_1888 {strides = array<i32>} : memref<576xf32, #tpu.memory_space<vmem>>, vector<16xf32>,
    %add3A_1891 = arith.constant 432 : i32
    %add3A_1892 = vector.broadcast %add3A_1891 : i32 to vector<16xi32>
    %add3A_1893 = arith.addi %add3A_1892, %iota3A : vector<16xi32>
    %jit3A_1894 = arith.constant 17 : i32
    %div3A_1895 = vector.broadcast %jit3A_1894 : i32 to vector<16xi32>
    %div3A_1896 = arith.divsi %add3A_1893, %div3A_1895 : vector<16xi32>
    %sign3A_1897 = arith.constant 0 : i32
    %sign3A_1898 = vector.broadcast %sign3A_1897 : i32 to vector<16xi32>
    %sign3A_1899 = arith.cmpi sgt, %add3A_1893, %sign3A_1898 : vector<16xi32>
    %sign3A_1900 = arith.extui %sign3A_1899 : vector<16xi1> to vector<16xi32>
    %sign3A_1901 = arith.constant 0 : i32
    %sign3A_1902 = vector.broadcast %sign3A_1901 : i32 to vector<16xi32>
    %sign3A_1903 = arith.cmpi slt, %add3A_1893, %sign3A_1902 : vector<16xi32>
    %sign3A_1904 = arith.extui %sign3A_1903 : vector<16xi1> to vector<16xi32>
    %sign3A_1905 = arith.subi %sign3A_1900, %sign3A_1904 : vector<16xi32>
    %sign3A_1906 = arith.constant 0 : i32
    %sign3A_1907 = arith.cmpi sgt, %jit3A_1894, %sign3A_1906 : i32
    %sign3A_1908 = arith.extui %sign3A_1907 : i1 to i32
    %sign3A_1909 = arith.constant 0 : i32
    %sign3A_1910 = arith.cmpi slt, %jit3A_1894, %sign3A_1909 : i32
    %sign3A_1911 = arith.extui %sign3A_1910 : i1 to i32
    %sign3A_1912 = arith.subi %sign3A_1908, %sign3A_1911 : i32
    %ne3A_1913 = vector.broadcast %sign3A_1912 : i32 to vector<16xi32>
    %ne3A_1914 = arith.cmpi ne, %sign3A_1905, %ne3A_1913 : vector<16xi32>
    %rem3A_1915 = vector.broadcast %jit3A_1894 : i32 to vector<16xi32>
    %rem3A_1916 = arith.remsi %add3A_1893, %rem3A_1915 : vector<16xi32>
    %ne3A_1917 = arith.constant 0 : i32
    %ne3A_1918 = vector.broadcast %ne3A_1917 : i32 to vector<16xi32>
    %ne3A_1919 = arith.cmpi ne, %rem3A_1916, %ne3A_1918 : vector<16xi32>
    %and3A_1920 = arith.andi %ne3A_1914, %ne3A_1919 : vector<16xi1>
    %sub3A_1921 = arith.constant 1 : i32
    %sub3A_1922 = vector.broadcast %sub3A_1921 : i32 to vector<16xi32>
    %sub3A_1923 = arith.subi %div3A_1896, %sub3A_1922 : vector<16xi32>
    %select_n3A_1924 = arith.select %and3A_1920, %sub3A_1923, %div3A_1896 : vector<16xi1>, vector<16xi32>
    %mul3A_1925 = arith.constant 8 : i32
    %mul3A_1926 = vector.broadcast %mul3A_1925 : i32 to vector<16xi32>
    %mul3A_1927 = arith.muli %select_n3A_1924, %mul3A_1926 : vector<16xi32>
    %jit3A_1928 = arith.constant 17 : i32
    %eq3A_1929 = arith.constant 0 : i32
    %eq3A_1930 = arith.cmpi eq, %jit3A_1928, %eq3A_1929 : i32
    %jit3A_1931 = arith.constant 1 : i32
    %select_n3A_1932 = arith.select %eq3A_1930, %jit3A_1931, %jit3A_1928 : i32
    %rem3A_1933 = vector.broadcast %select_n3A_1932 : i32 to vector<16xi32>
    %rem3A_1934 = arith.remsi %add3A_1893, %rem3A_1933 : vector<16xi32>
    %ne3A_1935 = arith.constant 0 : i32
    %ne3A_1936 = vector.broadcast %ne3A_1935 : i32 to vector<16xi32>
    %ne3A_1937 = arith.cmpi ne, %rem3A_1934, %ne3A_1936 : vector<16xi32>
    %lt3A_1938 = arith.constant 0 : i32
    %lt3A_1939 = vector.broadcast %lt3A_1938 : i32 to vector<16xi32>
    %lt3A_1940 = arith.cmpi slt, %rem3A_1934, %lt3A_1939 : vector<16xi32>
    %lt3A_1941 = arith.constant 0 : i32
    %lt3A_1942 = arith.cmpi slt, %select_n3A_1932, %lt3A_1941 : i32
    %ne3A_1943 = vector.broadcast %lt3A_1942 : i1 to vector<16xi1>
    %ne3A_1944 = vector.broadcast %ne3A_1943 : vector<16xi1> to vector<16xi1>
    %ne3A_1945 = arith.xori %lt3A_1940, %ne3A_1944 : vector<16xi1>
    %and3A_1946 = arith.andi %ne3A_1945, %ne3A_1937 : vector<16xi1>
    %add3A_1947 = vector.broadcast %select_n3A_1932 : i32 to vector<16xi32>
    %add3A_1948 = arith.addi %rem3A_1934, %add3A_1947 : vector<16xi32>
    %select_n3A_1949 = arith.select %and3A_1946, %add3A_1948, %rem3A_1934 : vector<16xi1>, vector<16xi32>
    %min3A_1950 = arith.constant 7 : i32
    %min3A_1951 = vector.broadcast %min3A_1950 : i32 to vector<16xi32>
    %min3A_1952 = arith.minsi %select_n3A_1949, %min3A_1951 : vector<16xi32>
    %add3A_1953 = arith.addi %mul3A_1927, %min3A_1952 : vector<16xi32>
    %min3A_1954 = arith.constant 263 : i32
    %min3A_1955 = vector.broadcast %min3A_1954 : i32 to vector<16xi32>
    %min3A_1956 = arith.minsi %add3A_1953, %min3A_1955 : vector<16xi32>
    %gather3A_1957 = tpu.vector_load_idx %arg5[%min3A_1956] : memref<264xf32, #tpu.memory_space<vmem>>[vector<16xi32>], vector<16xf32>,
    %swap3A_1958 = arith.constant 432 : index
    %swap3A_1959 = tpu.vector_load %arg6[%swap3A_1958] {strides = array<i32>} : memref<576xf32, #tpu.memory_space<vmem>>, vector<16xf32>,
    tpu.vector_store %arg6[%swap3A_1958], %gather3A_1957 {strides = array<i32>} : memref<576xf32, #tpu.memory_space<vmem>>, vector<16xf32>,
    %add3A_1960 = arith.constant 448 : i32
    %add3A_1961 = vector.broadcast %add3A_1960 : i32 to vector<16xi32>
    %add3A_1962 = arith.addi %add3A_1961, %iota3A : vector<16xi32>
    %jit3A_1963 = arith.constant 17 : i32
    %div3A_1964 = vector.broadcast %jit3A_1963 : i32 to vector<16xi32>
    %div3A_1965 = arith.divsi %add3A_1962, %div3A_1964 : vector<16xi32>
    %sign3A_1966 = arith.constant 0 : i32
    %sign3A_1967 = vector.broadcast %sign3A_1966 : i32 to vector<16xi32>
    %sign3A_1968 = arith.cmpi sgt, %add3A_1962, %sign3A_1967 : vector<16xi32>
    %sign3A_1969 = arith.extui %sign3A_1968 : vector<16xi1> to vector<16xi32>
    %sign3A_1970 = arith.constant 0 : i32
    %sign3A_1971 = vector.broadcast %sign3A_1970 : i32 to vector<16xi32>
    %sign3A_1972 = arith.cmpi slt, %add3A_1962, %sign3A_1971 : vector<16xi32>
    %sign3A_1973 = arith.extui %sign3A_1972 : vector<16xi1> to vector<16xi32>
    %sign3A_1974 = arith.subi %sign3A_1969, %sign3A_1973 : vector<16xi32>
    %sign3A_1975 = arith.constant 0 : i32
    %sign3A_1976 = arith.cmpi sgt, %jit3A_1963, %sign3A_1975 : i32
    %sign3A_1977 = arith.extui %sign3A_1976 : i1 to i32
    %sign3A_1978 = arith.constant 0 : i32
    %sign3A_1979 = arith.cmpi slt, %jit3A_1963, %sign3A_1978 : i32
    %sign3A_1980 = arith.extui %sign3A_1979 : i1 to i32
    %sign3A_1981 = arith.subi %sign3A_1977, %sign3A_1980 : i32
    %ne3A_1982 = vector.broadcast %sign3A_1981 : i32 to vector<16xi32>
    %ne3A_1983 = arith.cmpi ne, %sign3A_1974, %ne3A_1982 : vector<16xi32>
    %rem3A_1984 = vector.broadcast %jit3A_1963 : i32 to vector<16xi32>
    %rem3A_1985 = arith.remsi %add3A_1962, %rem3A_1984 : vector<16xi32>
    %ne3A_1986 = arith.constant 0 : i32
    %ne3A_1987 = vector.broadcast %ne3A_1986 : i32 to vector<16xi32>
    %ne3A_1988 = arith.cmpi ne, %rem3A_1985, %ne3A_1987 : vector<16xi32>
    %and3A_1989 = arith.andi %ne3A_1983, %ne3A_1988 : vector<16xi1>
    %sub3A_1990 = arith.constant 1 : i32
    %sub3A_1991 = vector.broadcast %sub3A_1990 : i32 to vector<16xi32>
    %sub3A_1992 = arith.subi %div3A_1965, %sub3A_1991 : vector<16xi32>
    %select_n3A_1993 = arith.select %and3A_1989, %sub3A_1992, %div3A_1965 : vector<16xi1>, vector<16xi32>
    %mul3A_1994 = arith.constant 8 : i32
    %mul3A_1995 = vector.broadcast %mul3A_1994 : i32 to vector<16xi32>
    %mul3A_1996 = arith.muli %select_n3A_1993, %mul3A_1995 : vector<16xi32>
    %jit3A_1997 = arith.constant 17 : i32
    %eq3A_1998 = arith.constant 0 : i32
    %eq3A_1999 = arith.cmpi eq, %jit3A_1997, %eq3A_1998 : i32
    %jit3A_2000 = arith.constant 1 : i32
    %select_n3A_2001 = arith.select %eq3A_1999, %jit3A_2000, %jit3A_1997 : i32
    %rem3A_2002 = vector.broadcast %select_n3A_2001 : i32 to vector<16xi32>
    %rem3A_2003 = arith.remsi %add3A_1962, %rem3A_2002 : vector<16xi32>
    %ne3A_2004 = arith.constant 0 : i32
    %ne3A_2005 = vector.broadcast %ne3A_2004 : i32 to vector<16xi32>
    %ne3A_2006 = arith.cmpi ne, %rem3A_2003, %ne3A_2005 : vector<16xi32>
    %lt3A_2007 = arith.constant 0 : i32
    %lt3A_2008 = vector.broadcast %lt3A_2007 : i32 to vector<16xi32>
    %lt3A_2009 = arith.cmpi slt, %rem3A_2003, %lt3A_2008 : vector<16xi32>
    %lt3A_2010 = arith.constant 0 : i32
    %lt3A_2011 = arith.cmpi slt, %select_n3A_2001, %lt3A_2010 : i32
    %ne3A_2012 = vector.broadcast %lt3A_2011 : i1 to vector<16xi1>
    %ne3A_2013 = vector.broadcast %ne3A_2012 : vector<16xi1> to vector<16xi1>
    %ne3A_2014 = arith.xori %lt3A_2009, %ne3A_2013 : vector<16xi1>
    %and3A_2015 = arith.andi %ne3A_2014, %ne3A_2006 : vector<16xi1>
    %add3A_2016 = vector.broadcast %select_n3A_2001 : i32 to vector<16xi32>
    %add3A_2017 = arith.addi %rem3A_2003, %add3A_2016 : vector<16xi32>
    %select_n3A_2018 = arith.select %and3A_2015, %add3A_2017, %rem3A_2003 : vector<16xi1>, vector<16xi32>
    %min3A_2019 = arith.constant 7 : i32
    %min3A_2020 = vector.broadcast %min3A_2019 : i32 to vector<16xi32>
    %min3A_2021 = arith.minsi %select_n3A_2018, %min3A_2020 : vector<16xi32>
    %add3A_2022 = arith.addi %mul3A_1996, %min3A_2021 : vector<16xi32>
    %min3A_2023 = arith.constant 263 : i32
    %min3A_2024 = vector.broadcast %min3A_2023 : i32 to vector<16xi32>
    %min3A_2025 = arith.minsi %add3A_2022, %min3A_2024 : vector<16xi32>
    %gather3A_2026 = tpu.vector_load_idx %arg5[%min3A_2025] : memref<264xf32, #tpu.memory_space<vmem>>[vector<16xi32>], vector<16xf32>,
    %swap3A_2027 = arith.constant 448 : index
    %swap3A_2028 = tpu.vector_load %arg6[%swap3A_2027] {strides = array<i32>} : memref<576xf32, #tpu.memory_space<vmem>>, vector<16xf32>,
    tpu.vector_store %arg6[%swap3A_2027], %gather3A_2026 {strides = array<i32>} : memref<576xf32, #tpu.memory_space<vmem>>, vector<16xf32>,
    %add3A_2029 = arith.constant 464 : i32
    %add3A_2030 = vector.broadcast %add3A_2029 : i32 to vector<16xi32>
    %add3A_2031 = arith.addi %add3A_2030, %iota3A : vector<16xi32>
    %jit3A_2032 = arith.constant 17 : i32
    %div3A_2033 = vector.broadcast %jit3A_2032 : i32 to vector<16xi32>
    %div3A_2034 = arith.divsi %add3A_2031, %div3A_2033 : vector<16xi32>
    %sign3A_2035 = arith.constant 0 : i32
    %sign3A_2036 = vector.broadcast %sign3A_2035 : i32 to vector<16xi32>
    %sign3A_2037 = arith.cmpi sgt, %add3A_2031, %sign3A_2036 : vector<16xi32>
    %sign3A_2038 = arith.extui %sign3A_2037 : vector<16xi1> to vector<16xi32>
    %sign3A_2039 = arith.constant 0 : i32
    %sign3A_2040 = vector.broadcast %sign3A_2039 : i32 to vector<16xi32>
    %sign3A_2041 = arith.cmpi slt, %add3A_2031, %sign3A_2040 : vector<16xi32>
    %sign3A_2042 = arith.extui %sign3A_2041 : vector<16xi1> to vector<16xi32>
    %sign3A_2043 = arith.subi %sign3A_2038, %sign3A_2042 : vector<16xi32>
    %sign3A_2044 = arith.constant 0 : i32
    %sign3A_2045 = arith.cmpi sgt, %jit3A_2032, %sign3A_2044 : i32
    %sign3A_2046 = arith.extui %sign3A_2045 : i1 to i32
    %sign3A_2047 = arith.constant 0 : i32
    %sign3A_2048 = arith.cmpi slt, %jit3A_2032, %sign3A_2047 : i32
    %sign3A_2049 = arith.extui %sign3A_2048 : i1 to i32
    %sign3A_2050 = arith.subi %sign3A_2046, %sign3A_2049 : i32
    %ne3A_2051 = vector.broadcast %sign3A_2050 : i32 to vector<16xi32>
    %ne3A_2052 = arith.cmpi ne, %sign3A_2043, %ne3A_2051 : vector<16xi32>
    %rem3A_2053 = vector.broadcast %jit3A_2032 : i32 to vector<16xi32>
    %rem3A_2054 = arith.remsi %add3A_2031, %rem3A_2053 : vector<16xi32>
    %ne3A_2055 = arith.constant 0 : i32
    %ne3A_2056 = vector.broadcast %ne3A_2055 : i32 to vector<16xi32>
    %ne3A_2057 = arith.cmpi ne, %rem3A_2054, %ne3A_2056 : vector<16xi32>
    %and3A_2058 = arith.andi %ne3A_2052, %ne3A_2057 : vector<16xi1>
    %sub3A_2059 = arith.constant 1 : i32
    %sub3A_2060 = vector.broadcast %sub3A_2059 : i32 to vector<16xi32>
    %sub3A_2061 = arith.subi %div3A_2034, %sub3A_2060 : vector<16xi32>
    %select_n3A_2062 = arith.select %and3A_2058, %sub3A_2061, %div3A_2034 : vector<16xi1>, vector<16xi32>
    %mul3A_2063 = arith.constant 8 : i32
    %mul3A_2064 = vector.broadcast %mul3A_2063 : i32 to vector<16xi32>
    %mul3A_2065 = arith.muli %select_n3A_2062, %mul3A_2064 : vector<16xi32>
    %jit3A_2066 = arith.constant 17 : i32
    %eq3A_2067 = arith.constant 0 : i32
    %eq3A_2068 = arith.cmpi eq, %jit3A_2066, %eq3A_2067 : i32
    %jit3A_2069 = arith.constant 1 : i32
    %select_n3A_2070 = arith.select %eq3A_2068, %jit3A_2069, %jit3A_2066 : i32
    %rem3A_2071 = vector.broadcast %select_n3A_2070 : i32 to vector<16xi32>
    %rem3A_2072 = arith.remsi %add3A_2031, %rem3A_2071 : vector<16xi32>
    %ne3A_2073 = arith.constant 0 : i32
    %ne3A_2074 = vector.broadcast %ne3A_2073 : i32 to vector<16xi32>
    %ne3A_2075 = arith.cmpi ne, %rem3A_2072, %ne3A_2074 : vector<16xi32>
    %lt3A_2076 = arith.constant 0 : i32
    %lt3A_2077 = vector.broadcast %lt3A_2076 : i32 to vector<16xi32>
    %lt3A_2078 = arith.cmpi slt, %rem3A_2072, %lt3A_2077 : vector<16xi32>
    %lt3A_2079 = arith.constant 0 : i32
    %lt3A_2080 = arith.cmpi slt, %select_n3A_2070, %lt3A_2079 : i32
    %ne3A_2081 = vector.broadcast %lt3A_2080 : i1 to vector<16xi1>
    %ne3A_2082 = vector.broadcast %ne3A_2081 : vector<16xi1> to vector<16xi1>
    %ne3A_2083 = arith.xori %lt3A_2078, %ne3A_2082 : vector<16xi1>
    %and3A_2084 = arith.andi %ne3A_2083, %ne3A_2075 : vector<16xi1>
    %add3A_2085 = vector.broadcast %select_n3A_2070 : i32 to vector<16xi32>
    %add3A_2086 = arith.addi %rem3A_2072, %add3A_2085 : vector<16xi32>
    %select_n3A_2087 = arith.select %and3A_2084, %add3A_2086, %rem3A_2072 : vector<16xi1>, vector<16xi32>
    %min3A_2088 = arith.constant 7 : i32
    %min3A_2089 = vector.broadcast %min3A_2088 : i32 to vector<16xi32>
    %min3A_2090 = arith.minsi %select_n3A_2087, %min3A_2089 : vector<16xi32>
    %add3A_2091 = arith.addi %mul3A_2065, %min3A_2090 : vector<16xi32>
    %min3A_2092 = arith.constant 263 : i32
    %min3A_2093 = vector.broadcast %min3A_2092 : i32 to vector<16xi32>
    %min3A_2094 = arith.minsi %add3A_2091, %min3A_2093 : vector<16xi32>
    %gather3A_2095 = tpu.vector_load_idx %arg5[%min3A_2094] : memref<264xf32, #tpu.memory_space<vmem>>[vector<16xi32>], vector<16xf32>,
    %swap3A_2096 = arith.constant 464 : index
    %swap3A_2097 = tpu.vector_load %arg6[%swap3A_2096] {strides = array<i32>} : memref<576xf32, #tpu.memory_space<vmem>>, vector<16xf32>,
    tpu.vector_store %arg6[%swap3A_2096], %gather3A_2095 {strides = array<i32>} : memref<576xf32, #tpu.memory_space<vmem>>, vector<16xf32>,
    %add3A_2098 = arith.constant 480 : i32
    %add3A_2099 = vector.broadcast %add3A_2098 : i32 to vector<16xi32>
    %add3A_2100 = arith.addi %add3A_2099, %iota3A : vector<16xi32>
    %jit3A_2101 = arith.constant 17 : i32
    %div3A_2102 = vector.broadcast %jit3A_2101 : i32 to vector<16xi32>
    %div3A_2103 = arith.divsi %add3A_2100, %div3A_2102 : vector<16xi32>
    %sign3A_2104 = arith.constant 0 : i32
    %sign3A_2105 = vector.broadcast %sign3A_2104 : i32 to vector<16xi32>
    %sign3A_2106 = arith.cmpi sgt, %add3A_2100, %sign3A_2105 : vector<16xi32>
    %sign3A_2107 = arith.extui %sign3A_2106 : vector<16xi1> to vector<16xi32>
    %sign3A_2108 = arith.constant 0 : i32
    %sign3A_2109 = vector.broadcast %sign3A_2108 : i32 to vector<16xi32>
    %sign3A_2110 = arith.cmpi slt, %add3A_2100, %sign3A_2109 : vector<16xi32>
    %sign3A_2111 = arith.extui %sign3A_2110 : vector<16xi1> to vector<16xi32>
    %sign3A_2112 = arith.subi %sign3A_2107, %sign3A_2111 : vector<16xi32>
    %sign3A_2113 = arith.constant 0 : i32
    %sign3A_2114 = arith.cmpi sgt, %jit3A_2101, %sign3A_2113 : i32
    %sign3A_2115 = arith.extui %sign3A_2114 : i1 to i32
    %sign3A_2116 = arith.constant 0 : i32
    %sign3A_2117 = arith.cmpi slt, %jit3A_2101, %sign3A_2116 : i32
    %sign3A_2118 = arith.extui %sign3A_2117 : i1 to i32
    %sign3A_2119 = arith.subi %sign3A_2115, %sign3A_2118 : i32
    %ne3A_2120 = vector.broadcast %sign3A_2119 : i32 to vector<16xi32>
    %ne3A_2121 = arith.cmpi ne, %sign3A_2112, %ne3A_2120 : vector<16xi32>
    %rem3A_2122 = vector.broadcast %jit3A_2101 : i32 to vector<16xi32>
    %rem3A_2123 = arith.remsi %add3A_2100, %rem3A_2122 : vector<16xi32>
    %ne3A_2124 = arith.constant 0 : i32
    %ne3A_2125 = vector.broadcast %ne3A_2124 : i32 to vector<16xi32>
    %ne3A_2126 = arith.cmpi ne, %rem3A_2123, %ne3A_2125 : vector<16xi32>
    %and3A_2127 = arith.andi %ne3A_2121, %ne3A_2126 : vector<16xi1>
    %sub3A_2128 = arith.constant 1 : i32
    %sub3A_2129 = vector.broadcast %sub3A_2128 : i32 to vector<16xi32>
    %sub3A_2130 = arith.subi %div3A_2103, %sub3A_2129 : vector<16xi32>
    %select_n3A_2131 = arith.select %and3A_2127, %sub3A_2130, %div3A_2103 : vector<16xi1>, vector<16xi32>
    %mul3A_2132 = arith.constant 8 : i32
    %mul3A_2133 = vector.broadcast %mul3A_2132 : i32 to vector<16xi32>
    %mul3A_2134 = arith.muli %select_n3A_2131, %mul3A_2133 : vector<16xi32>
    %jit3A_2135 = arith.constant 17 : i32
    %eq3A_2136 = arith.constant 0 : i32
    %eq3A_2137 = arith.cmpi eq, %jit3A_2135, %eq3A_2136 : i32
    %jit3A_2138 = arith.constant 1 : i32
    %select_n3A_2139 = arith.select %eq3A_2137, %jit3A_2138, %jit3A_2135 : i32
    %rem3A_2140 = vector.broadcast %select_n3A_2139 : i32 to vector<16xi32>
    %rem3A_2141 = arith.remsi %add3A_2100, %rem3A_2140 : vector<16xi32>
    %ne3A_2142 = arith.constant 0 : i32
    %ne3A_2143 = vector.broadcast %ne3A_2142 : i32 to vector<16xi32>
    %ne3A_2144 = arith.cmpi ne, %rem3A_2141, %ne3A_2143 : vector<16xi32>
    %lt3A_2145 = arith.constant 0 : i32
    %lt3A_2146 = vector.broadcast %lt3A_2145 : i32 to vector<16xi32>
    %lt3A_2147 = arith.cmpi slt, %rem3A_2141, %lt3A_2146 : vector<16xi32>
    %lt3A_2148 = arith.constant 0 : i32
    %lt3A_2149 = arith.cmpi slt, %select_n3A_2139, %lt3A_2148 : i32
    %ne3A_2150 = vector.broadcast %lt3A_2149 : i1 to vector<16xi1>
    %ne3A_2151 = vector.broadcast %ne3A_2150 : vector<16xi1> to vector<16xi1>
    %ne3A_2152 = arith.xori %lt3A_2147, %ne3A_2151 : vector<16xi1>
    %and3A_2153 = arith.andi %ne3A_2152, %ne3A_2144 : vector<16xi1>
    %add3A_2154 = vector.broadcast %select_n3A_2139 : i32 to vector<16xi32>
    %add3A_2155 = arith.addi %rem3A_2141, %add3A_2154 : vector<16xi32>
    %select_n3A_2156 = arith.select %and3A_2153, %add3A_2155, %rem3A_2141 : vector<16xi1>, vector<16xi32>
    %min3A_2157 = arith.constant 7 : i32
    %min3A_2158 = vector.broadcast %min3A_2157 : i32 to vector<16xi32>
    %min3A_2159 = arith.minsi %select_n3A_2156, %min3A_2158 : vector<16xi32>
    %add3A_2160 = arith.addi %mul3A_2134, %min3A_2159 : vector<16xi32>
    %min3A_2161 = arith.constant 263 : i32
    %min3A_2162 = vector.broadcast %min3A_2161 : i32 to vector<16xi32>
    %min3A_2163 = arith.minsi %add3A_2160, %min3A_2162 : vector<16xi32>
    %gather3A_2164 = tpu.vector_load_idx %arg5[%min3A_2163] : memref<264xf32, #tpu.memory_space<vmem>>[vector<16xi32>], vector<16xf32>,
    %swap3A_2165 = arith.constant 480 : index
    %swap3A_2166 = tpu.vector_load %arg6[%swap3A_2165] {strides = array<i32>} : memref<576xf32, #tpu.memory_space<vmem>>, vector<16xf32>,
    tpu.vector_store %arg6[%swap3A_2165], %gather3A_2164 {strides = array<i32>} : memref<576xf32, #tpu.memory_space<vmem>>, vector<16xf32>,
    %add3A_2167 = arith.constant 496 : i32
    %add3A_2168 = vector.broadcast %add3A_2167 : i32 to vector<16xi32>
    %add3A_2169 = arith.addi %add3A_2168, %iota3A : vector<16xi32>
    %jit3A_2170 = arith.constant 17 : i32
    %div3A_2171 = vector.broadcast %jit3A_2170 : i32 to vector<16xi32>
    %div3A_2172 = arith.divsi %add3A_2169, %div3A_2171 : vector<16xi32>
    %sign3A_2173 = arith.constant 0 : i32
    %sign3A_2174 = vector.broadcast %sign3A_2173 : i32 to vector<16xi32>
    %sign3A_2175 = arith.cmpi sgt, %add3A_2169, %sign3A_2174 : vector<16xi32>
    %sign3A_2176 = arith.extui %sign3A_2175 : vector<16xi1> to vector<16xi32>
    %sign3A_2177 = arith.constant 0 : i32
    %sign3A_2178 = vector.broadcast %sign3A_2177 : i32 to vector<16xi32>
    %sign3A_2179 = arith.cmpi slt, %add3A_2169, %sign3A_2178 : vector<16xi32>
    %sign3A_2180 = arith.extui %sign3A_2179 : vector<16xi1> to vector<16xi32>
    %sign3A_2181 = arith.subi %sign3A_2176, %sign3A_2180 : vector<16xi32>
    %sign3A_2182 = arith.constant 0 : i32
    %sign3A_2183 = arith.cmpi sgt, %jit3A_2170, %sign3A_2182 : i32
    %sign3A_2184 = arith.extui %sign3A_2183 : i1 to i32
    %sign3A_2185 = arith.constant 0 : i32
    %sign3A_2186 = arith.cmpi slt, %jit3A_2170, %sign3A_2185 : i32
    %sign3A_2187 = arith.extui %sign3A_2186 : i1 to i32
    %sign3A_2188 = arith.subi %sign3A_2184, %sign3A_2187 : i32
    %ne3A_2189 = vector.broadcast %sign3A_2188 : i32 to vector<16xi32>
    %ne3A_2190 = arith.cmpi ne, %sign3A_2181, %ne3A_2189 : vector<16xi32>
    %rem3A_2191 = vector.broadcast %jit3A_2170 : i32 to vector<16xi32>
    %rem3A_2192 = arith.remsi %add3A_2169, %rem3A_2191 : vector<16xi32>
    %ne3A_2193 = arith.constant 0 : i32
    %ne3A_2194 = vector.broadcast %ne3A_2193 : i32 to vector<16xi32>
    %ne3A_2195 = arith.cmpi ne, %rem3A_2192, %ne3A_2194 : vector<16xi32>
    %and3A_2196 = arith.andi %ne3A_2190, %ne3A_2195 : vector<16xi1>
    %sub3A_2197 = arith.constant 1 : i32
    %sub3A_2198 = vector.broadcast %sub3A_2197 : i32 to vector<16xi32>
    %sub3A_2199 = arith.subi %div3A_2172, %sub3A_2198 : vector<16xi32>
    %select_n3A_2200 = arith.select %and3A_2196, %sub3A_2199, %div3A_2172 : vector<16xi1>, vector<16xi32>
    %mul3A_2201 = arith.constant 8 : i32
    %mul3A_2202 = vector.broadcast %mul3A_2201 : i32 to vector<16xi32>
    %mul3A_2203 = arith.muli %select_n3A_2200, %mul3A_2202 : vector<16xi32>
    %jit3A_2204 = arith.constant 17 : i32
    %eq3A_2205 = arith.constant 0 : i32
    %eq3A_2206 = arith.cmpi eq, %jit3A_2204, %eq3A_2205 : i32
    %jit3A_2207 = arith.constant 1 : i32
    %select_n3A_2208 = arith.select %eq3A_2206, %jit3A_2207, %jit3A_2204 : i32
    %rem3A_2209 = vector.broadcast %select_n3A_2208 : i32 to vector<16xi32>
    %rem3A_2210 = arith.remsi %add3A_2169, %rem3A_2209 : vector<16xi32>
    %ne3A_2211 = arith.constant 0 : i32
    %ne3A_2212 = vector.broadcast %ne3A_2211 : i32 to vector<16xi32>
    %ne3A_2213 = arith.cmpi ne, %rem3A_2210, %ne3A_2212 : vector<16xi32>
    %lt3A_2214 = arith.constant 0 : i32
    %lt3A_2215 = vector.broadcast %lt3A_2214 : i32 to vector<16xi32>
    %lt3A_2216 = arith.cmpi slt, %rem3A_2210, %lt3A_2215 : vector<16xi32>
    %lt3A_2217 = arith.constant 0 : i32
    %lt3A_2218 = arith.cmpi slt, %select_n3A_2208, %lt3A_2217 : i32
    %ne3A_2219 = vector.broadcast %lt3A_2218 : i1 to vector<16xi1>
    %ne3A_2220 = vector.broadcast %ne3A_2219 : vector<16xi1> to vector<16xi1>
    %ne3A_2221 = arith.xori %lt3A_2216, %ne3A_2220 : vector<16xi1>
    %and3A_2222 = arith.andi %ne3A_2221, %ne3A_2213 : vector<16xi1>
    %add3A_2223 = vector.broadcast %select_n3A_2208 : i32 to vector<16xi32>
    %add3A_2224 = arith.addi %rem3A_2210, %add3A_2223 : vector<16xi32>
    %select_n3A_2225 = arith.select %and3A_2222, %add3A_2224, %rem3A_2210 : vector<16xi1>, vector<16xi32>
    %min3A_2226 = arith.constant 7 : i32
    %min3A_2227 = vector.broadcast %min3A_2226 : i32 to vector<16xi32>
    %min3A_2228 = arith.minsi %select_n3A_2225, %min3A_2227 : vector<16xi32>
    %add3A_2229 = arith.addi %mul3A_2203, %min3A_2228 : vector<16xi32>
    %min3A_2230 = arith.constant 263 : i32
    %min3A_2231 = vector.broadcast %min3A_2230 : i32 to vector<16xi32>
    %min3A_2232 = arith.minsi %add3A_2229, %min3A_2231 : vector<16xi32>
    %gather3A_2233 = tpu.vector_load_idx %arg5[%min3A_2232] : memref<264xf32, #tpu.memory_space<vmem>>[vector<16xi32>], vector<16xf32>,
    %swap3A_2234 = arith.constant 496 : index
    %swap3A_2235 = tpu.vector_load %arg6[%swap3A_2234] {strides = array<i32>} : memref<576xf32, #tpu.memory_space<vmem>>, vector<16xf32>,
    tpu.vector_store %arg6[%swap3A_2234], %gather3A_2233 {strides = array<i32>} : memref<576xf32, #tpu.memory_space<vmem>>, vector<16xf32>,
    %add3A_2236 = arith.constant 512 : i32
    %add3A_2237 = vector.broadcast %add3A_2236 : i32 to vector<16xi32>
    %add3A_2238 = arith.addi %add3A_2237, %iota3A : vector<16xi32>
    %jit3A_2239 = arith.constant 17 : i32
    %div3A_2240 = vector.broadcast %jit3A_2239 : i32 to vector<16xi32>
    %div3A_2241 = arith.divsi %add3A_2238, %div3A_2240 : vector<16xi32>
    %sign3A_2242 = arith.constant 0 : i32
    %sign3A_2243 = vector.broadcast %sign3A_2242 : i32 to vector<16xi32>
    %sign3A_2244 = arith.cmpi sgt, %add3A_2238, %sign3A_2243 : vector<16xi32>
    %sign3A_2245 = arith.extui %sign3A_2244 : vector<16xi1> to vector<16xi32>
    %sign3A_2246 = arith.constant 0 : i32
    %sign3A_2247 = vector.broadcast %sign3A_2246 : i32 to vector<16xi32>
    %sign3A_2248 = arith.cmpi slt, %add3A_2238, %sign3A_2247 : vector<16xi32>
    %sign3A_2249 = arith.extui %sign3A_2248 : vector<16xi1> to vector<16xi32>
    %sign3A_2250 = arith.subi %sign3A_2245, %sign3A_2249 : vector<16xi32>
    %sign3A_2251 = arith.constant 0 : i32
    %sign3A_2252 = arith.cmpi sgt, %jit3A_2239, %sign3A_2251 : i32
    %sign3A_2253 = arith.extui %sign3A_2252 : i1 to i32
    %sign3A_2254 = arith.constant 0 : i32
    %sign3A_2255 = arith.cmpi slt, %jit3A_2239, %sign3A_2254 : i32
    %sign3A_2256 = arith.extui %sign3A_2255 : i1 to i32
    %sign3A_2257 = arith.subi %sign3A_2253, %sign3A_2256 : i32
    %ne3A_2258 = vector.broadcast %sign3A_2257 : i32 to vector<16xi32>
    %ne3A_2259 = arith.cmpi ne, %sign3A_2250, %ne3A_2258 : vector<16xi32>
    %rem3A_2260 = vector.broadcast %jit3A_2239 : i32 to vector<16xi32>
    %rem3A_2261 = arith.remsi %add3A_2238, %rem3A_2260 : vector<16xi32>
    %ne3A_2262 = arith.constant 0 : i32
    %ne3A_2263 = vector.broadcast %ne3A_2262 : i32 to vector<16xi32>
    %ne3A_2264 = arith.cmpi ne, %rem3A_2261, %ne3A_2263 : vector<16xi32>
    %and3A_2265 = arith.andi %ne3A_2259, %ne3A_2264 : vector<16xi1>
    %sub3A_2266 = arith.constant 1 : i32
    %sub3A_2267 = vector.broadcast %sub3A_2266 : i32 to vector<16xi32>
    %sub3A_2268 = arith.subi %div3A_2241, %sub3A_2267 : vector<16xi32>
    %select_n3A_2269 = arith.select %and3A_2265, %sub3A_2268, %div3A_2241 : vector<16xi1>, vector<16xi32>
    %mul3A_2270 = arith.constant 8 : i32
    %mul3A_2271 = vector.broadcast %mul3A_2270 : i32 to vector<16xi32>
    %mul3A_2272 = arith.muli %select_n3A_2269, %mul3A_2271 : vector<16xi32>
    %jit3A_2273 = arith.constant 17 : i32
    %eq3A_2274 = arith.constant 0 : i32
    %eq3A_2275 = arith.cmpi eq, %jit3A_2273, %eq3A_2274 : i32
    %jit3A_2276 = arith.constant 1 : i32
    %select_n3A_2277 = arith.select %eq3A_2275, %jit3A_2276, %jit3A_2273 : i32
    %rem3A_2278 = vector.broadcast %select_n3A_2277 : i32 to vector<16xi32>
    %rem3A_2279 = arith.remsi %add3A_2238, %rem3A_2278 : vector<16xi32>
    %ne3A_2280 = arith.constant 0 : i32
    %ne3A_2281 = vector.broadcast %ne3A_2280 : i32 to vector<16xi32>
    %ne3A_2282 = arith.cmpi ne, %rem3A_2279, %ne3A_2281 : vector<16xi32>
    %lt3A_2283 = arith.constant 0 : i32
    %lt3A_2284 = vector.broadcast %lt3A_2283 : i32 to vector<16xi32>
    %lt3A_2285 = arith.cmpi slt, %rem3A_2279, %lt3A_2284 : vector<16xi32>
    %lt3A_2286 = arith.constant 0 : i32
    %lt3A_2287 = arith.cmpi slt, %select_n3A_2277, %lt3A_2286 : i32
    %ne3A_2288 = vector.broadcast %lt3A_2287 : i1 to vector<16xi1>
    %ne3A_2289 = vector.broadcast %ne3A_2288 : vector<16xi1> to vector<16xi1>
    %ne3A_2290 = arith.xori %lt3A_2285, %ne3A_2289 : vector<16xi1>
    %and3A_2291 = arith.andi %ne3A_2290, %ne3A_2282 : vector<16xi1>
    %add3A_2292 = vector.broadcast %select_n3A_2277 : i32 to vector<16xi32>
    %add3A_2293 = arith.addi %rem3A_2279, %add3A_2292 : vector<16xi32>
    %select_n3A_2294 = arith.select %and3A_2291, %add3A_2293, %rem3A_2279 : vector<16xi1>, vector<16xi32>
    %min3A_2295 = arith.constant 7 : i32
    %min3A_2296 = vector.broadcast %min3A_2295 : i32 to vector<16xi32>
    %min3A_2297 = arith.minsi %select_n3A_2294, %min3A_2296 : vector<16xi32>
    %add3A_2298 = arith.addi %mul3A_2272, %min3A_2297 : vector<16xi32>
    %min3A_2299 = arith.constant 263 : i32
    %min3A_2300 = vector.broadcast %min3A_2299 : i32 to vector<16xi32>
    %min3A_2301 = arith.minsi %add3A_2298, %min3A_2300 : vector<16xi32>
    %gather3A_2302 = tpu.vector_load_idx %arg5[%min3A_2301] : memref<264xf32, #tpu.memory_space<vmem>>[vector<16xi32>], vector<16xf32>,
    %swap3A_2303 = arith.constant 512 : index
    %swap3A_2304 = tpu.vector_load %arg6[%swap3A_2303] {strides = array<i32>} : memref<576xf32, #tpu.memory_space<vmem>>, vector<16xf32>,
    tpu.vector_store %arg6[%swap3A_2303], %gather3A_2302 {strides = array<i32>} : memref<576xf32, #tpu.memory_space<vmem>>, vector<16xf32>,
    %add3A_2305 = arith.constant 528 : i32
    %add3A_2306 = vector.broadcast %add3A_2305 : i32 to vector<16xi32>
    %add3A_2307 = arith.addi %add3A_2306, %iota3A : vector<16xi32>
    %jit3A_2308 = arith.constant 17 : i32
    %div3A_2309 = vector.broadcast %jit3A_2308 : i32 to vector<16xi32>
    %div3A_2310 = arith.divsi %add3A_2307, %div3A_2309 : vector<16xi32>
    %sign3A_2311 = arith.constant 0 : i32
    %sign3A_2312 = vector.broadcast %sign3A_2311 : i32 to vector<16xi32>
    %sign3A_2313 = arith.cmpi sgt, %add3A_2307, %sign3A_2312 : vector<16xi32>
    %sign3A_2314 = arith.extui %sign3A_2313 : vector<16xi1> to vector<16xi32>
    %sign3A_2315 = arith.constant 0 : i32
    %sign3A_2316 = vector.broadcast %sign3A_2315 : i32 to vector<16xi32>
    %sign3A_2317 = arith.cmpi slt, %add3A_2307, %sign3A_2316 : vector<16xi32>
    %sign3A_2318 = arith.extui %sign3A_2317 : vector<16xi1> to vector<16xi32>
    %sign3A_2319 = arith.subi %sign3A_2314, %sign3A_2318 : vector<16xi32>
    %sign3A_2320 = arith.constant 0 : i32
    %sign3A_2321 = arith.cmpi sgt, %jit3A_2308, %sign3A_2320 : i32
    %sign3A_2322 = arith.extui %sign3A_2321 : i1 to i32
    %sign3A_2323 = arith.constant 0 : i32
    %sign3A_2324 = arith.cmpi slt, %jit3A_2308, %sign3A_2323 : i32
    %sign3A_2325 = arith.extui %sign3A_2324 : i1 to i32
    %sign3A_2326 = arith.subi %sign3A_2322, %sign3A_2325 : i32
    %ne3A_2327 = vector.broadcast %sign3A_2326 : i32 to vector<16xi32>
    %ne3A_2328 = arith.cmpi ne, %sign3A_2319, %ne3A_2327 : vector<16xi32>
    %rem3A_2329 = vector.broadcast %jit3A_2308 : i32 to vector<16xi32>
    %rem3A_2330 = arith.remsi %add3A_2307, %rem3A_2329 : vector<16xi32>
    %ne3A_2331 = arith.constant 0 : i32
    %ne3A_2332 = vector.broadcast %ne3A_2331 : i32 to vector<16xi32>
    %ne3A_2333 = arith.cmpi ne, %rem3A_2330, %ne3A_2332 : vector<16xi32>
    %and3A_2334 = arith.andi %ne3A_2328, %ne3A_2333 : vector<16xi1>
    %sub3A_2335 = arith.constant 1 : i32
    %sub3A_2336 = vector.broadcast %sub3A_2335 : i32 to vector<16xi32>
    %sub3A_2337 = arith.subi %div3A_2310, %sub3A_2336 : vector<16xi32>
    %select_n3A_2338 = arith.select %and3A_2334, %sub3A_2337, %div3A_2310 : vector<16xi1>, vector<16xi32>
    %mul3A_2339 = arith.constant 8 : i32
    %mul3A_2340 = vector.broadcast %mul3A_2339 : i32 to vector<16xi32>
    %mul3A_2341 = arith.muli %select_n3A_2338, %mul3A_2340 : vector<16xi32>
    %jit3A_2342 = arith.constant 17 : i32
    %eq3A_2343 = arith.constant 0 : i32
    %eq3A_2344 = arith.cmpi eq, %jit3A_2342, %eq3A_2343 : i32
    %jit3A_2345 = arith.constant 1 : i32
    %select_n3A_2346 = arith.select %eq3A_2344, %jit3A_2345, %jit3A_2342 : i32
    %rem3A_2347 = vector.broadcast %select_n3A_2346 : i32 to vector<16xi32>
    %rem3A_2348 = arith.remsi %add3A_2307, %rem3A_2347 : vector<16xi32>
    %ne3A_2349 = arith.constant 0 : i32
    %ne3A_2350 = vector.broadcast %ne3A_2349 : i32 to vector<16xi32>
    %ne3A_2351 = arith.cmpi ne, %rem3A_2348, %ne3A_2350 : vector<16xi32>
    %lt3A_2352 = arith.constant 0 : i32
    %lt3A_2353 = vector.broadcast %lt3A_2352 : i32 to vector<16xi32>
    %lt3A_2354 = arith.cmpi slt, %rem3A_2348, %lt3A_2353 : vector<16xi32>
    %lt3A_2355 = arith.constant 0 : i32
    %lt3A_2356 = arith.cmpi slt, %select_n3A_2346, %lt3A_2355 : i32
    %ne3A_2357 = vector.broadcast %lt3A_2356 : i1 to vector<16xi1>
    %ne3A_2358 = vector.broadcast %ne3A_2357 : vector<16xi1> to vector<16xi1>
    %ne3A_2359 = arith.xori %lt3A_2354, %ne3A_2358 : vector<16xi1>
    %and3A_2360 = arith.andi %ne3A_2359, %ne3A_2351 : vector<16xi1>
    %add3A_2361 = vector.broadcast %select_n3A_2346 : i32 to vector<16xi32>
    %add3A_2362 = arith.addi %rem3A_2348, %add3A_2361 : vector<16xi32>
    %select_n3A_2363 = arith.select %and3A_2360, %add3A_2362, %rem3A_2348 : vector<16xi1>, vector<16xi32>
    %min3A_2364 = arith.constant 7 : i32
    %min3A_2365 = vector.broadcast %min3A_2364 : i32 to vector<16xi32>
    %min3A_2366 = arith.minsi %select_n3A_2363, %min3A_2365 : vector<16xi32>
    %add3A_2367 = arith.addi %mul3A_2341, %min3A_2366 : vector<16xi32>
    %min3A_2368 = arith.constant 263 : i32
    %min3A_2369 = vector.broadcast %min3A_2368 : i32 to vector<16xi32>
    %min3A_2370 = arith.minsi %add3A_2367, %min3A_2369 : vector<16xi32>
    %gather3A_2371 = tpu.vector_load_idx %arg5[%min3A_2370] : memref<264xf32, #tpu.memory_space<vmem>>[vector<16xi32>], vector<16xf32>,
    %swap3A_2372 = arith.constant 528 : index
    %swap3A_2373 = tpu.vector_load %arg6[%swap3A_2372] {strides = array<i32>} : memref<576xf32, #tpu.memory_space<vmem>>, vector<16xf32>,
    tpu.vector_store %arg6[%swap3A_2372], %gather3A_2371 {strides = array<i32>} : memref<576xf32, #tpu.memory_space<vmem>>, vector<16xf32>,
    %add3A_2374 = arith.constant 544 : i32
    %add3A_2375 = vector.broadcast %add3A_2374 : i32 to vector<16xi32>
    %add3A_2376 = arith.addi %add3A_2375, %iota3A : vector<16xi32>
    %jit3A_2377 = arith.constant 17 : i32
    %div3A_2378 = vector.broadcast %jit3A_2377 : i32 to vector<16xi32>
    %div3A_2379 = arith.divsi %add3A_2376, %div3A_2378 : vector<16xi32>
    %sign3A_2380 = arith.constant 0 : i32
    %sign3A_2381 = vector.broadcast %sign3A_2380 : i32 to vector<16xi32>
    %sign3A_2382 = arith.cmpi sgt, %add3A_2376, %sign3A_2381 : vector<16xi32>
    %sign3A_2383 = arith.extui %sign3A_2382 : vector<16xi1> to vector<16xi32>
    %sign3A_2384 = arith.constant 0 : i32
    %sign3A_2385 = vector.broadcast %sign3A_2384 : i32 to vector<16xi32>
    %sign3A_2386 = arith.cmpi slt, %add3A_2376, %sign3A_2385 : vector<16xi32>
    %sign3A_2387 = arith.extui %sign3A_2386 : vector<16xi1> to vector<16xi32>
    %sign3A_2388 = arith.subi %sign3A_2383, %sign3A_2387 : vector<16xi32>
    %sign3A_2389 = arith.constant 0 : i32
    %sign3A_2390 = arith.cmpi sgt, %jit3A_2377, %sign3A_2389 : i32
    %sign3A_2391 = arith.extui %sign3A_2390 : i1 to i32
    %sign3A_2392 = arith.constant 0 : i32
    %sign3A_2393 = arith.cmpi slt, %jit3A_2377, %sign3A_2392 : i32
    %sign3A_2394 = arith.extui %sign3A_2393 : i1 to i32
    %sign3A_2395 = arith.subi %sign3A_2391, %sign3A_2394 : i32
    %ne3A_2396 = vector.broadcast %sign3A_2395 : i32 to vector<16xi32>
    %ne3A_2397 = arith.cmpi ne, %sign3A_2388, %ne3A_2396 : vector<16xi32>
    %rem3A_2398 = vector.broadcast %jit3A_2377 : i32 to vector<16xi32>
    %rem3A_2399 = arith.remsi %add3A_2376, %rem3A_2398 : vector<16xi32>
    %ne3A_2400 = arith.constant 0 : i32
    %ne3A_2401 = vector.broadcast %ne3A_2400 : i32 to vector<16xi32>
    %ne3A_2402 = arith.cmpi ne, %rem3A_2399, %ne3A_2401 : vector<16xi32>
    %and3A_2403 = arith.andi %ne3A_2397, %ne3A_2402 : vector<16xi1>
    %sub3A_2404 = arith.constant 1 : i32
    %sub3A_2405 = vector.broadcast %sub3A_2404 : i32 to vector<16xi32>
    %sub3A_2406 = arith.subi %div3A_2379, %sub3A_2405 : vector<16xi32>
    %select_n3A_2407 = arith.select %and3A_2403, %sub3A_2406, %div3A_2379 : vector<16xi1>, vector<16xi32>
    %mul3A_2408 = arith.constant 8 : i32
    %mul3A_2409 = vector.broadcast %mul3A_2408 : i32 to vector<16xi32>
    %mul3A_2410 = arith.muli %select_n3A_2407, %mul3A_2409 : vector<16xi32>
    %jit3A_2411 = arith.constant 17 : i32
    %eq3A_2412 = arith.constant 0 : i32
    %eq3A_2413 = arith.cmpi eq, %jit3A_2411, %eq3A_2412 : i32
    %jit3A_2414 = arith.constant 1 : i32
    %select_n3A_2415 = arith.select %eq3A_2413, %jit3A_2414, %jit3A_2411 : i32
    %rem3A_2416 = vector.broadcast %select_n3A_2415 : i32 to vector<16xi32>
    %rem3A_2417 = arith.remsi %add3A_2376, %rem3A_2416 : vector<16xi32>
    %ne3A_2418 = arith.constant 0 : i32
    %ne3A_2419 = vector.broadcast %ne3A_2418 : i32 to vector<16xi32>
    %ne3A_2420 = arith.cmpi ne, %rem3A_2417, %ne3A_2419 : vector<16xi32>
    %lt3A_2421 = arith.constant 0 : i32
    %lt3A_2422 = vector.broadcast %lt3A_2421 : i32 to vector<16xi32>
    %lt3A_2423 = arith.cmpi slt, %rem3A_2417, %lt3A_2422 : vector<16xi32>
    %lt3A_2424 = arith.constant 0 : i32
    %lt3A_2425 = arith.cmpi slt, %select_n3A_2415, %lt3A_2424 : i32
    %ne3A_2426 = vector.broadcast %lt3A_2425 : i1 to vector<16xi1>
    %ne3A_2427 = vector.broadcast %ne3A_2426 : vector<16xi1> to vector<16xi1>
    %ne3A_2428 = arith.xori %lt3A_2423, %ne3A_2427 : vector<16xi1>
    %and3A_2429 = arith.andi %ne3A_2428, %ne3A_2420 : vector<16xi1>
    %add3A_2430 = vector.broadcast %select_n3A_2415 : i32 to vector<16xi32>
    %add3A_2431 = arith.addi %rem3A_2417, %add3A_2430 : vector<16xi32>
    %select_n3A_2432 = arith.select %and3A_2429, %add3A_2431, %rem3A_2417 : vector<16xi1>, vector<16xi32>
    %min3A_2433 = arith.constant 7 : i32
    %min3A_2434 = vector.broadcast %min3A_2433 : i32 to vector<16xi32>
    %min3A_2435 = arith.minsi %select_n3A_2432, %min3A_2434 : vector<16xi32>
    %add3A_2436 = arith.addi %mul3A_2410, %min3A_2435 : vector<16xi32>
    %min3A_2437 = arith.constant 263 : i32
    %min3A_2438 = vector.broadcast %min3A_2437 : i32 to vector<16xi32>
    %min3A_2439 = arith.minsi %add3A_2436, %min3A_2438 : vector<16xi32>
    %gather3A_2440 = tpu.vector_load_idx %arg5[%min3A_2439] : memref<264xf32, #tpu.memory_space<vmem>>[vector<16xi32>], vector<16xf32>,
    %swap3A_2441 = arith.constant 544 : index
    %swap3A_2442 = tpu.vector_load %arg6[%swap3A_2441] {strides = array<i32>} : memref<576xf32, #tpu.memory_space<vmem>>, vector<16xf32>,
    tpu.vector_store %arg6[%swap3A_2441], %gather3A_2440 {strides = array<i32>} : memref<576xf32, #tpu.memory_space<vmem>>, vector<16xf32>,
    %add3A_2443 = arith.constant 560 : i32
    %add3A_2444 = vector.broadcast %add3A_2443 : i32 to vector<16xi32>
    %add3A_2445 = arith.addi %add3A_2444, %iota3A : vector<16xi32>
    %jit3A_2446 = arith.constant 17 : i32
    %div3A_2447 = vector.broadcast %jit3A_2446 : i32 to vector<16xi32>
    %div3A_2448 = arith.divsi %add3A_2445, %div3A_2447 : vector<16xi32>
    %sign3A_2449 = arith.constant 0 : i32
    %sign3A_2450 = vector.broadcast %sign3A_2449 : i32 to vector<16xi32>
    %sign3A_2451 = arith.cmpi sgt, %add3A_2445, %sign3A_2450 : vector<16xi32>
    %sign3A_2452 = arith.extui %sign3A_2451 : vector<16xi1> to vector<16xi32>
    %sign3A_2453 = arith.constant 0 : i32
    %sign3A_2454 = vector.broadcast %sign3A_2453 : i32 to vector<16xi32>
    %sign3A_2455 = arith.cmpi slt, %add3A_2445, %sign3A_2454 : vector<16xi32>
    %sign3A_2456 = arith.extui %sign3A_2455 : vector<16xi1> to vector<16xi32>
    %sign3A_2457 = arith.subi %sign3A_2452, %sign3A_2456 : vector<16xi32>
    %sign3A_2458 = arith.constant 0 : i32
    %sign3A_2459 = arith.cmpi sgt, %jit3A_2446, %sign3A_2458 : i32
    %sign3A_2460 = arith.extui %sign3A_2459 : i1 to i32
    %sign3A_2461 = arith.constant 0 : i32
    %sign3A_2462 = arith.cmpi slt, %jit3A_2446, %sign3A_2461 : i32
    %sign3A_2463 = arith.extui %sign3A_2462 : i1 to i32
    %sign3A_2464 = arith.subi %sign3A_2460, %sign3A_2463 : i32
    %ne3A_2465 = vector.broadcast %sign3A_2464 : i32 to vector<16xi32>
    %ne3A_2466 = arith.cmpi ne, %sign3A_2457, %ne3A_2465 : vector<16xi32>
    %rem3A_2467 = vector.broadcast %jit3A_2446 : i32 to vector<16xi32>
    %rem3A_2468 = arith.remsi %add3A_2445, %rem3A_2467 : vector<16xi32>
    %ne3A_2469 = arith.constant 0 : i32
    %ne3A_2470 = vector.broadcast %ne3A_2469 : i32 to vector<16xi32>
    %ne3A_2471 = arith.cmpi ne, %rem3A_2468, %ne3A_2470 : vector<16xi32>
    %and3A_2472 = arith.andi %ne3A_2466, %ne3A_2471 : vector<16xi1>
    %sub3A_2473 = arith.constant 1 : i32
    %sub3A_2474 = vector.broadcast %sub3A_2473 : i32 to vector<16xi32>
    %sub3A_2475 = arith.subi %div3A_2448, %sub3A_2474 : vector<16xi32>
    %select_n3A_2476 = arith.select %and3A_2472, %sub3A_2475, %div3A_2448 : vector<16xi1>, vector<16xi32>
    %mul3A_2477 = arith.constant 8 : i32
    %mul3A_2478 = vector.broadcast %mul3A_2477 : i32 to vector<16xi32>
    %mul3A_2479 = arith.muli %select_n3A_2476, %mul3A_2478 : vector<16xi32>
    %jit3A_2480 = arith.constant 17 : i32
    %eq3A_2481 = arith.constant 0 : i32
    %eq3A_2482 = arith.cmpi eq, %jit3A_2480, %eq3A_2481 : i32
    %jit3A_2483 = arith.constant 1 : i32
    %select_n3A_2484 = arith.select %eq3A_2482, %jit3A_2483, %jit3A_2480 : i32
    %rem3A_2485 = vector.broadcast %select_n3A_2484 : i32 to vector<16xi32>
    %rem3A_2486 = arith.remsi %add3A_2445, %rem3A_2485 : vector<16xi32>
    %ne3A_2487 = arith.constant 0 : i32
    %ne3A_2488 = vector.broadcast %ne3A_2487 : i32 to vector<16xi32>
    %ne3A_2489 = arith.cmpi ne, %rem3A_2486, %ne3A_2488 : vector<16xi32>
    %lt3A_2490 = arith.constant 0 : i32
    %lt3A_2491 = vector.broadcast %lt3A_2490 : i32 to vector<16xi32>
    %lt3A_2492 = arith.cmpi slt, %rem3A_2486, %lt3A_2491 : vector<16xi32>
    %lt3A_2493 = arith.constant 0 : i32
    %lt3A_2494 = arith.cmpi slt, %select_n3A_2484, %lt3A_2493 : i32
    %ne3A_2495 = vector.broadcast %lt3A_2494 : i1 to vector<16xi1>
    %ne3A_2496 = vector.broadcast %ne3A_2495 : vector<16xi1> to vector<16xi1>
    %ne3A_2497 = arith.xori %lt3A_2492, %ne3A_2496 : vector<16xi1>
    %and3A_2498 = arith.andi %ne3A_2497, %ne3A_2489 : vector<16xi1>
    %add3A_2499 = vector.broadcast %select_n3A_2484 : i32 to vector<16xi32>
    %add3A_2500 = arith.addi %rem3A_2486, %add3A_2499 : vector<16xi32>
    %select_n3A_2501 = arith.select %and3A_2498, %add3A_2500, %rem3A_2486 : vector<16xi1>, vector<16xi32>
    %min3A_2502 = arith.constant 7 : i32
    %min3A_2503 = vector.broadcast %min3A_2502 : i32 to vector<16xi32>
    %min3A_2504 = arith.minsi %select_n3A_2501, %min3A_2503 : vector<16xi32>
    %add3A_2505 = arith.addi %mul3A_2479, %min3A_2504 : vector<16xi32>
    %min3A_2506 = arith.constant 263 : i32
    %min3A_2507 = vector.broadcast %min3A_2506 : i32 to vector<16xi32>
    %min3A_2508 = arith.minsi %add3A_2505, %min3A_2507 : vector<16xi32>
    %gather3A_2509 = tpu.vector_load_idx %arg5[%min3A_2508] : memref<264xf32, #tpu.memory_space<vmem>>[vector<16xi32>], vector<16xf32>,
    %swap3A_2510 = arith.constant 560 : index
    %swap3A_2511 = tpu.vector_load %arg6[%swap3A_2510] {strides = array<i32>} : memref<576xf32, #tpu.memory_space<vmem>>, vector<16xf32>,
    tpu.vector_store %arg6[%swap3A_2510], %gather3A_2509 {strides = array<i32>} : memref<576xf32, #tpu.memory_space<vmem>>, vector<16xf32>,
    %mul3A_2512 = arith.constant 4 : i32
    %mul3A_2513 = arith.muli %select_n3A_30, %mul3A_2512 : i32
    %add3A_2514 = arith.constant 0 : i32
    %add3A_2515 = arith.addi %mul3A_2513, %add3A_2514 : i32
    %mul3A_2516 = arith.constant 3 : i32
    %mul3A_2517 = arith.muli %add3A_2515, %mul3A_2516 : i32
    %add3A_2518 = arith.constant 0 : i32
    %add3A_2519 = arith.addi %mul3A_2517, %add3A_2518 : i32
    %mul3A_2520 = arith.constant 131072 : i32
    %mul3A_2521 = arith.muli %add3A_2519, %mul3A_2520 : i32
    %mul3A_2522 = arith.constant 8192 : i32
    %mul3A_2523 = arith.muli %select_n3A, %mul3A_2522 : i32
    %add3A_2524 = arith.addi %mul3A_2521, %mul3A_2523 : i32
    %add3A_2525 = arith.constant 0 : i32
    %add3A_2526 = arith.addi %add3A_2524, %add3A_2525 : i32
    %dma_start3A = arith.constant 0 : i32
    %dma_start3A_2527 = arith.constant 0 : i32
    %dma_start3A_2528 = tpu.memref_slice %arg7[%dma_start3A, %dma_start3A_2527] : memref<4x4096xi32, #tpu.memory_space<vmem>> -> memref<1x4096xi32, #tpu.memory_space<vmem>>
    %dma_start3A_2529 = tpu.memref_squeeze %dma_start3A_2528 : memref<1x4096xi32, #tpu.memory_space<vmem>> -> memref<4096xi32, #tpu.memory_space<vmem>>
    %dma_start3A_2530 = tpu.memref_slice %arg2[%add3A_2526] : memref<3145728xi32, #tpu.memory_space<hbm>> -> memref<4096xi32, #tpu.memory_space<hbm>>
    %dma_start3A_2531 = arith.constant 0 : i32
    %dma_start3A_2532 = tpu.memref_slice %arg7[%dma_start3A, %dma_start3A_2531] : memref<4x4096xi32, #tpu.memory_space<vmem>> -> memref<1x4096xi32, #tpu.memory_space<vmem>>
    %dma_start3A_2533 = tpu.memref_squeeze %dma_start3A_2532 : memref<1x4096xi32, #tpu.memory_space<vmem>> -> memref<4096xi32, #tpu.memory_space<vmem>>
    %dma_start3A_2534 = tpu.memref_slice %arg2[%add3A_2526] : memref<3145728xi32, #tpu.memory_space<hbm>> -> memref<4096xi32, #tpu.memory_space<hbm>>
    tpu.enqueue_dma source(%dma_start3A_2534 : memref<4096xi32, #tpu.memory_space<hbm>>) target(%dma_start3A_2533 : memref<4096xi32, #tpu.memory_space<vmem>>) target_semaphore(%arg9 : memref<!tpu.dma_semaphore, #tpu.memory_space<semaphore_mem>>)
    %scan3A = arith.constant 0 : i32
    %scan3A_2535 = arith.constant 0 : i32
    %scan3A_2536 = arith.constant 48 : i32
    %scan3A_2537 = arith.addi %scan3A_2535, %scan3A_2536 : i32
    %scan3A_2538 = arith.constant 1 : i32
    %scan3A_2539 = scf.for %scan3A_2596 = %scan3A_2535 to %scan3A_2537 step %scan3A_2538 iter_args(%scan3A_2597 = %scan3A) -> (i32)  : i32 {
      %jit3A_2598 = arith.constant 16 : i32
      %div3A_2599 = arith.divsi %scan3A_2596, %jit3A_2598 : i32
      %sign3A_2600 = arith.constant 0 : i32
      %sign3A_2601 = arith.cmpi sgt, %scan3A_2596, %sign3A_2600 : i32
      %sign3A_2602 = arith.extui %sign3A_2601 : i1 to i32
      %sign3A_2603 = arith.constant 0 : i32
      %sign3A_2604 = arith.cmpi slt, %scan3A_2596, %sign3A_2603 : i32
      %sign3A_2605 = arith.extui %sign3A_2604 : i1 to i32
      %sign3A_2606 = arith.subi %sign3A_2602, %sign3A_2605 : i32
      %sign3A_2607 = arith.constant 0 : i32
      %sign3A_2608 = arith.cmpi sgt, %jit3A_2598, %sign3A_2607 : i32
      %sign3A_2609 = arith.extui %sign3A_2608 : i1 to i32
      %sign3A_2610 = arith.constant 0 : i32
      %sign3A_2611 = arith.cmpi slt, %jit3A_2598, %sign3A_2610 : i32
      %sign3A_2612 = arith.extui %sign3A_2611 : i1 to i32
      %sign3A_2613 = arith.subi %sign3A_2609, %sign3A_2612 : i32
      %ne3A_2614 = arith.cmpi ne, %sign3A_2606, %sign3A_2613 : i32
      %rem3A_2615 = arith.remsi %scan3A_2596, %jit3A_2598 : i32
      %ne3A_2616 = arith.constant 0 : i32
      %ne3A_2617 = arith.cmpi ne, %rem3A_2615, %ne3A_2616 : i32
      %and3A_2618 = arith.andi %ne3A_2614, %ne3A_2617 : i1
      %sub3A_2619 = arith.constant 1 : i32
      %sub3A_2620 = arith.subi %div3A_2599, %sub3A_2619 : i32
      %select_n3A_2621 = arith.select %and3A_2618, %sub3A_2620, %div3A_2599 : i32
      %jit3A_2622 = arith.constant 4 : i32
      %div3A_2623 = arith.divsi %scan3A_2596, %jit3A_2622 : i32
      %sign3A_2624 = arith.constant 0 : i32
      %sign3A_2625 = arith.cmpi sgt, %scan3A_2596, %sign3A_2624 : i32
      %sign3A_2626 = arith.extui %sign3A_2625 : i1 to i32
      %sign3A_2627 = arith.constant 0 : i32
      %sign3A_2628 = arith.cmpi slt, %scan3A_2596, %sign3A_2627 : i32
      %sign3A_2629 = arith.extui %sign3A_2628 : i1 to i32
      %sign3A_2630 = arith.subi %sign3A_2626, %sign3A_2629 : i32
      %sign3A_2631 = arith.constant 0 : i32
      %sign3A_2632 = arith.cmpi sgt, %jit3A_2622, %sign3A_2631 : i32
      %sign3A_2633 = arith.extui %sign3A_2632 : i1 to i32
      %sign3A_2634 = arith.constant 0 : i32
      %sign3A_2635 = arith.cmpi slt, %jit3A_2622, %sign3A_2634 : i32
      %sign3A_2636 = arith.extui %sign3A_2635 : i1 to i32
      %sign3A_2637 = arith.subi %sign3A_2633, %sign3A_2636 : i32
      %ne3A_2638 = arith.cmpi ne, %sign3A_2630, %sign3A_2637 : i32
      %rem3A_2639 = arith.remsi %scan3A_2596, %jit3A_2622 : i32
      %ne3A_2640 = arith.constant 0 : i32
      %ne3A_2641 = arith.cmpi ne, %rem3A_2639, %ne3A_2640 : i32
      %and3A_2642 = arith.andi %ne3A_2638, %ne3A_2641 : i1
      %sub3A_2643 = arith.constant 1 : i32
      %sub3A_2644 = arith.subi %div3A_2623, %sub3A_2643 : i32
      %select_n3A_2645 = arith.select %and3A_2642, %sub3A_2644, %div3A_2623 : i32
      %jit3A_2646 = arith.constant 4 : i32
      %eq3A_2647 = arith.constant 0 : i32
      %eq3A_2648 = arith.cmpi eq, %jit3A_2646, %eq3A_2647 : i32
      %jit3A_2649 = arith.constant 1 : i32
      %select_n3A_2650 = arith.select %eq3A_2648, %jit3A_2649, %jit3A_2646 : i32
      %rem3A_2651 = arith.remsi %select_n3A_2645, %select_n3A_2650 : i32
      %ne3A_2652 = arith.constant 0 : i32
      %ne3A_2653 = arith.cmpi ne, %rem3A_2651, %ne3A_2652 : i32
      %lt3A_2654 = arith.constant 0 : i32
      %lt3A_2655 = arith.cmpi slt, %rem3A_2651, %lt3A_2654 : i32
      %lt3A_2656 = arith.constant 0 : i32
      %lt3A_2657 = arith.cmpi slt, %select_n3A_2650, %lt3A_2656 : i32
      %ne3A_2658 = arith.xori %lt3A_2655, %lt3A_2657 : i1
      %and3A_2659 = arith.andi %ne3A_2658, %ne3A_2653 : i1
      %add3A_2660 = arith.addi %rem3A_2651, %select_n3A_2650 : i32
      %select_n3A_2661 = arith.select %and3A_2659, %add3A_2660, %rem3A_2651 : i32
      %jit3A_2662 = arith.constant 2 : i32
      %div3A_2663 = arith.divsi %scan3A_2596, %jit3A_2662 : i32
      %sign3A_2664 = arith.constant 0 : i32
      %sign3A_2665 = arith.cmpi sgt, %scan3A_2596, %sign3A_2664 : i32
      %sign3A_2666 = arith.extui %sign3A_2665 : i1 to i32
      %sign3A_2667 = arith.constant 0 : i32
      %sign3A_2668 = arith.cmpi slt, %scan3A_2596, %sign3A_2667 : i32
      %sign3A_2669 = arith.extui %sign3A_2668 : i1 to i32
      %sign3A_2670 = arith.subi %sign3A_2666, %sign3A_2669 : i32
      %sign3A_2671 = arith.constant 0 : i32
      %sign3A_2672 = arith.cmpi sgt, %jit3A_2662, %sign3A_2671 : i32
      %sign3A_2673 = arith.extui %sign3A_2672 : i1 to i32
      %sign3A_2674 = arith.constant 0 : i32
      %sign3A_2675 = arith.cmpi slt, %jit3A_2662, %sign3A_2674 : i32
      %sign3A_2676 = arith.extui %sign3A_2675 : i1 to i32
      %sign3A_2677 = arith.subi %sign3A_2673, %sign3A_2676 : i32
      %ne3A_2678 = arith.cmpi ne, %sign3A_2670, %sign3A_2677 : i32
      %rem3A_2679 = arith.remsi %scan3A_2596, %jit3A_2662 : i32
      %ne3A_2680 = arith.constant 0 : i32
      %ne3A_2681 = arith.cmpi ne, %rem3A_2679, %ne3A_2680 : i32
      %and3A_2682 = arith.andi %ne3A_2678, %ne3A_2681 : i1
      %sub3A_2683 = arith.constant 1 : i32
      %sub3A_2684 = arith.subi %div3A_2663, %sub3A_2683 : i32
      %select_n3A_2685 = arith.select %and3A_2682, %sub3A_2684, %div3A_2663 : i32
      %jit3A_2686 = arith.constant 2 : i32
      %eq3A_2687 = arith.constant 0 : i32
      %eq3A_2688 = arith.cmpi eq, %jit3A_2686, %eq3A_2687 : i32
      %jit3A_2689 = arith.constant 1 : i32
      %select_n3A_2690 = arith.select %eq3A_2688, %jit3A_2689, %jit3A_2686 : i32
      %rem3A_2691 = arith.remsi %select_n3A_2685, %select_n3A_2690 : i32
      %ne3A_2692 = arith.constant 0 : i32
      %ne3A_2693 = arith.cmpi ne, %rem3A_2691, %ne3A_2692 : i32
      %lt3A_2694 = arith.constant 0 : i32
      %lt3A_2695 = arith.cmpi slt, %rem3A_2691, %lt3A_2694 : i32
      %lt3A_2696 = arith.constant 0 : i32
      %lt3A_2697 = arith.cmpi slt, %select_n3A_2690, %lt3A_2696 : i32
      %ne3A_2698 = arith.xori %lt3A_2695, %lt3A_2697 : i1
      %and3A_2699 = arith.andi %ne3A_2698, %ne3A_2693 : i1
      %add3A_2700 = arith.addi %rem3A_2691, %select_n3A_2690 : i32
      %select_n3A_2701 = arith.select %and3A_2699, %add3A_2700, %rem3A_2691 : i32
      %jit3A_2702 = arith.constant 2 : i32
      %eq3A_2703 = arith.constant 0 : i32
      %eq3A_2704 = arith.cmpi eq, %jit3A_2702, %eq3A_2703 : i32
      %jit3A_2705 = arith.constant 1 : i32
      %select_n3A_2706 = arith.select %eq3A_2704, %jit3A_2705, %jit3A_2702 : i32
      %rem3A_2707 = arith.remsi %scan3A_2596, %select_n3A_2706 : i32
      %ne3A_2708 = arith.constant 0 : i32
      %ne3A_2709 = arith.cmpi ne, %rem3A_2707, %ne3A_2708 : i32
      %lt3A_2710 = arith.constant 0 : i32
      %lt3A_2711 = arith.cmpi slt, %rem3A_2707, %lt3A_2710 : i32
      %lt3A_2712 = arith.constant 0 : i32
      %lt3A_2713 = arith.cmpi slt, %select_n3A_2706, %lt3A_2712 : i32
      %ne3A_2714 = arith.xori %lt3A_2711, %lt3A_2713 : i1
      %and3A_2715 = arith.andi %ne3A_2714, %ne3A_2709 : i1
      %add3A_2716 = arith.addi %rem3A_2707, %select_n3A_2706 : i32
      %select_n3A_2717 = arith.select %and3A_2715, %add3A_2716, %rem3A_2707 : i32
      %jit3A_2718 = arith.constant 4 : i32
      %eq3A_2719 = arith.constant 0 : i32
      %eq3A_2720 = arith.cmpi eq, %jit3A_2718, %eq3A_2719 : i32
      %jit3A_2721 = arith.constant 1 : i32
      %select_n3A_2722 = arith.select %eq3A_2720, %jit3A_2721, %jit3A_2718 : i32
      %rem3A_2723 = arith.remsi %scan3A_2596, %select_n3A_2722 : i32
      %ne3A_2724 = arith.constant 0 : i32
      %ne3A_2725 = arith.cmpi ne, %rem3A_2723, %ne3A_2724 : i32
      %lt3A_2726 = arith.constant 0 : i32
      %lt3A_2727 = arith.cmpi slt, %rem3A_2723, %lt3A_2726 : i32
      %lt3A_2728 = arith.constant 0 : i32
      %lt3A_2729 = arith.cmpi slt, %select_n3A_2722, %lt3A_2728 : i32
      %ne3A_2730 = arith.xori %lt3A_2727, %lt3A_2729 : i1
      %and3A_2731 = arith.andi %ne3A_2730, %ne3A_2725 : i1
      %add3A_2732 = arith.addi %rem3A_2723, %select_n3A_2722 : i32
      %select_n3A_2733 = arith.select %and3A_2731, %add3A_2732, %rem3A_2723 : i32
      %jit3A_2734 = arith.constant 2 : i32
      %div3A_2735 = arith.divsi %scan3A_2596, %jit3A_2734 : i32
      %sign3A_2736 = arith.constant 0 : i32
      %sign3A_2737 = arith.cmpi sgt, %scan3A_2596, %sign3A_2736 : i32
      %sign3A_2738 = arith.extui %sign3A_2737 : i1 to i32
      %sign3A_2739 = arith.constant 0 : i32
      %sign3A_2740 = arith.cmpi slt, %scan3A_2596, %sign3A_2739 : i32
      %sign3A_2741 = arith.extui %sign3A_2740 : i1 to i32
      %sign3A_2742 = arith.subi %sign3A_2738, %sign3A_2741 : i32
      %sign3A_2743 = arith.constant 0 : i32
      %sign3A_2744 = arith.cmpi sgt, %jit3A_2734, %sign3A_2743 : i32
      %sign3A_2745 = arith.extui %sign3A_2744 : i1 to i32
      %sign3A_2746 = arith.constant 0 : i32
      %sign3A_2747 = arith.cmpi slt, %jit3A_2734, %sign3A_2746 : i32
      %sign3A_2748 = arith.extui %sign3A_2747 : i1 to i32
      %sign3A_2749 = arith.subi %sign3A_2745, %sign3A_2748 : i32
      %ne3A_2750 = arith.cmpi ne, %sign3A_2742, %sign3A_2749 : i32
      %rem3A_2751 = arith.remsi %scan3A_2596, %jit3A_2734 : i32
      %ne3A_2752 = arith.constant 0 : i32
      %ne3A_2753 = arith.cmpi ne, %rem3A_2751, %ne3A_2752 : i32
      %and3A_2754 = arith.andi %ne3A_2750, %ne3A_2753 : i1
      %sub3A_2755 = arith.constant 1 : i32
      %sub3A_2756 = arith.subi %div3A_2735, %sub3A_2755 : i32
      %select_n3A_2757 = arith.select %and3A_2754, %sub3A_2756, %div3A_2735 : i32
      %jit3A_2758 = arith.constant 4 : i32
      %eq3A_2759 = arith.constant 0 : i32
      %eq3A_2760 = arith.cmpi eq, %jit3A_2758, %eq3A_2759 : i32
      %jit3A_2761 = arith.constant 1 : i32
      %select_n3A_2762 = arith.select %eq3A_2760, %jit3A_2761, %jit3A_2758 : i32
      %rem3A_2763 = arith.remsi %select_n3A_2757, %select_n3A_2762 : i32
      %ne3A_2764 = arith.constant 0 : i32
      %ne3A_2765 = arith.cmpi ne, %rem3A_2763, %ne3A_2764 : i32
      %lt3A_2766 = arith.constant 0 : i32
      %lt3A_2767 = arith.cmpi slt, %rem3A_2763, %lt3A_2766 : i32
      %lt3A_2768 = arith.constant 0 : i32
      %lt3A_2769 = arith.cmpi slt, %select_n3A_2762, %lt3A_2768 : i32
      %ne3A_2770 = arith.xori %lt3A_2767, %lt3A_2769 : i1
      %and3A_2771 = arith.andi %ne3A_2770, %ne3A_2765 : i1
      %add3A_2772 = arith.addi %rem3A_2763, %select_n3A_2762 : i32
      %select_n3A_2773 = arith.select %and3A_2771, %add3A_2772, %rem3A_2763 : i32
      %eq3A_2774 = arith.constant 0 : i32
      %eq3A_2775 = arith.cmpi eq, %select_n3A_2717, %eq3A_2774 : i32
      %convert_element_type3A = arith.extui %eq3A_2775 : i1 to i32
      %cond3A = arith.constant 0 : i32
      %cond3A_2776 = arith.cmpi ne, %convert_element_type3A, %cond3A : i32
      scf.if %cond3A_2776 {
        %dma_wait3A_2891 = arith.constant 0 : i32
        %dma_wait3A_2892 = arith.constant 0 : i32
        %dma_wait3A_2893 = tpu.memref_slice %arg7[%dma_wait3A_2891, %dma_wait3A_2892] : memref<4x4096xi32, #tpu.memory_space<vmem>> -> memref<1x4096xi32, #tpu.memory_space<vmem>>
        %dma_wait3A_2894 = tpu.memref_squeeze %dma_wait3A_2893 : memref<1x4096xi32, #tpu.memory_space<vmem>> -> memref<4096xi32, #tpu.memory_space<vmem>>
        %dma_wait3A_2895 = arith.constant 0 : i32
        %dma_wait3A_2896 = tpu.memref_slice %arg2[%dma_wait3A_2895] : memref<3145728xi32, #tpu.memory_space<hbm>> -> memref<4096xi32, #tpu.memory_space<hbm>>
        %dma_wait3A_2897 = arith.constant 0 : i32
        %dma_wait3A_2898 = tpu.memref_slice %arg7[%dma_wait3A_2891, %dma_wait3A_2897] : memref<4x4096xi32, #tpu.memory_space<vmem>> -> memref<1x4096xi32, #tpu.memory_space<vmem>>
        %dma_wait3A_2899 = tpu.memref_squeeze %dma_wait3A_2898 : memref<1x4096xi32, #tpu.memory_space<vmem>> -> memref<4096xi32, #tpu.memory_space<vmem>>
        %dma_wait3A_2900 = arith.constant 0 : i32
        %dma_wait3A_2901 = tpu.memref_slice %arg2[%dma_wait3A_2900] : memref<3145728xi32, #tpu.memory_space<hbm>> -> memref<4096xi32, #tpu.memory_space<hbm>>
        tpu.wait_dma2 semaphore(%arg9 : memref<!tpu.dma_semaphore, #tpu.memory_space<semaphore_mem>>) src(%dma_wait3A_2901 : memref<4096xi32, #tpu.memory_space<hbm>>) dst(%dma_wait3A_2899 : memref<4096xi32, #tpu.memory_space<vmem>>)
        %add3A_2902 = arith.constant 1 : i32
        %add3A_2903 = arith.addi %select_n3A_2757, %add3A_2902 : i32
        %lt3A_2904 = arith.constant 24 : i32
        %lt3A_2905 = arith.cmpi slt, %add3A_2903, %lt3A_2904 : i32
        %convert_element_type3A_2906 = arith.extui %lt3A_2905 : i1 to i32
        %cond3A_2907 = arith.constant 0 : i32
        %cond3A_2908 = arith.cmpi ne, %convert_element_type3A_2906, %cond3A_2907 : i32
        scf.if %cond3A_2908 {
          %add3A_2909 = arith.constant 1 : i32
          %add3A_2910 = arith.addi %select_n3A_2757, %add3A_2909 : i32
          %jit3A_2911 = arith.constant 8 : i32
          %div3A_2912 = arith.divsi %add3A_2910, %jit3A_2911 : i32
          %sign3A_2913 = arith.constant 0 : i32
          %sign3A_2914 = arith.cmpi sgt, %add3A_2910, %sign3A_2913 : i32
          %sign3A_2915 = arith.extui %sign3A_2914 : i1 to i32
          %sign3A_2916 = arith.constant 0 : i32
          %sign3A_2917 = arith.cmpi slt, %add3A_2910, %sign3A_2916 : i32
          %sign3A_2918 = arith.extui %sign3A_2917 : i1 to i32
          %sign3A_2919 = arith.subi %sign3A_2915, %sign3A_2918 : i32
          %sign3A_2920 = arith.constant 0 : i32
          %sign3A_2921 = arith.cmpi sgt, %jit3A_2911, %sign3A_2920 : i32
          %sign3A_2922 = arith.extui %sign3A_2921 : i1 to i32
          %sign3A_2923 = arith.constant 0 : i32
          %sign3A_2924 = arith.cmpi slt, %jit3A_2911, %sign3A_2923 : i32
          %sign3A_2925 = arith.extui %sign3A_2924 : i1 to i32
          %sign3A_2926 = arith.subi %sign3A_2922, %sign3A_2925 : i32
          %ne3A_2927 = arith.cmpi ne, %sign3A_2919, %sign3A_2926 : i32
          %rem3A_2928 = arith.remsi %add3A_2910, %jit3A_2911 : i32
          %ne3A_2929 = arith.constant 0 : i32
          %ne3A_2930 = arith.cmpi ne, %rem3A_2928, %ne3A_2929 : i32
          %and3A_2931 = arith.andi %ne3A_2927, %ne3A_2930 : i1
          %sub3A_2932 = arith.constant 1 : i32
          %sub3A_2933 = arith.subi %div3A_2912, %sub3A_2932 : i32
          %select_n3A_2934 = arith.select %and3A_2931, %sub3A_2933, %div3A_2912 : i32
          %jit3A_2935 = arith.constant 2 : i32
          %div3A_2936 = arith.divsi %add3A_2910, %jit3A_2935 : i32
          %sign3A_2937 = arith.constant 0 : i32
          %sign3A_2938 = arith.cmpi sgt, %add3A_2910, %sign3A_2937 : i32
          %sign3A_2939 = arith.extui %sign3A_2938 : i1 to i32
          %sign3A_2940 = arith.constant 0 : i32
          %sign3A_2941 = arith.cmpi slt, %add3A_2910, %sign3A_2940 : i32
          %sign3A_2942 = arith.extui %sign3A_2941 : i1 to i32
          %sign3A_2943 = arith.subi %sign3A_2939, %sign3A_2942 : i32
          %sign3A_2944 = arith.constant 0 : i32
          %sign3A_2945 = arith.cmpi sgt, %jit3A_2935, %sign3A_2944 : i32
          %sign3A_2946 = arith.extui %sign3A_2945 : i1 to i32
          %sign3A_2947 = arith.constant 0 : i32
          %sign3A_2948 = arith.cmpi slt, %jit3A_2935, %sign3A_2947 : i32
          %sign3A_2949 = arith.extui %sign3A_2948 : i1 to i32
          %sign3A_2950 = arith.subi %sign3A_2946, %sign3A_2949 : i32
          %ne3A_2951 = arith.cmpi ne, %sign3A_2943, %sign3A_2950 : i32
          %rem3A_2952 = arith.remsi %add3A_2910, %jit3A_2935 : i32
          %ne3A_2953 = arith.constant 0 : i32
          %ne3A_2954 = arith.cmpi ne, %rem3A_2952, %ne3A_2953 : i32
          %and3A_2955 = arith.andi %ne3A_2951, %ne3A_2954 : i1
          %sub3A_2956 = arith.constant 1 : i32
          %sub3A_2957 = arith.subi %div3A_2936, %sub3A_2956 : i32
          %select_n3A_2958 = arith.select %and3A_2955, %sub3A_2957, %div3A_2936 : i32
          %jit3A_2959 = arith.constant 4 : i32
          %eq3A_2960 = arith.constant 0 : i32
          %eq3A_2961 = arith.cmpi eq, %jit3A_2959, %eq3A_2960 : i32
          %jit3A_2962 = arith.constant 1 : i32
          %select_n3A_2963 = arith.select %eq3A_2961, %jit3A_2962, %jit3A_2959 : i32
          %rem3A_2964 = arith.remsi %select_n3A_2958, %select_n3A_2963 : i32
          %ne3A_2965 = arith.constant 0 : i32
          %ne3A_2966 = arith.cmpi ne, %rem3A_2964, %ne3A_2965 : i32
          %lt3A_2967 = arith.constant 0 : i32
          %lt3A_2968 = arith.cmpi slt, %rem3A_2964, %lt3A_2967 : i32
          %lt3A_2969 = arith.constant 0 : i32
          %lt3A_2970 = arith.cmpi slt, %select_n3A_2963, %lt3A_2969 : i32
          %ne3A_2971 = arith.xori %lt3A_2968, %lt3A_2970 : i1
          %and3A_2972 = arith.andi %ne3A_2971, %ne3A_2966 : i1
          %add3A_2973 = arith.addi %rem3A_2964, %select_n3A_2963 : i32
          %select_n3A_2974 = arith.select %and3A_2972, %add3A_2973, %rem3A_2964 : i32
          %jit3A_2975 = arith.constant 2 : i32
          %eq3A_2976 = arith.constant 0 : i32
          %eq3A_2977 = arith.cmpi eq, %jit3A_2975, %eq3A_2976 : i32
          %jit3A_2978 = arith.constant 1 : i32
          %select_n3A_2979 = arith.select %eq3A_2977, %jit3A_2978, %jit3A_2975 : i32
          %rem3A_2980 = arith.remsi %add3A_2910, %select_n3A_2979 : i32
          %ne3A_2981 = arith.constant 0 : i32
          %ne3A_2982 = arith.cmpi ne, %rem3A_2980, %ne3A_2981 : i32
          %lt3A_2983 = arith.constant 0 : i32
          %lt3A_2984 = arith.cmpi slt, %rem3A_2980, %lt3A_2983 : i32
          %lt3A_2985 = arith.constant 0 : i32
          %lt3A_2986 = arith.cmpi slt, %select_n3A_2979, %lt3A_2985 : i32
          %ne3A_2987 = arith.xori %lt3A_2984, %lt3A_2986 : i1
          %and3A_2988 = arith.andi %ne3A_2987, %ne3A_2982 : i1
          %add3A_2989 = arith.addi %rem3A_2980, %select_n3A_2979 : i32
          %select_n3A_2990 = arith.select %and3A_2988, %add3A_2989, %rem3A_2980 : i32
          %mul3A_2991 = arith.constant 4 : i32
          %mul3A_2992 = arith.muli %select_n3A_30, %mul3A_2991 : i32
          %add3A_2993 = arith.addi %mul3A_2992, %select_n3A_2974 : i32
          %mul3A_2994 = arith.constant 3 : i32
          %mul3A_2995 = arith.muli %add3A_2993, %mul3A_2994 : i32
          %add3A_2996 = arith.addi %mul3A_2995, %select_n3A_2934 : i32
          %mul3A_2997 = arith.constant 131072 : i32
          %mul3A_2998 = arith.muli %add3A_2996, %mul3A_2997 : i32
          %mul3A_2999 = arith.constant 8192 : i32
          %mul3A_3000 = arith.muli %select_n3A, %mul3A_2999 : i32
          %add3A_3001 = arith.addi %mul3A_2998, %mul3A_3000 : i32
          %mul3A_3002 = arith.constant 4096 : i32
          %mul3A_3003 = arith.muli %select_n3A_2990, %mul3A_3002 : i32
          %add3A_3004 = arith.addi %add3A_3001, %mul3A_3003 : i32
          %add3A_3005 = arith.constant 1 : i32
          %add3A_3006 = arith.addi %select_n3A_2757, %add3A_3005 : i32
          %jit3A_3007 = arith.constant 4 : i32
          %eq3A_3008 = arith.constant 0 : i32
          %eq3A_3009 = arith.cmpi eq, %jit3A_3007, %eq3A_3008 : i32
          %jit3A_3010 = arith.constant 1 : i32
          %select_n3A_3011 = arith.select %eq3A_3009, %jit3A_3010, %jit3A_3007 : i32
          %rem3A_3012 = arith.remsi %add3A_3006, %select_n3A_3011 : i32
          %ne3A_3013 = arith.constant 0 : i32
          %ne3A_3014 = arith.cmpi ne, %rem3A_3012, %ne3A_3013 : i32
          %lt3A_3015 = arith.constant 0 : i32
          %lt3A_3016 = arith.cmpi slt, %rem3A_3012, %lt3A_3015 : i32
          %lt3A_3017 = arith.constant 0 : i32
          %lt3A_3018 = arith.cmpi slt, %select_n3A_3011, %lt3A_3017 : i32
          %ne3A_3019 = arith.xori %lt3A_3016, %lt3A_3018 : i1
          %and3A_3020 = arith.andi %ne3A_3019, %ne3A_3014 : i1
          %add3A_3021 = arith.addi %rem3A_3012, %select_n3A_3011 : i32
          %select_n3A_3022 = arith.select %and3A_3020, %add3A_3021, %rem3A_3012 : i32
          %dma_start3A_3023 = arith.constant 0 : i32
          %dma_start3A_3024 = tpu.memref_slice %arg7[%select_n3A_3022, %dma_start3A_3023] : memref<4x4096xi32, #tpu.memory_space<vmem>> -> memref<1x4096xi32, #tpu.memory_space<vmem>>
          %dma_start3A_3025 = tpu.memref_squeeze %dma_start3A_3024 : memref<1x4096xi32, #tpu.memory_space<vmem>> -> memref<4096xi32, #tpu.memory_space<vmem>>
          %dma_start3A_3026 = tpu.memref_slice %arg2[%add3A_3004] : memref<3145728xi32, #tpu.memory_space<hbm>> -> memref<4096xi32, #tpu.memory_space<hbm>>
          %dma_start3A_3027 = arith.constant 0 : i32
          %dma_start3A_3028 = tpu.memref_slice %arg7[%select_n3A_3022, %dma_start3A_3027] : memref<4x4096xi32, #tpu.memory_space<vmem>> -> memref<1x4096xi32, #tpu.memory_space<vmem>>
          %dma_start3A_3029 = tpu.memref_squeeze %dma_start3A_3028 : memref<1x4096xi32, #tpu.memory_space<vmem>> -> memref<4096xi32, #tpu.memory_space<vmem>>
          %dma_start3A_3030 = tpu.memref_slice %arg2[%add3A_3004] : memref<3145728xi32, #tpu.memory_space<hbm>> -> memref<4096xi32, #tpu.memory_space<hbm>>
          tpu.enqueue_dma source(%dma_start3A_3030 : memref<4096xi32, #tpu.memory_space<hbm>>) target(%dma_start3A_3029 : memref<4096xi32, #tpu.memory_space<vmem>>) target_semaphore(%arg9 : memref<!tpu.dma_semaphore, #tpu.memory_space<semaphore_mem>>)
        } else {
        }
      } else {
      }
      %ge3A = arith.constant 4 : i32
      %ge3A_2777 = arith.cmpi sge, %scan3A_2596, %ge3A : i32
      %convert_element_type3A_2778 = arith.extui %ge3A_2777 : i1 to i32
      %cond3A_2779 = arith.constant 0 : i32
      %cond3A_2780 = arith.cmpi ne, %convert_element_type3A_2778, %cond3A_2779 : i32
      scf.if %cond3A_2780 {
        %dma_wait3A_2891 = arith.constant 0 : i32
        %dma_wait3A_2892 = tpu.memref_slice %arg8[%select_n3A_2733, %dma_wait3A_2891] : memref<4x16384xf32, #tpu.memory_space<vmem>> -> memref<1x16384xf32, #tpu.memory_space<vmem>>
        %dma_wait3A_2893 = tpu.memref_squeeze %dma_wait3A_2892 : memref<1x16384xf32, #tpu.memory_space<vmem>> -> memref<16384xf32, #tpu.memory_space<vmem>>
        %dma_wait3A_2894 = arith.constant 0 : i32
        %dma_wait3A_2895 = tpu.memref_slice %arg4[%dma_wait3A_2894] : memref<25165824xf32, #tpu.memory_space<hbm>> -> memref<16384xf32, #tpu.memory_space<hbm>>
        %dma_wait3A_2896 = tpu.memref_slice %arg10[%select_n3A_2733] : memref<4x!tpu.dma_semaphore, #tpu.memory_space<semaphore_mem>> -> memref<1x!tpu.dma_semaphore, #tpu.memory_space<semaphore_mem>>
        %dma_wait3A_2897 = tpu.memref_squeeze %dma_wait3A_2896 : memref<1x!tpu.dma_semaphore, #tpu.memory_space<semaphore_mem>> -> memref<!tpu.dma_semaphore, #tpu.memory_space<semaphore_mem>>
        %dma_wait3A_2898 = arith.constant 0 : i32
        %dma_wait3A_2899 = tpu.memref_slice %arg8[%select_n3A_2733, %dma_wait3A_2898] : memref<4x16384xf32, #tpu.memory_space<vmem>> -> memref<1x16384xf32, #tpu.memory_space<vmem>>
        %dma_wait3A_2900 = tpu.memref_squeeze %dma_wait3A_2899 : memref<1x16384xf32, #tpu.memory_space<vmem>> -> memref<16384xf32, #tpu.memory_space<vmem>>
        %dma_wait3A_2901 = arith.constant 0 : i32
        %dma_wait3A_2902 = tpu.memref_slice %arg4[%dma_wait3A_2901] : memref<25165824xf32, #tpu.memory_space<hbm>> -> memref<16384xf32, #tpu.memory_space<hbm>>
        tpu.wait_dma2 semaphore(%dma_wait3A_2897 : memref<!tpu.dma_semaphore, #tpu.memory_space<semaphore_mem>>) src(%dma_wait3A_2902 : memref<16384xf32, #tpu.memory_space<hbm>>) dst(%dma_wait3A_2900 : memref<16384xf32, #tpu.memory_space<vmem>>)
      } else {
      }
      %mul3A_2781 = arith.constant 187 : i32
      %mul3A_2782 = arith.muli %mul3A_2781, %select_n3A_2621 : i32
      %mul3A_2783 = arith.constant 4 : i32
      %mul3A_2784 = arith.muli %mul3A_2783, %select_n3A_2717 : i32
      %add3A_2785 = arith.addi %mul3A_2782, %mul3A_2784 : i32
      %add3A_2786 = arith.constant 0 : i32
      %add3A_2787 = arith.addi %add3A_2785, %add3A_2786 : i32
      %broadcast_in_dim3A = vector.broadcast %add3A_2787 : i32 to vector<16xi32>
      %add3A_2788 = arith.constant 1 : i32
      %add3A_2789 = arith.addi %add3A_2785, %add3A_2788 : i32
      %broadcast_in_dim3A_2790 = vector.broadcast %add3A_2789 : i32 to vector<16xi32>
      %add3A_2791 = arith.constant 2 : i32
      %add3A_2792 = arith.addi %add3A_2785, %add3A_2791 : i32
      %broadcast_in_dim3A_2793 = vector.broadcast %add3A_2792 : i32 to vector<16xi32>
      %add3A_2794 = arith.constant 3 : i32
      %add3A_2795 = arith.addi %add3A_2785, %add3A_2794 : i32
      %broadcast_in_dim3A_2796 = vector.broadcast %add3A_2795 : i32 to vector<16xi32>
      %parallel_loop3A = arith.constant 0 : i32
      %parallel_loop3A_2797 = arith.constant 256 : i32
      %parallel_loop3A_2798 = arith.constant 1 : i32
      scf.for %parallel_loop3A_2891 = %parallel_loop3A to %parallel_loop3A_2797 step %parallel_loop3A_2798  : i32 {
        %parallel_loop3A_2892 = arith.constant 16 : i32
        %parallel_loop3A_2893 = arith.muli %parallel_loop3A_2891, %parallel_loop3A_2892 : i32
        %parallel_loop3A_2894 = arith.index_cast %select_n3A_2773 : i32 to index
        %parallel_loop3A_2895 = arith.index_cast %parallel_loop3A_2893 : i32 to index
        %parallel_loop3A_2896 = tpu.vector_load %arg7[%parallel_loop3A_2894, %parallel_loop3A_2895] {strides = array<i32>} : memref<4x4096xi32, #tpu.memory_space<vmem>>, vector<16xi32>,
        %parallel_loop3A_2897 = arith.constant 17 : i32
        %parallel_loop3A_2898 = vector.broadcast %parallel_loop3A_2897 : i32 to vector<16xi32>
        %parallel_loop3A_2899 = arith.muli %parallel_loop3A_2896, %parallel_loop3A_2898 : vector<16xi32>
        %parallel_loop3A_2900 = arith.addi %parallel_loop3A_2899, %broadcast_in_dim3A : vector<16xi32>
        %parallel_loop3A_2901 = tpu.vector_load_idx %arg6[%parallel_loop3A_2900] : memref<576xf32, #tpu.memory_space<vmem>>[vector<16xi32>], vector<16xf32>,
        %parallel_loop3A_2902 = arith.constant 0 : i32
        %parallel_loop3A_2903 = arith.addi %parallel_loop3A_2902, %parallel_loop3A_2893 : i32
        %parallel_loop3A_2904 = arith.index_cast %select_n3A_2733 : i32 to index
        %parallel_loop3A_2905 = arith.index_cast %parallel_loop3A_2903 : i32 to index
        %parallel_loop3A_2906 = tpu.vector_load %arg8[%parallel_loop3A_2904, %parallel_loop3A_2905] {strides = array<i32>} : memref<4x16384xf32, #tpu.memory_space<vmem>>, vector<16xf32>,
        tpu.vector_store %arg8[%parallel_loop3A_2904, %parallel_loop3A_2905], %parallel_loop3A_2901 {strides = array<i32>} : memref<4x16384xf32, #tpu.memory_space<vmem>>, vector<16xf32>,
        %parallel_loop3A_2907 = arith.addi %parallel_loop3A_2899, %broadcast_in_dim3A_2790 : vector<16xi32>
        %parallel_loop3A_2908 = tpu.vector_load_idx %arg6[%parallel_loop3A_2907] : memref<576xf32, #tpu.memory_space<vmem>>[vector<16xi32>], vector<16xf32>,
        %parallel_loop3A_2909 = arith.constant 4096 : i32
        %parallel_loop3A_2910 = arith.addi %parallel_loop3A_2909, %parallel_loop3A_2893 : i32
        %parallel_loop3A_2911 = arith.index_cast %select_n3A_2733 : i32 to index
        %parallel_loop3A_2912 = arith.index_cast %parallel_loop3A_2910 : i32 to index
        %parallel_loop3A_2913 = tpu.vector_load %arg8[%parallel_loop3A_2911, %parallel_loop3A_2912] {strides = array<i32>} : memref<4x16384xf32, #tpu.memory_space<vmem>>, vector<16xf32>,
        tpu.vector_store %arg8[%parallel_loop3A_2911, %parallel_loop3A_2912], %parallel_loop3A_2908 {strides = array<i32>} : memref<4x16384xf32, #tpu.memory_space<vmem>>, vector<16xf32>,
        %parallel_loop3A_2914 = arith.addi %parallel_loop3A_2899, %broadcast_in_dim3A_2793 : vector<16xi32>
        %parallel_loop3A_2915 = tpu.vector_load_idx %arg6[%parallel_loop3A_2914] : memref<576xf32, #tpu.memory_space<vmem>>[vector<16xi32>], vector<16xf32>,
        %parallel_loop3A_2916 = arith.constant 8192 : i32
        %parallel_loop3A_2917 = arith.addi %parallel_loop3A_2916, %parallel_loop3A_2893 : i32
        %parallel_loop3A_2918 = arith.index_cast %select_n3A_2733 : i32 to index
        %parallel_loop3A_2919 = arith.index_cast %parallel_loop3A_2917 : i32 to index
        %parallel_loop3A_2920 = tpu.vector_load %arg8[%parallel_loop3A_2918, %parallel_loop3A_2919] {strides = array<i32>} : memref<4x16384xf32, #tpu.memory_space<vmem>>, vector<16xf32>,
        tpu.vector_store %arg8[%parallel_loop3A_2918, %parallel_loop3A_2919], %parallel_loop3A_2915 {strides = array<i32>} : memref<4x16384xf32, #tpu.memory_space<vmem>>, vector<16xf32>,
        %parallel_loop3A_2921 = arith.addi %parallel_loop3A_2899, %broadcast_in_dim3A_2796 : vector<16xi32>
        %parallel_loop3A_2922 = tpu.vector_load_idx %arg6[%parallel_loop3A_2921] : memref<576xf32, #tpu.memory_space<vmem>>[vector<16xi32>], vector<16xf32>,
        %parallel_loop3A_2923 = arith.constant 12288 : i32
        %parallel_loop3A_2924 = arith.addi %parallel_loop3A_2923, %parallel_loop3A_2893 : i32
        %parallel_loop3A_2925 = arith.index_cast %select_n3A_2733 : i32 to index
        %parallel_loop3A_2926 = arith.index_cast %parallel_loop3A_2924 : i32 to index
        %parallel_loop3A_2927 = tpu.vector_load %arg8[%parallel_loop3A_2925, %parallel_loop3A_2926] {strides = array<i32>} : memref<4x16384xf32, #tpu.memory_space<vmem>>, vector<16xf32>,
        tpu.vector_store %arg8[%parallel_loop3A_2925, %parallel_loop3A_2926], %parallel_loop3A_2922 {strides = array<i32>} : memref<4x16384xf32, #tpu.memory_space<vmem>>, vector<16xf32>,
      } {sc.loop_unroll_factor = 8 : i64, sc.parallel_access}
      %mul3A_2799 = arith.constant 8 : i32
      %mul3A_2800 = arith.muli %select_n3A_2621, %mul3A_2799 : i32
      %mul3A_2801 = arith.constant 4 : i32
      %mul3A_2802 = arith.muli %mul3A_2801, %select_n3A_2717 : i32
      %add3A_2803 = arith.addi %mul3A_2800, %mul3A_2802 : i32
      %mul3A_2804 = arith.constant 8 : i32
      %mul3A_2805 = arith.muli %add3A_2803, %mul3A_2804 : i32
      %mul3A_2806 = arith.constant 4 : i32
      %mul3A_2807 = arith.muli %select_n3A_30, %mul3A_2806 : i32
      %add3A_2808 = arith.addi %mul3A_2805, %mul3A_2807 : i32
      %add3A_2809 = arith.addi %add3A_2808, %select_n3A_2661 : i32
      %add3A_2810 = arith.constant 0 : i32
      %add3A_2811 = arith.addi %add3A_2809, %add3A_2810 : i32
      %mul3A_2812 = arith.constant 131072 : i32
      %mul3A_2813 = arith.muli %add3A_2811, %mul3A_2812 : i32
      %mul3A_2814 = arith.constant 8192 : i32
      %mul3A_2815 = arith.muli %select_n3A, %mul3A_2814 : i32
      %add3A_2816 = arith.addi %mul3A_2813, %mul3A_2815 : i32
      %mul3A_2817 = arith.constant 4096 : i32
      %mul3A_2818 = arith.muli %select_n3A_2701, %mul3A_2817 : i32
      %add3A_2819 = arith.addi %add3A_2816, %mul3A_2818 : i32
      %dma_start3A_2820 = arith.constant 0 : i32
      %dma_start3A_2821 = tpu.memref_slice %arg8[%select_n3A_2733, %dma_start3A_2820] : memref<4x16384xf32, #tpu.memory_space<vmem>> -> memref<1x4096xf32, #tpu.memory_space<vmem>>
      %dma_start3A_2822 = tpu.memref_squeeze %dma_start3A_2821 : memref<1x4096xf32, #tpu.memory_space<vmem>> -> memref<4096xf32, #tpu.memory_space<vmem>>
      %dma_start3A_2823 = tpu.memref_slice %arg4[%add3A_2819] : memref<25165824xf32, #tpu.memory_space<hbm>> -> memref<4096xf32, #tpu.memory_space<hbm>>
      %dma_start3A_2824 = tpu.memref_slice %arg10[%select_n3A_2733] : memref<4x!tpu.dma_semaphore, #tpu.memory_space<semaphore_mem>> -> memref<1x!tpu.dma_semaphore, #tpu.memory_space<semaphore_mem>>
      %dma_start3A_2825 = tpu.memref_squeeze %dma_start3A_2824 : memref<1x!tpu.dma_semaphore, #tpu.memory_space<semaphore_mem>> -> memref<!tpu.dma_semaphore, #tpu.memory_space<semaphore_mem>>
      %dma_start3A_2826 = tpu.memref_slice %arg4[%add3A_2819] : memref<25165824xf32, #tpu.memory_space<hbm>> -> memref<4096xf32, #tpu.memory_space<hbm>>
      %dma_start3A_2827 = arith.constant 0 : i32
      %dma_start3A_2828 = tpu.memref_slice %arg8[%select_n3A_2733, %dma_start3A_2827] : memref<4x16384xf32, #tpu.memory_space<vmem>> -> memref<1x4096xf32, #tpu.memory_space<vmem>>
      %dma_start3A_2829 = tpu.memref_squeeze %dma_start3A_2828 : memref<1x4096xf32, #tpu.memory_space<vmem>> -> memref<4096xf32, #tpu.memory_space<vmem>>
      tpu.enqueue_dma source(%dma_start3A_2829 : memref<4096xf32, #tpu.memory_space<vmem>>) target(%dma_start3A_2826 : memref<4096xf32, #tpu.memory_space<hbm>>) target_semaphore(%dma_start3A_2825 : memref<!tpu.dma_semaphore, #tpu.memory_space<semaphore_mem>>)
      %add3A_2830 = arith.constant 8 : i32
      %add3A_2831 = arith.addi %add3A_2809, %add3A_2830 : i32
      %mul3A_2832 = arith.constant 131072 : i32
      %mul3A_2833 = arith.muli %add3A_2831, %mul3A_2832 : i32
      %mul3A_2834 = arith.constant 8192 : i32
      %mul3A_2835 = arith.muli %select_n3A, %mul3A_2834 : i32
      %add3A_2836 = arith.addi %mul3A_2833, %mul3A_2835 : i32
      %mul3A_2837 = arith.constant 4096 : i32
      %mul3A_2838 = arith.muli %select_n3A_2701, %mul3A_2837 : i32
      %add3A_2839 = arith.addi %add3A_2836, %mul3A_2838 : i32
      %dma_start3A_2840 = arith.constant 4096 : i32
      %dma_start3A_2841 = tpu.memref_slice %arg8[%select_n3A_2733, %dma_start3A_2840] : memref<4x16384xf32, #tpu.memory_space<vmem>> -> memref<1x4096xf32, #tpu.memory_space<vmem>>
      %dma_start3A_2842 = tpu.memref_squeeze %dma_start3A_2841 : memref<1x4096xf32, #tpu.memory_space<vmem>> -> memref<4096xf32, #tpu.memory_space<vmem>>
      %dma_start3A_2843 = tpu.memref_slice %arg4[%add3A_2839] : memref<25165824xf32, #tpu.memory_space<hbm>> -> memref<4096xf32, #tpu.memory_space<hbm>>
      %dma_start3A_2844 = tpu.memref_slice %arg10[%select_n3A_2733] : memref<4x!tpu.dma_semaphore, #tpu.memory_space<semaphore_mem>> -> memref<1x!tpu.dma_semaphore, #tpu.memory_space<semaphore_mem>>
      %dma_start3A_2845 = tpu.memref_squeeze %dma_start3A_2844 : memref<1x!tpu.dma_semaphore, #tpu.memory_space<semaphore_mem>> -> memref<!tpu.dma_semaphore, #tpu.memory_space<semaphore_mem>>
      %dma_start3A_2846 = tpu.memref_slice %arg4[%add3A_2839] : memref<25165824xf32, #tpu.memory_space<hbm>> -> memref<4096xf32, #tpu.memory_space<hbm>>
      %dma_start3A_2847 = arith.constant 4096 : i32
      %dma_start3A_2848 = tpu.memref_slice %arg8[%select_n3A_2733, %dma_start3A_2847] : memref<4x16384xf32, #tpu.memory_space<vmem>> -> memref<1x4096xf32, #tpu.memory_space<vmem>>
      %dma_start3A_2849 = tpu.memref_squeeze %dma_start3A_2848 : memref<1x4096xf32, #tpu.memory_space<vmem>> -> memref<4096xf32, #tpu.memory_space<vmem>>
      tpu.enqueue_dma source(%dma_start3A_2849 : memref<4096xf32, #tpu.memory_space<vmem>>) target(%dma_start3A_2846 : memref<4096xf32, #tpu.memory_space<hbm>>) target_semaphore(%dma_start3A_2845 : memref<!tpu.dma_semaphore, #tpu.memory_space<semaphore_mem>>)
      %add3A_2850 = arith.constant 16 : i32
      %add3A_2851 = arith.addi %add3A_2809, %add3A_2850 : i32
      %mul3A_2852 = arith.constant 131072 : i32
      %mul3A_2853 = arith.muli %add3A_2851, %mul3A_2852 : i32
      %mul3A_2854 = arith.constant 8192 : i32
      %mul3A_2855 = arith.muli %select_n3A, %mul3A_2854 : i32
      %add3A_2856 = arith.addi %mul3A_2853, %mul3A_2855 : i32
      %mul3A_2857 = arith.constant 4096 : i32
      %mul3A_2858 = arith.muli %select_n3A_2701, %mul3A_2857 : i32
      %add3A_2859 = arith.addi %add3A_2856, %mul3A_2858 : i32
      %dma_start3A_2860 = arith.constant 8192 : i32
      %dma_start3A_2861 = tpu.memref_slice %arg8[%select_n3A_2733, %dma_start3A_2860] : memref<4x16384xf32, #tpu.memory_space<vmem>> -> memref<1x4096xf32, #tpu.memory_space<vmem>>
      %dma_start3A_2862 = tpu.memref_squeeze %dma_start3A_2861 : memref<1x4096xf32, #tpu.memory_space<vmem>> -> memref<4096xf32, #tpu.memory_space<vmem>>
      %dma_start3A_2863 = tpu.memref_slice %arg4[%add3A_2859] : memref<25165824xf32, #tpu.memory_space<hbm>> -> memref<4096xf32, #tpu.memory_space<hbm>>
      %dma_start3A_2864 = tpu.memref_slice %arg10[%select_n3A_2733] : memref<4x!tpu.dma_semaphore, #tpu.memory_space<semaphore_mem>> -> memref<1x!tpu.dma_semaphore, #tpu.memory_space<semaphore_mem>>
      %dma_start3A_2865 = tpu.memref_squeeze %dma_start3A_2864 : memref<1x!tpu.dma_semaphore, #tpu.memory_space<semaphore_mem>> -> memref<!tpu.dma_semaphore, #tpu.memory_space<semaphore_mem>>
      %dma_start3A_2866 = tpu.memref_slice %arg4[%add3A_2859] : memref<25165824xf32, #tpu.memory_space<hbm>> -> memref<4096xf32, #tpu.memory_space<hbm>>
      %dma_start3A_2867 = arith.constant 8192 : i32
      %dma_start3A_2868 = tpu.memref_slice %arg8[%select_n3A_2733, %dma_start3A_2867] : memref<4x16384xf32, #tpu.memory_space<vmem>> -> memref<1x4096xf32, #tpu.memory_space<vmem>>
      %dma_start3A_2869 = tpu.memref_squeeze %dma_start3A_2868 : memref<1x4096xf32, #tpu.memory_space<vmem>> -> memref<4096xf32, #tpu.memory_space<vmem>>
      tpu.enqueue_dma source(%dma_start3A_2869 : memref<4096xf32, #tpu.memory_space<vmem>>) target(%dma_start3A_2866 : memref<4096xf32, #tpu.memory_space<hbm>>) target_semaphore(%dma_start3A_2865 : memref<!tpu.dma_semaphore, #tpu.memory_space<semaphore_mem>>)
      %add3A_2870 = arith.constant 24 : i32
      %add3A_2871 = arith.addi %add3A_2809, %add3A_2870 : i32
      %mul3A_2872 = arith.constant 131072 : i32
      %mul3A_2873 = arith.muli %add3A_2871, %mul3A_2872 : i32
      %mul3A_2874 = arith.constant 8192 : i32
      %mul3A_2875 = arith.muli %select_n3A, %mul3A_2874 : i32
      %add3A_2876 = arith.addi %mul3A_2873, %mul3A_2875 : i32
      %mul3A_2877 = arith.constant 4096 : i32
      %mul3A_2878 = arith.muli %select_n3A_2701, %mul3A_2877 : i32
      %add3A_2879 = arith.addi %add3A_2876, %mul3A_2878 : i32
      %dma_start3A_2880 = arith.constant 12288 : i32
      %dma_start3A_2881 = tpu.memref_slice %arg8[%select_n3A_2733, %dma_start3A_2880] : memref<4x16384xf32, #tpu.memory_space<vmem>> -> memref<1x4096xf32, #tpu.memory_space<vmem>>
      %dma_start3A_2882 = tpu.memref_squeeze %dma_start3A_2881 : memref<1x4096xf32, #tpu.memory_space<vmem>> -> memref<4096xf32, #tpu.memory_space<vmem>>
      %dma_start3A_2883 = tpu.memref_slice %arg4[%add3A_2879] : memref<25165824xf32, #tpu.memory_space<hbm>> -> memref<4096xf32, #tpu.memory_space<hbm>>
      %dma_start3A_2884 = tpu.memref_slice %arg10[%select_n3A_2733] : memref<4x!tpu.dma_semaphore, #tpu.memory_space<semaphore_mem>> -> memref<1x!tpu.dma_semaphore, #tpu.memory_space<semaphore_mem>>
      %dma_start3A_2885 = tpu.memref_squeeze %dma_start3A_2884 : memref<1x!tpu.dma_semaphore, #tpu.memory_space<semaphore_mem>> -> memref<!tpu.dma_semaphore, #tpu.memory_space<semaphore_mem>>
      %dma_start3A_2886 = tpu.memref_slice %arg4[%add3A_2879] : memref<25165824xf32, #tpu.memory_space<hbm>> -> memref<4096xf32, #tpu.memory_space<hbm>>
      %dma_start3A_2887 = arith.constant 12288 : i32
      %dma_start3A_2888 = tpu.memref_slice %arg8[%select_n3A_2733, %dma_start3A_2887] : memref<4x16384xf32, #tpu.memory_space<vmem>> -> memref<1x4096xf32, #tpu.memory_space<vmem>>
      %dma_start3A_2889 = tpu.memref_squeeze %dma_start3A_2888 : memref<1x4096xf32, #tpu.memory_space<vmem>> -> memref<4096xf32, #tpu.memory_space<vmem>>
      tpu.enqueue_dma source(%dma_start3A_2889 : memref<4096xf32, #tpu.memory_space<vmem>>) target(%dma_start3A_2886 : memref<4096xf32, #tpu.memory_space<hbm>>) target_semaphore(%dma_start3A_2885 : memref<!tpu.dma_semaphore, #tpu.memory_space<semaphore_mem>>)
      %scan3A_2890 = arith.constant 0 : i32
      scf.yield %scan3A_2890 : i32
    }
    %scan3A_2540 = arith.constant 48 : i32
    %dma_wait3A = arith.constant 0 : i32
    %dma_wait3A_2541 = arith.constant 0 : i32
    %dma_wait3A_2542 = arith.constant 0 : i32
    %dma_wait3A_2543 = tpu.memref_slice %arg8[%dma_wait3A, %dma_wait3A_2542] : memref<4x16384xf32, #tpu.memory_space<vmem>> -> memref<1x16384xf32, #tpu.memory_space<vmem>>
    %dma_wait3A_2544 = tpu.memref_squeeze %dma_wait3A_2543 : memref<1x16384xf32, #tpu.memory_space<vmem>> -> memref<16384xf32, #tpu.memory_space<vmem>>
    %dma_wait3A_2545 = arith.constant 0 : i32
    %dma_wait3A_2546 = tpu.memref_slice %arg4[%dma_wait3A_2545] : memref<25165824xf32, #tpu.memory_space<hbm>> -> memref<16384xf32, #tpu.memory_space<hbm>>
    %dma_wait3A_2547 = tpu.memref_slice %arg10[%dma_wait3A_2541] : memref<4x!tpu.dma_semaphore, #tpu.memory_space<semaphore_mem>> -> memref<1x!tpu.dma_semaphore, #tpu.memory_space<semaphore_mem>>
    %dma_wait3A_2548 = tpu.memref_squeeze %dma_wait3A_2547 : memref<1x!tpu.dma_semaphore, #tpu.memory_space<semaphore_mem>> -> memref<!tpu.dma_semaphore, #tpu.memory_space<semaphore_mem>>
    %dma_wait3A_2549 = arith.constant 0 : i32
    %dma_wait3A_2550 = tpu.memref_slice %arg8[%dma_wait3A, %dma_wait3A_2549] : memref<4x16384xf32, #tpu.memory_space<vmem>> -> memref<1x16384xf32, #tpu.memory_space<vmem>>
    %dma_wait3A_2551 = tpu.memref_squeeze %dma_wait3A_2550 : memref<1x16384xf32, #tpu.memory_space<vmem>> -> memref<16384xf32, #tpu.memory_space<vmem>>
    %dma_wait3A_2552 = arith.constant 0 : i32
    %dma_wait3A_2553 = tpu.memref_slice %arg4[%dma_wait3A_2552] : memref<25165824xf32, #tpu.memory_space<hbm>> -> memref<16384xf32, #tpu.memory_space<hbm>>
    tpu.wait_dma2 semaphore(%dma_wait3A_2548 : memref<!tpu.dma_semaphore, #tpu.memory_space<semaphore_mem>>) src(%dma_wait3A_2553 : memref<16384xf32, #tpu.memory_space<hbm>>) dst(%dma_wait3A_2551 : memref<16384xf32, #tpu.memory_space<vmem>>)
    %dma_wait3A_2554 = arith.constant 1 : i32
    %dma_wait3A_2555 = arith.constant 1 : i32
    %dma_wait3A_2556 = arith.constant 0 : i32
    %dma_wait3A_2557 = tpu.memref_slice %arg8[%dma_wait3A_2554, %dma_wait3A_2556] : memref<4x16384xf32, #tpu.memory_space<vmem>> -> memref<1x16384xf32, #tpu.memory_space<vmem>>
    %dma_wait3A_2558 = tpu.memref_squeeze %dma_wait3A_2557 : memref<1x16384xf32, #tpu.memory_space<vmem>> -> memref<16384xf32, #tpu.memory_space<vmem>>
    %dma_wait3A_2559 = arith.constant 0 : i32
    %dma_wait3A_2560 = tpu.memref_slice %arg4[%dma_wait3A_2559] : memref<25165824xf32, #tpu.memory_space<hbm>> -> memref<16384xf32, #tpu.memory_space<hbm>>
    %dma_wait3A_2561 = tpu.memref_slice %arg10[%dma_wait3A_2555] : memref<4x!tpu.dma_semaphore, #tpu.memory_space<semaphore_mem>> -> memref<1x!tpu.dma_semaphore, #tpu.memory_space<semaphore_mem>>
    %dma_wait3A_2562 = tpu.memref_squeeze %dma_wait3A_2561 : memref<1x!tpu.dma_semaphore, #tpu.memory_space<semaphore_mem>> -> memref<!tpu.dma_semaphore, #tpu.memory_space<semaphore_mem>>
    %dma_wait3A_2563 = arith.constant 0 : i32
    %dma_wait3A_2564 = tpu.memref_slice %arg8[%dma_wait3A_2554, %dma_wait3A_2563] : memref<4x16384xf32, #tpu.memory_space<vmem>> -> memref<1x16384xf32, #tpu.memory_space<vmem>>
    %dma_wait3A_2565 = tpu.memref_squeeze %dma_wait3A_2564 : memref<1x16384xf32, #tpu.memory_space<vmem>> -> memref<16384xf32, #tpu.memory_space<vmem>>
    %dma_wait3A_2566 = arith.constant 0 : i32
    %dma_wait3A_2567 = tpu.memref_slice %arg4[%dma_wait3A_2566] : memref<25165824xf32, #tpu.memory_space<hbm>> -> memref<16384xf32, #tpu.memory_space<hbm>>
    tpu.wait_dma2 semaphore(%dma_wait3A_2562 : memref<!tpu.dma_semaphore, #tpu.memory_space<semaphore_mem>>) src(%dma_wait3A_2567 : memref<16384xf32, #tpu.memory_space<hbm>>) dst(%dma_wait3A_2565 : memref<16384xf32, #tpu.memory_space<vmem>>)
    %dma_wait3A_2568 = arith.constant 2 : i32
    %dma_wait3A_2569 = arith.constant 2 : i32
    %dma_wait3A_2570 = arith.constant 0 : i32
    %dma_wait3A_2571 = tpu.memref_slice %arg8[%dma_wait3A_2568, %dma_wait3A_2570] : memref<4x16384xf32, #tpu.memory_space<vmem>> -> memref<1x16384xf32, #tpu.memory_space<vmem>>
    %dma_wait3A_2572 = tpu.memref_squeeze %dma_wait3A_2571 : memref<1x16384xf32, #tpu.memory_space<vmem>> -> memref<16384xf32, #tpu.memory_space<vmem>>
    %dma_wait3A_2573 = arith.constant 0 : i32
    %dma_wait3A_2574 = tpu.memref_slice %arg4[%dma_wait3A_2573] : memref<25165824xf32, #tpu.memory_space<hbm>> -> memref<16384xf32, #tpu.memory_space<hbm>>
    %dma_wait3A_2575 = tpu.memref_slice %arg10[%dma_wait3A_2569] : memref<4x!tpu.dma_semaphore, #tpu.memory_space<semaphore_mem>> -> memref<1x!tpu.dma_semaphore, #tpu.memory_space<semaphore_mem>>
    %dma_wait3A_2576 = tpu.memref_squeeze %dma_wait3A_2575 : memref<1x!tpu.dma_semaphore, #tpu.memory_space<semaphore_mem>> -> memref<!tpu.dma_semaphore, #tpu.memory_space<semaphore_mem>>
    %dma_wait3A_2577 = arith.constant 0 : i32
    %dma_wait3A_2578 = tpu.memref_slice %arg8[%dma_wait3A_2568, %dma_wait3A_2577] : memref<4x16384xf32, #tpu.memory_space<vmem>> -> memref<1x16384xf32, #tpu.memory_space<vmem>>
    %dma_wait3A_2579 = tpu.memref_squeeze %dma_wait3A_2578 : memref<1x16384xf32, #tpu.memory_space<vmem>> -> memref<16384xf32, #tpu.memory_space<vmem>>
    %dma_wait3A_2580 = arith.constant 0 : i32
    %dma_wait3A_2581 = tpu.memref_slice %arg4[%dma_wait3A_2580] : memref<25165824xf32, #tpu.memory_space<hbm>> -> memref<16384xf32, #tpu.memory_space<hbm>>
    tpu.wait_dma2 semaphore(%dma_wait3A_2576 : memref<!tpu.dma_semaphore, #tpu.memory_space<semaphore_mem>>) src(%dma_wait3A_2581 : memref<16384xf32, #tpu.memory_space<hbm>>) dst(%dma_wait3A_2579 : memref<16384xf32, #tpu.memory_space<vmem>>)
    %dma_wait3A_2582 = arith.constant 3 : i32
    %dma_wait3A_2583 = arith.constant 3 : i32
    %dma_wait3A_2584 = arith.constant 0 : i32
    %dma_wait3A_2585 = tpu.memref_slice %arg8[%dma_wait3A_2582, %dma_wait3A_2584] : memref<4x16384xf32, #tpu.memory_space<vmem>> -> memref<1x16384xf32, #tpu.memory_space<vmem>>
    %dma_wait3A_2586 = tpu.memref_squeeze %dma_wait3A_2585 : memref<1x16384xf32, #tpu.memory_space<vmem>> -> memref<16384xf32, #tpu.memory_space<vmem>>
    %dma_wait3A_2587 = arith.constant 0 : i32
    %dma_wait3A_2588 = tpu.memref_slice %arg4[%dma_wait3A_2587] : memref<25165824xf32, #tpu.memory_space<hbm>> -> memref<16384xf32, #tpu.memory_space<hbm>>
    %dma_wait3A_2589 = tpu.memref_slice %arg10[%dma_wait3A_2583] : memref<4x!tpu.dma_semaphore, #tpu.memory_space<semaphore_mem>> -> memref<1x!tpu.dma_semaphore, #tpu.memory_space<semaphore_mem>>
    %dma_wait3A_2590 = tpu.memref_squeeze %dma_wait3A_2589 : memref<1x!tpu.dma_semaphore, #tpu.memory_space<semaphore_mem>> -> memref<!tpu.dma_semaphore, #tpu.memory_space<semaphore_mem>>
    %dma_wait3A_2591 = arith.constant 0 : i32
    %dma_wait3A_2592 = tpu.memref_slice %arg8[%dma_wait3A_2582, %dma_wait3A_2591] : memref<4x16384xf32, #tpu.memory_space<vmem>> -> memref<1x16384xf32, #tpu.memory_space<vmem>>
    %dma_wait3A_2593 = tpu.memref_squeeze %dma_wait3A_2592 : memref<1x16384xf32, #tpu.memory_space<vmem>> -> memref<16384xf32, #tpu.memory_space<vmem>>
    %dma_wait3A_2594 = arith.constant 0 : i32
    %dma_wait3A_2595 = tpu.memref_slice %arg4[%dma_wait3A_2594] : memref<25165824xf32, #tpu.memory_space<hbm>> -> memref<16384xf32, #tpu.memory_space<hbm>>
    tpu.wait_dma2 semaphore(%dma_wait3A_2590 : memref<!tpu.dma_semaphore, #tpu.memory_space<semaphore_mem>>) src(%dma_wait3A_2595 : memref<16384xf32, #tpu.memory_space<hbm>>) dst(%dma_wait3A_2593 : memref<16384xf32, #tpu.memory_space<vmem>>)
    return
  }
}

</mosaic_0001>

<sc_bundles>
// kernel: kernel.3.cloned.1.call-start
scs
__scs_entry_jumppad:
0x0: {  	(pc) =	sbr.rel $0x88, $3  }
0x1: {  	(tag) =	ssettag $0x0;
	lr =	simm.s32 $0x1  }
0x2: {  	[smem:$0x3F9F] =	sst lr;
	_ =	strace $0xD0000000  }
0x3: {  	_ = 	snop  }
0x4: {  	_ = 	snop  }
0x5: {  	_ = 	snop  }
0x6: {  	_ = 	snop  }
0x7: {  	_ = 	snop  }
__scs_overlays_trampoline_lowered:
0x8: {  	[smem:$0x3FAE] =	sst s0  }
0x9: {  	[smem:$0x3FAF] =	sst s1  }
0xa: {  	[smem:$0x3FB0] =	sst s2  }
0xb: {  	[smem:$0x3FB1] =	sst s3  }
0xc: {  	[smem:$0x3FB2] =	sst s4  }
0xd: {  	[smem:$0x3FB3] =	sst s5  }
0xe: {  	[smem:$0x3FB4] =	sst s6  }
0xf: {  	[smem:$0x3FB5] =	sst s7  }
0x10: {  	[smem:$0x3FB6] =	sst s8  }
0x11: {  	[smem:$0x3FB7] =	sst s9;
	s0 =	simm.s32 @!p0 $0x0  }
0x12: {  	s1 =	sld [smem:$0x3F9D];
	s0 =	simm.s32 @p0 $0x1  }
0x13: {  	[smem:$0x3FB8] =	sst s0;
	s0 =	simm.s32 @!p1 $0x0  }
0x14: {  	s2 =	sld [smem:$0x3F9C];
	s0 =	simm.s32 @p1 $0x1  }
0x15: {  	[smem:$0x3FB9] =	sst s0;
	s0 =	simm.s32 @!p2 $0x0  }
0x16: {  	s3 =	sld [smem:$0x3FDB];
	s0 =	simm.s32 @p2 $0x1  }
0x17: {  	s4 =	simm.s32 $0x1BF5;
	[smem:$0x3FBB] =	sst s0  }
0x18: {  	s0 =	sld [smem:$0x3F9E];
	_ =	swait.ge [sflag:s4], $0x0  }
0x19: {  	s7 =	sld [smem:$0x3F9F]  }
0x1a: {  	s8 =	sadd.s32 $0xFFFFE003, lr  }
0x1b: {  	s9 =	sadd.s32 $0xFFFFFEF7, lr;
	s5 =	simm.s32 $0xFFFFFFFF;
	p2 =	slt.u32 s8, $0xFFFFF086  }
0x1c: {  	p1 =	slt.u32 s9, $0xF7A;
	s5 =	simm.s32 @!p2 $0x0  }
0x1d: {  	s5 =	simm.s32 @p1 $0x1;
	p0 =	seq.s32 s7, s2  }
0x1e: {  	s7 =	smul.u32 @!p0 $0xF7A, s2;
	p2 =	seq.s32 @!p0 s5, $0x0  }
0x1f: {  	s9 =	smul.u32 $0xF7A, s1;
	s8 =	simm.s32 @!p0 $0x1BF5;
	p2 =	por !p2, p0  }
0x20: {  	[sflag:s8] =	ssyncset.s32 @!p0 $0xFFFFF086;
	s6 =	sadd.s32 @!p0 s3, s7;
	s7 =	simm.s32 @!p0 $0x108  }
0x21: {  	s3 =	sadd.s32 s3, s9;
	s6 =	sadd.s32 @!p0 $0x88, s6;
	s7 =	simm.s32 @p2 $0x1082  }
0x22: {  	[simem:s7], [sflag:s8] =	dma.local @!p0 [hbm:s6], $0xF7A  }
0x23: {  	s9 =	sor.u32 $0xD0000000, s2;
	s6 =	simm.s32 $0x108;
	_ =	swait.ge @!p0 [sflag:s8], $0x0  }
0x24: {  	s3 =	sadd.s32 $0x88, s3;
	s6 =	simm.s32 @!p1 $0x1082;
	[sflag:s4] =	ssyncset.s32 $0xFFFFF086  }
0x25: {  	[simem:s6], [sflag:s4] =	dma.local [hbm:s3], $0xF7A  }
0x26: {  	[smem:$0x3F9F] =	sst s1;
	(tag) =	ssettag s2;
	_ =	strace s9  }
0x27: {  	s1 =	sld [smem:$0x3FAF]  }
0x28: {  	s2 =	sld [smem:$0x3FB0]  }
0x29: {  	s4 =	sld [smem:$0x3FB2]  }
0x2a: {  	p0 =	seq.s32 s5, $0x0;
	s5 =	sld [smem:$0x3FB3]  }
0x2b: {  	s6 =	sld [smem:$0x3FB4]  }
0x2c: {  	s7 =	sld [smem:$0x3FB5]  }
0x2d: {  	s3 =	simm.s32 $0x108;
	s8 =	sld [smem:$0x3FB6]  }
0x2e: {  	s3 =	simm.s32 @!p0 $0x1082;
	s9 =	sld [smem:$0x3FB7]  }
0x2f: {  	lr =	sadd.s32 s0, s3;
	s0 =	sld [smem:$0x3FAE]  }
0x30: {  	s3 =	sld [smem:$0x3FB1]  }
0x31: {  	[smem:$0x3FBA] =	sst s10  }
0x32: {  	s10 =	sld [smem:$0x3FB8];
	_ =	sdelay $0x3  }
0x33: {  	p0 =	seq.s32 s10, $0x1;
	s10 =	sld [smem:$0x3FBA];
	_ =	sdelay $0x3  }
0x34: {  	[smem:$0x3FBA] =	sst s10  }
0x35: {  	s10 =	sld [smem:$0x3FB9];
	_ =	sdelay $0x3  }
0x36: {  	p1 =	seq.s32 s10, $0x1;
	s10 =	sld [smem:$0x3FBA];
	_ =	sdelay $0x3  }
0x37: {  	[smem:$0x3FBA] =	sst s10  }
0x38: {  	s10 =	sld [smem:$0x3FBB]  }
0x39: {  	_ = 	snop;
	(pc) =	sbr.ind lr, $3  }
0x3a: {  	_ = 	snop  }
0x3b: {  	_ = 	snop  }
0x3c: {  	p2 =	seq.s32 s10, $0x1;
	s10 =	sld [smem:$0x3FBA]  }
0x3d: {  	_ =	shalt  }
0x3e: {  	_ =	shalt  }
0x3f: {  	_ =	shalt  }
0x40: {  	_ =	shalt  }
0x41: {  	_ =	shalt  }
0x42: {  	_ =	shalt  }
0x43: {  	_ =	shalt  }
0x44: {  	_ =	shalt  }
0x45: {  	_ =	shalt  }
0x46: {  	_ =	shalt  }
0x47: {  	_ =	shalt  }
0x48: {  	_ =	shalt  }
0x49: {  	_ =	shalt  }
0x4a: {  	_ =	shalt  }
0x4b: {  	_ =	shalt  }
0x4c: {  	_ =	shalt  }
0x4d: {  	_ =	shalt  }
0x4e: {  	_ =	shalt  }
0x4f: {  	_ =	shalt  }
0x50: {  	_ =	shalt  }
0x51: {  	_ =	shalt  }
0x52: {  	_ =	shalt  }
0x53: {  	_ =	shalt  }
0x54: {  	_ =	shalt  }
0x55: {  	_ =	shalt  }
0x56: {  	_ =	shalt  }
0x57: {  	_ =	shalt  }
0x58: {  	_ =	shalt  }
0x59: {  	_ =	shalt  }
0x5a: {  	_ =	shalt  }
0x5b: {  	_ =	shalt  }
0x5c: {  	_ =	shalt  }
0x5d: {  	_ =	shalt  }
0x5e: {  	_ =	shalt  }
0x5f: {  	_ =	shalt  }
0x60: {  	_ =	shalt  }
0x61: {  	_ =	shalt  }
0x62: {  	_ =	shalt  }
0x63: {  	_ =	shalt  }
0x64: {  	_ =	shalt  }
0x65: {  	_ =	shalt  }
0x66: {  	_ =	shalt  }
0x67: {  	_ =	shalt  }
0x68: {  	_ =	shalt  }
0x69: {  	_ =	shalt  }
0x6a: {  	_ =	shalt  }
0x6b: {  	_ =	shalt  }
0x6c: {  	_ =	shalt  }
0x6d: {  	_ =	shalt  }
0x6e: {  	_ =	shalt  }
0x6f: {  	_ =	shalt  }
0x70: {  	_ =	shalt  }
0x71: {  	_ =	shalt  }
0x72: {  	_ =	shalt  }
0x73: {  	_ =	shalt  }
0x74: {  	_ =	shalt  }
0x75: {  	_ =	shalt  }
0x76: {  	_ =	shalt  }
0x77: {  	_ =	shalt  }
0x78: {  	_ =	shalt  }
0x79: {  	_ =	shalt  }
0x7a: {  	_ =	shalt  }
0x7b: {  	_ =	shalt  }
0x7c: {  	_ =	shalt  }
0x7d: {  	_ =	shalt  }
0x7e: {  	_ =	shalt  }
0x7f: {  	_ =	shalt  }
0x80: {  	_ =	shalt  }
0x81: {  	_ =	shalt  }
0x82: {  	_ =	shalt  }
0x83: {  	_ =	shalt  }
0x84: {  	_ =	shalt  }
0x85: {  	_ =	shalt  }
0x86: {  	_ =	shalt  }
0x87: {  	_ =	shalt  }
.Lfunc_end0:
.L_simem_size_0:
called_computation_lowered:
.L_overlay_start_0:
0x88: {  	s2 =	sld [smem:$0x3FD9]  }
0x89: {  	s3 =	sld [smem:$0x3FFE];
	_ =	sdelay $0x1  }
0x8a: {  	s1 =	srdreg.scid  }
0x8b: {  	s0 =	sand.u32 $0x1, s1  }
0x8c: {  	s17 =	sshll.u32 s0, $0xA;
	s2 =	sadd.s32 s3, s2  }
0x8d: {  	s2 =	sadd.s32 s2, s17  }
0x8e: {  	[smem:$0x3FC6] =	sst s2  }
0x8f: {  	_ = 	snop  }
0x90: {  	s2 =	sld [smem:$0x3FC9]  }
0x91: {  	s18 =	sld [smem:$0x3FD0];
	(tm) =	ssettm $0x1  }
0x92: {  	s4 =	sld [smem:$0x3FFB];
	_ =	sdelay $0x3  }
0x93: {  	_ =	strace s4  }
0x94: {  	s4 =	sld [smem:$0x3FFC];
	_ =	sdelay $0x3  }
0x95: {  	_ =	strace s4  }
0x96: {  	s4 =	sld [smem:$0x3FFD];
	_ =	sdelay $0x3  }
0x97: {  	_ =	strace s4  }
0x98: {  	_ =	strace $0x8FFFFFFF  }
0x99: {  	s19 =	sld [smem:$0x3FDB];
	_ =	sdelay $0x1  }
0x9a: {  	s5 =	simm.s32 $_scs_section_size  }
0x9b: {  	s6 =	simm.s32 $_size__tile_overlayer_lowered;
	s7 =	simm.s32 $_tile_overlayer_lowered  }
0x9c: {  	s22 =	simm.s32 $0x1BFF;
	s21 =	sshll.u32 s7, $0x1;
	s4 =	sadd.s32 s5, s19  }
0x9d: {  	s8 =	simm.s32 $0x0;
	s20 =	sshll.u32 s6, $0x1;
	s6 =	sadd.s32 s21, s4  }
0x9e: {  	[timem:s8], [sflag:s22] =	dma.local [hbm:s6], s20  }
0x9f: {  	_ =	swait.ge [sflag:s22], s20  }
0xa0: {  	s5 =	ssub.s32 $0x0, s20;
	[sflag:s22] =	ssyncset.done $0x0  }
0xa1: {  	[sflag:s22] =	ssyncadd.s32 s5;
	_ =	sdelay $0x1  }
0xa2: {  	s23 =	simm.s32 $0x1B8B  }
0xa3: {  	_ =	swait.ge [sflag:s23], $0x1  }
0xa4: {  	[sflag:s23] =	ssyncset.done $0x0  }
0xa5: {  	s25 =	simm.s32 $0x1B8E;
	s24 =	sld [smem:$0x3FFE];
	[sflag:s23] =	ssyncadd.s32 $0xFFFFFFFF  }
0xa6: {  	s26 =	simm.s32 $execute0_lowered;
	[smem:$0x3FD2] =	sst s25  }
0xa7: {  	s6 =	sshll.u32 s26, $0x1;
	_ =	strace $0x80000046;
	[dreg:$0x1] =	wrdreg $0xFFFFFFFF  }
0xa8: {  	s28 =	simm.s32 $_size_execute0_lowered;
	s4 =	sadd.s32 s4, s6;
	[dreg:$0x0] =	wrdreg $0x0  }
0xa9: {  	s6 =	sshll.u32 s28, $0x1;
	[dreg:$0x2] =	wrdreg s4  }
0xaa: {  	[dreg:$0x3] =	wrdreg s6  }
0xab: {  	[dreg:$0x4] =	wrdreg $0xC0  }
0xac: {  	_ =	task [dreg:s8], $0x5FFFF  }
0xad: {  	[dreg:$0x1] =	wrdreg $0xFFFFFFFF  }
0xae: {  	[dreg:$0x0] =	wrdreg $0x60  }
0xaf: {  	[dreg:$0x2] =	wrdreg s2  }
0xb0: {  	[dreg:$0x3] =	wrdreg s24  }
0xb1: {  	[dreg:$0x4] =	wrdreg s18  }
0xb2: {  	[dreg:$0x5] =	wrdreg $0x9  }
0xb3: {  	_ =	task.clear_ibuf [dreg:s8], $0x6FFFF;
	_ =	strace $0x90000046  }
0xb4: {  	s29 =	simm.s32 $0x9;
	_ =	strace $0x80000048  }
0xb5: {  	_ =	swait.ge [sflag:s29], $0x1  }
0xb6: {  	[sflag:s29] =	ssyncadd.s32 $0xFFFFFFFF  }
0xb7: {  	_ =	strace $0x90000048  }
0xb8: {  	_ =	sfence  }
0xb9: {  	s30 =	sld [smem:$0x0];
	_ =	sdelay $0x2  }
0xba: {  	s31 =	sshll.u32 s1, $0xD;
	s1 =	sshrl.u32 s1, $0x2  }
0xbb: {  	s3 =	sand.u32 $0x4000, s31;
	s1 =	sadd.s32 s1, s30  }
0xbc: {  	s0 =	sor.u32 s3, s0;
	s1 =	sshll.u32 s1, $0x11  }
0xbd: {  	s0 =	sor.u32 s1, s0  }
0xbe: {  	s0 =	sadd.s32 $0x8F2B, s0  }
0xbf: {  	[sflag:s0] =	ssyncadd.remote.s32 $0x1  }
0xc0: {  	_ =	sfence.sel $0xFFFF  }
0xc1: {  	[dreg:$0x0] =	wrdreg $0xFFFFFFFF;
	(pc) =	sbr.abs _section_cstart, $3  }
0xc2: {  	[dreg:$0x1] =	wrdreg $0xFFFFFFFF  }
0xc3: {  	_ =	task.clear_ibuf [dreg:s8], $0x2FFFF;
	_ =	strace $0x9FFFFFFF  }
0xc4: {  	(tm) =	ssettm $0x7FFFFFFF  }
0xc5: {  	_ =	shalt  }
tec
execute0_lowered:
.L_overlay_start_1:
0x0: {  	(tag) =	ssettag $0x1  }
0x1: {  	v0 =	vimm.s32 $0x76543210;
	v1 =	vimm.s32 $0xEDCBA987  }
0x2: {  	vm0 =	vcmask $0x1F00;
	v2 =	vimm.s32 $0x11100F0F;
	v3 =	vimm.s32 $0x15141312  }
0x3: {  	v4 =	vimm.s32 $0x18171717;
	vm2 =	vcmask $0x1F10;
	v5 =	vimm.s32 $0x1C1B1A19  }
0x4: {  	vm5 =	vcmask $0x2320;
	vm4 =	vcmask $0x2F20;
	v6 =	vimm.s32 $0x4A49484B  }
0x5: {  	v7 =	vimm.s32 $0x27262524;
	v8 =	vimm.s32 $0x4E4D4C00;
	vm3 =	vcmask $0x3324  }
0x6: {  	v9 =	vimm.s32 $0x57575756;
	vm6 =	vcmask $0x3F34;
	vm1 =	vcmask $0x2B10  }
0x7: {  	v11 =	vimm.s32 $0x95949392;
	vm14 =	vcmask $0x3B20;
	vm15 =	vcmask $0x1300  }
0x8: {  	vm9 =	vcmask $0xB00;
	vm10 =	vcmask $0x1B0C;
	v13 =	vimm.s32 $0x2E2D2C2F  }
0x9: {  	vm11 =	vcmask $0x2314;
	v14 =	vimm.s32 $0xA7;
	v15 =	vimm.s32 $0xA7A6A5A4  }
0xa: {  	v16 =	vimm.s32 $0xAAA9A8AB;
	vm12 =	vcmask $0x1700;
	vm13 =	vcmask $0x2718  }
0xb: {  	v25 =	vimm.s32 $0x3F;
	v17 =	vimm.s32 $0x9C9F9E9D;
	v26 =	vimm.s32 $0xBF  }
0xc: {  	v18 =	vimm.s32 $0xB8BBBAB9;
	vm8 =	vcmask $0x3728;
	v20 =	vimm.s32 $0x8E8D8C8B  }
0xd: {  	v21 =	vimm.s32 $0xC3C2C1C0;
	v22 =	vimm.s32 $0xC7C6C5C4;
	vm7 =	vcmask $0x3B38  }
0xe: {  	v0 =	vunpack.c.l.s4.s8 v0;
	v1 =	vunpack.c.l.s4.s8 v1;
	v2 =	vunpack.c.0.s8.s32 v2  }
0xf: {  	v3 =	vunpack.c.0.s8.s32 v3;
	v4 =	vunpack.c.0.s8.s32 v4;
	v6 =	vunpack.c.0.s8.s32 v6  }
0x10: {  	v8 =	vunpack.c.0.s8.s32 v8;
	v9 =	vunpack.c.0.s8.s32 v9;
	v1 =	vunpack.c.0.s8.s32 v1  }
0x11: {  	v7 =	vunpack.c.0.s8.s32 v7;
	v11 =	vunpack.c.0.s8.s32 v11;
	v0 =	vunpack.c.0.s8.s32 v0  }
0x12: {  	v15 =	vunpack.c.0.s8.s32 v15;
	v16 =	vunpack.c.0.s8.s32 v16;
	v1 =	vand.u32 $0xF, v1  }
0x13: {  	v0 =	vnsel vm0, $0x7, v0;
	v1 =	vnsel vm0, $0xF, v1;
	vm0 =	vcmask $0xF00  }
0x14: {  	v17 =	vunpack.c.0.s8.s32 v17;
	v18 =	vunpack.c.0.s8.s32 v18;
	v2 =	vnsel vm0, $0x17, v2  }
0x15: {  	v2 =	vsel vm2, v3, v2;
	v3 =	vunpack.c.0.s8.s32 v5;
	v5 =	vimm.s32 $0x1F1F1E1D  }
0x16: {  	v20 =	vunpack.c.0.s8.s32 v20;
	v4 =	vnsel vm0, $0x1F, v4;
	v5 =	vunpack.c.0.s8.s32 v5  }
0x17: {  	v21 =	vunpack.c.0.s8.s32 v21;
	v22 =	vunpack.c.0.s8.s32 v22;
	v3 =	vsel vm2, v3, v4  }
0x18: {  	v6 =	vnsel vm3, $0x47, v6;
	v3 =	vsel vm4, v5, v3;
	v5 =	vimm.s32 $0x23222120  }
0x19: {  	v33 =	vsel vm2, v22, v21;
	v4 =	vimm.s32 $0x27;
	v5 =	vunpack.c.0.s8.s32 v5  }
0x1a: {  	v21 =	vimm.s32 $0xCAC9C8CB;
	v22 =	vimm.s32 $0x3C3F3E3D;
	v4 =	vsel vm0, $0x1F, v4  }
0x1b: {  	v21 =	vunpack.c.0.s8.s32 v21;
	v38 =	vcombine.low v26, v33;
	v10 =	vsel vm2, v5, v4  }
0x1c: {  	v4 =	vsel vm6, v8, v6;
	v5 =	vnsel vm0, $0x5C, v9;
	v6 =	vimm.s32 $0x67666564  }
0x1d: {  	v12 =	vsel vm1, $0x57, v5;
	v5 =	vunpack.c.0.s8.s32 v6;
	v6 =	vimm.s32 $0x6A696800  }
0x1e: {  	v8 =	vimm.s32 $0x75747372;
	vm1 =	vcmask $0x3310;
	v6 =	vunpack.c.0.s8.s32 v6  }
0x1f: {  	v9 =	vimm.s32 $0x77777776;
	v8 =	vunpack.c.0.s8.s32 v8;
	v5 =	vsel vm1, $0x67, v5  }
0x20: {  	v5 =	vsel vm6, v6, v5;
	v6 =	vunpack.c.0.s8.s32 v9;
	v9 =	vimm.s32 $0x91908F8F  }
0x21: {  	[tilespmem:$0x1FFF0] =	vst v0;
	v0 =	vimm.s32 $0x107;
	v8 =	vnsel vm0, $0x78, v8;
	v9 =	vunpack.c.0.s8.s32 v9  }
0x22: {  	v14 =	vsel vm0, $0x9F, v14;
	v2 =	vsel vm5, $0x16, v2;
	v8 =	vsel vm2, v6, v8  }
0x23: {  	v6 =	vsel vm4, v7, v10;
	v7 =	vsel vm14, $0x77, v8;
	v8 =	vnsel vm0, $0x97, v9  }
0x24: {  	vm6 =	vcmask $0x3734;
	v10 =	vimm.s32 $0x9F;
	v8 =	vsel vm2, v11, v8  }
0x25: {  	v9 =	vimm.s32 $0x2F;
	v28 =	vsel vm5, $0x96, v8;
	v8 =	vimm.s32 $0x989B9A99  }
0x26: {  	v10 =	vsel vm9, $0x97, v10;
	v11 =	vimm.s32 $0x2A29282B;
	v8 =	vunpack.c.0.s8.s32 v8  }
0x27: {  	vm14 =	vcmask $0x1B00;
	vm9 =	vcmask $0x2300;
	v11 =	vunpack.c.0.s8.s32 v11  }
0x28: {  	v10 =	vsel vm10, v8, v10;
	v8 =	vunpack.c.0.s8.s32 v13;
	v13 =	vimm.s32 $0xA3A2A1A0  }
0x29: {  	v9 =	vsel vm15, $0x27, v9;
	v19 =	vsel vm14, $0xB7, v26;
	v13 =	vunpack.c.0.s8.s32 v13  }
0x2a: {  	v28 =	vand.u32 $0xFF, v28;
	v9 =	vsel vm11, v11, v9;
	vm10 =	vcmask $0x2700  }
0x2b: {  	v8 =	vsel vm3, v8, v9;
	v9 =	vimm.s32 $0x37;
	v13 =	vsel vm2, v13, v14  }
0x2c: {  	v14 =	vimm.s32 $0xAF;
	v9 =	vsel vm12, $0x2F, v9;
	v30 =	vsel vm4, v15, v13  }
0x2d: {  	v13 =	vsel vm15, $0xA7, v14;
	v14 =	vimm.s32 $0xB1B0B3B2;
	v15 =	vimm.s32 $0xB7  }
0x2e: {  	vm15 =	vcmask $0x2B1C;
	v11 =	vsel vm11, v16, v13;
	v13 =	vimm.s32 $0x31303332  }
0x2f: {  	v14 =	vunpack.c.0.s8.s32 v14;
	v15 =	vsel vm12, $0xAF, v15;
	v16 =	vsel vm14, $0x37, v25  }
0x30: {  	v29 =	vsel vm15, v17, v10;
	v10 =	vimm.s32 $0x43424140;
	v17 =	vimm.s32 $0x47464544  }
0x31: {  	vm11 =	vcmask $0x300;
	vm12 =	vcmask $0x2B04;
	vm14 =	vcmask $0x2F10  }
0x32: {  	v30 =	vand.u32 $0xFF, v30;
	v13 =	vunpack.c.0.s8.s32 v13;
	v10 =	vunpack.c.0.s8.s32 v10  }
0x33: {  	v17 =	vunpack.c.0.s8.s32 v17;
	v24 =	vsel vm11, $0x100, v0;
	v29 =	vand.u32 $0xFF, v29  }
0x34: {  	v14 =	vsel vm13, v14, v15;
	v15 =	vimm.s32 $0x383B3A39;
	v9 =	vsel vm13, v13, v9  }
0x35: {  	v13 =	vimm.s32 $0x35343736;
	v15 =	vunpack.c.0.s8.s32 v15;
	v27 =	vsel vm2, v17, v10  }
0x36: {  	vm13 =	vcmask $0x3B2C;
	v13 =	vunpack.c.0.s8.s32 v13;
	v25 =	vcombine.low v25, v27  }
0x37: {  	v15 =	vsel vm15, v15, v16;
	v16 =	vsel vm15, v18, v19;
	v19 =	vimm.s32 $0x83828180  }
0x38: {  	v18 =	vimm.s32 $0x7C7B7A79;
	vm15 =	vcmask $0x3F30;
	v19 =	vunpack.c.0.s8.s32 v19  }
0x39: {  	v18 =	vunpack.c.0.s8.s32 v18;
	v9 =	vsel vm8, v13, v9;
	v13 =	vimm.s32 $0x7F7F7E7D  }
0x3a: {  	v13 =	vunpack.c.0.s8.s32 v13;
	v17 =	vnsel vm0, $0x87, v19;
	v19 =	vimm.s32 $0x8A898887  }
0x3b: {  	v10 =	vnsel vm0, $0x7F, v18;
	v18 =	vimm.s32 $0x87868584;
	v19 =	vunpack.c.0.s8.s32 v19  }
0x3c: {  	v18 =	vunpack.c.0.s8.s32 v18;
	v10 =	vsel vm2, v13, v10;
	v13 =	vimm.s32 $0xCE  }
0x3d: {  	v13 =	vsel vm9, $0xC7, v13;
	vm9 =	vcmask $0x1310;
	v19 =	vnsel vm0, $0x8F, v19  }
0x3e: {  	v32 =	vsel vm2, v18, v17;
	v17 =	vimm.s32 $0x55;
	v18 =	vimm.s32 $0x51505352  }
0x3f: {  	v31 =	vsel vm2, v20, v19;
	v19 =	vimm.s32 $0xAEADACAF;
	v20 =	vimm.s32 $0xB5B4B7B6  }
0x40: {  	v18 =	vunpack.c.0.s8.s32 v18;
	v19 =	vunpack.c.0.s8.s32 v19;
	v20 =	vunpack.c.0.s8.s32 v20  }
0x41: {  	v17 =	vsel vm10, $0x4F, v17;
	v26 =	vand.u32 $0xFF, v32;
	v27 =	vand.u32 $0xFF, v31  }
0x42: {  	v17 =	vsel vm8, v18, v17;
	v34 =	vsel vm3, v19, v11;
	v35 =	vsel vm8, v20, v14  }
0x43: {  	v11 =	vand.u32 $0xFF, v21;
	v14 =	vimm.s32 $0xD1D0D3D2;
	v20 =	vimm.s32 $0xD8DBDAD9  }
0x44: {  	v21 =	vimm.s32 $0xBCBFBEBD;
	v18 =	vsel vm3, v11, v13;
	v11 =	vimm.s32 $0xD5  }
0x45: {  	v13 =	vunpack.c.0.s8.s32 v14;
	v14 =	vimm.s32 $0xDC;
	v20 =	vunpack.c.0.s8.s32 v20  }
0x46: {  	v21 =	vunpack.c.0.s8.s32 v21;
	v31 =	vand.u32 $0xFF, v34;
	v32 =	vand.u32 $0xFF, v35  }
0x47: {  	v34 =	vand.u32 $0xFF, v38;
	v11 =	vsel vm10, $0xCF, v11;
	v14 =	vsel vm11, $0xD6, v14  }
0x48: {  	v18 =	vsel vm6, $0xCC, v18;
	vm10 =	vcmask $0x704;
	v13 =	vand.u32 $0xFF, v13  }
0x49: {  	vm11 =	vcmask $0xB08;
	v36 =	vsel vm13, v21, v16;
	v19 =	vsel vm8, v13, v11  }
0x4a: {  	v11 =	vunpack.c.0.s8.s32 v22;
	v13 =	vsel vm12, $0xD7, v14;
	v14 =	vimm.s32 $0x585B5A59  }
0x4b: {  	v16 =	vimm.s32 $0x63626160;
	v21 =	vimm.s32 $0xE3E2E1E0;
	v14 =	vunpack.c.0.s8.s32 v14  }
0x4c: {  	v24 =	vsel vm10, $0x101, v24;
	v11 =	vsel vm13, v11, v15;
	v15 =	vimm.s32 $0x5F5F5E5D  }
0x4d: {  	v12 =	vsel vm13, v14, v12;
	v14 =	vunpack.c.0.s8.s32 v15;
	v15 =	vand.u32 $0xFF, v20  }
0x4e: {  	v20 =	vimm.s32 $0xE7E6E5E4;
	v13 =	vsel vm13, v15, v13;
	v15 =	vimm.s32 $0xDFDFDEDD  }
0x4f: {  	v16 =	vunpack.c.0.s8.s32 v16;
	v20 =	vunpack.c.0.s8.s32 v20;
	v15 =	vunpack.c.0.s8.s32 v15  }
0x50: {  	v22 =	vimm.s32 $0x6E6D6C6B;
	v21 =	vunpack.c.0.s8.s32 v21;
	v24 =	vsel vm11, $0x102, v24  }
0x51: {  	vm12 =	vcmask $0xF0C;
	v20 =	vand.u32 $0xFF, v20;
	v15 =	vsel vm14, $0xDF, v15  }
0x52: {  	s0 =	srdreg.scid;
	s1 =	rddreg [dreg:$0x0];
	v37 =	vsel vm15, v21, v15;
	v15 =	vnsel vm0, $0xEA, v20;
	v20 =	vimm.s32 $0xEEEDECEB  }
0x53: {  	s6 =	stileid.u32;
	s28 =	rddreg [dreg:$0x1];
	vm8 =	vcmask $0x3710;
	v24 =	vsel vm12, $0x103, v24;
	v20 =	vunpack.c.0.s8.s32 v20  }
0x54: {  	s3 =	rddreg [dreg:$0x2];
	s5 =	simm.s32 $0x1;
	s4 =	simm.s32 $0x0;
	v33 =	vand.u32 $0xFF, v36;
	v24 =	vsel vm9, $0x104, v24;
	v15 =	vsel vm1, $0xE7, v15  }
0x55: {  	s15 =	simm.s32 $0x180;
	s16 =	simm.s32 $0x2;
	s0 =	sand.u32 $0x1, s0;
	v14 =	vsel vm14, $0x5F, v14;
	v21 =	vsel vm6, $0xE8, v15;
	v15 =	vand.u32 $0xFF, v20  }
0x56: {  	s17 =	simm.s32 $0x3;
	s18 =	simm.s32 $0x4;
	s2 =	sor.u32 s0, s6;
	v14 =	vsel vm15, v16, v14;
	v20 =	vimm.s32 $0xF5F4F3F2;
	v15 =	vnsel vm0, $0xF1, v15  }
0x57: {  	s19 =	simm.s32 $0x5;
	p1 =	seq.s32 s0, $0x1;
	p0 =	seq.s32 s2, $0x0;
	v16 =	vunpack.c.0.s8.s32 v22;
	v23 =	vunpack.c.0.s8.s32 v20;
	v22 =	vsel vm8, $0xEF, v15  }
0x58: {  	s20 =	simm.s32 $0x0;
	[smem:$0x7FF] =	sst s4;
	p0 =	por !p0, !p1;
	v15 =	vsel vm7, $0x54, v17;
	v17 =	vsel vm7, $0xCD, v18;
	v18 =	vsel vm7, $0xD4, v19  }
0x59: {  	s29 =	smul.u32 $0x180000, s0;
	s7 =	ssub.s32 $0x2, s0;
	p0 =	por !p0, !p0;
	v19 =	vsel vm7, $0xE9, v21;
	v21 =	vand.u32 $0xFF, v23;
	v23 =	vimm.s32 $0xFCFBFAF9  }
0x5a: {  	s9 =	sshll.u32 s0, $0x2;
	s2 =	sadd.s32 $0x400, s28;
	s5 =	simm.s32 @!p0 $0x0;
	vm13 =	vcmask $0x3B14;
	vm14 =	vcmask $0x1714;
	v23 =	vunpack.c.0.s8.s32 v23  }
0x5b: {  	s30 =	sshrl.u32 s7, $0x1;
	s5 =	ssub.s32 s6, s5;
	_ =	strace $0x80000047;
	v16 =	vnsel vm0, $0x71, v16;
	v24 =	vsel vm14, $0x105, v24;
	vm15 =	vcmask $0x1B18  }
0x5c: {  	[dreg:$0x4] =	wrdreg s2;
	s2 =	ssub.s32 s7, s30;
	s5 =	sshll.u32 s5, $0xD;
	v16 =	vsel vm8, $0x6F, v16;
	v24 =	vsel vm15, $0x106, v24;
	v23 =	vand.u32 $0xFF, v23  }
0x5d: {  	s7 =	simm.s32 $0x1;
	s31 =	smax.u32 s2, $0x1;
	s6 =	sadd.s32 s29, s5;
	v20 =	vsel vm7, $0xF0, v22;
	v22 =	vnsel vm0, $0xF8, v21;
	v23 =	vnsel vm0, $0xFF, v23  }
0x5e: {  	s10 =	sadd.s32 $0x100000, s5;
	s11 =	sadd.s32 $0x200000, s5;
	s6 =	sshrl.u32 s6, $0x3;
	v35 =	vand.u32 $0xFF, v37;
	v22 =	vsel vm9, $0xF6, v22;
	v23 =	vsel vm9, $0xFD, v23  }
0x5f: {  	s12 =	sadd.s32 $0x300000, s5;
	[dreg:$0x5] =	wrdreg s31;
	s8 =	sadd.s32 s1, s6;
	v16 =	vsel vm7, $0x70, v16;
	v22 =	vsel vm13, $0xF7, v22;
	v23 =	vsel vm14, $0xFE, v23  }
.LBB2_1:
0x60: {  	s0 =	rddreg [dreg:$0x4];
	s31 =	simm.s32 $0x6  }
0x61: {  	[tilespmem:s4], [sflag:$0x6] =	stream.linear.gather [hbm4b:s0+s4], $0x180, $0x38;
	[tilespmem:$0x14400] =	vst v63  }
0x62: {  	_ =	swait.ge [sflag:s31], $0x180  }
0x63: {  	v0 =	vld [tilespmem:$0x1FFF0];
	_ =	sdelay $0x5  }
0x64: {  	[sflag:s31] =	ssyncset.done $0x0  }
0x65: {  	[sflag:s31] =	ssyncadd.s32 $0xFFFFFE80  }
0x66: {  	v36 =	vld.idx.msk [tilespmem:v0+s4+$0x0], $0xffff;
	_ =	sdelay $0x4  }
0x67: {  	[tilespmem:$0x180] =	vst v36  }
0x68: {  	v36 =	vld.idx.msk [tilespmem:v1+s4+$0x0], $0xffff;
	_ =	sdelay $0x4  }
0x69: {  	[tilespmem:$0x190] =	vst v36  }
0x6a: {  	v36 =	vld.idx.msk [tilespmem:v2+s4+$0x0], $0xffff;
	_ =	sdelay $0x4  }
0x6b: {  	[tilespmem:$0x1A0] =	vst v36  }
0x6c: {  	v36 =	vld.idx.msk [tilespmem:v3+s4+$0x0], $0xffff;
	_ =	sdelay $0x4  }
0x6d: {  	[tilespmem:$0x1B0] =	vst v36  }
0x6e: {  	v36 =	vld.idx.msk [tilespmem:v6+s4+$0x0], $0xffff;
	_ =	sdelay $0x4  }
0x6f: {  	[tilespmem:$0x1C0] =	vst v36  }
0x70: {  	v36 =	vld.idx.msk [tilespmem:v8+s4+$0x0], $0xffff;
	_ =	sdelay $0x4  }
0x71: {  	[tilespmem:$0x1D0] =	vst v36  }
0x72: {  	v36 =	vld.idx.msk [tilespmem:v9+s4+$0x0], $0xffff;
	_ =	sdelay $0x4  }
0x73: {  	[tilespmem:$0x1E0] =	vst v36  }
0x74: {  	v36 =	vld.idx.msk [tilespmem:v11+s4+$0x0], $0xffff;
	_ =	sdelay $0x4  }
0x75: {  	[tilespmem:$0x1F0] =	vst v36  }
0x76: {  	v36 =	vld.idx.msk [tilespmem:v25+s4+$0x0], $0xffff;
	_ =	sdelay $0x4  }
0x77: {  	[tilespmem:$0x200] =	vst v36  }
0x78: {  	v36 =	vld.idx.msk [tilespmem:v4+s4+$0x0], $0xffff;
	_ =	sdelay $0x4  }
0x79: {  	[tilespmem:$0x210] =	vst v36  }
0x7a: {  	v36 =	vld.idx.msk [tilespmem:v15+s4+$0x0], $0xffff;
	_ =	sdelay $0x4  }
0x7b: {  	[tilespmem:$0x220] =	vst v36  }
0x7c: {  	v36 =	vld.idx.msk [tilespmem:v12+s4+$0x0], $0xffff;
	_ =	sdelay $0x4  }
0x7d: {  	[tilespmem:$0x230] =	vst v36  }
0x7e: {  	v36 =	vld.idx.msk [tilespmem:v14+s4+$0x0], $0xffff;
	_ =	sdelay $0x4  }
0x7f: {  	[tilespmem:$0x240] =	vst v36  }
0x80: {  	v36 =	vld.idx.msk [tilespmem:v5+s4+$0x0], $0xffff;
	_ =	sdelay $0x4  }
0x81: {  	[tilespmem:$0x250] =	vst v36  }
0x82: {  	v36 =	vld.idx.msk [tilespmem:v16+s4+$0x0], $0xffff;
	_ =	sdelay $0x4  }
0x83: {  	[tilespmem:$0x260] =	vst v36  }
0x84: {  	v36 =	vld.idx.msk [tilespmem:v7+s4+$0x0], $0xffff;
	_ =	sdelay $0x4  }
0x85: {  	[tilespmem:$0x270] =	vst v36  }
0x86: {  	v36 =	vld.idx.msk [tilespmem:v10+s4+$0x0], $0xffff;
	_ =	sdelay $0x4  }
0x87: {  	[tilespmem:$0x280] =	vst v36  }
0x88: {  	v36 =	vld.idx.msk [tilespmem:v26+s4+$0x0], $0xffff;
	_ =	sdelay $0x4  }
0x89: {  	[tilespmem:$0x290] =	vst v36  }
0x8a: {  	v36 =	vld.idx.msk [tilespmem:v27+s4+$0x0], $0xffff;
	_ =	sdelay $0x4  }
0x8b: {  	[tilespmem:$0x2A0] =	vst v36  }
0x8c: {  	v36 =	vld.idx.msk [tilespmem:v28+s4+$0x0], $0xffff;
	_ =	sdelay $0x4  }
0x8d: {  	[tilespmem:$0x2B0] =	vst v36  }
0x8e: {  	v36 =	vld.idx.msk [tilespmem:v29+s4+$0x0], $0xffff;
	_ =	sdelay $0x4  }
0x8f: {  	[tilespmem:$0x2C0] =	vst v36  }
0x90: {  	v36 =	vld.idx.msk [tilespmem:v30+s4+$0x0], $0xffff;
	_ =	sdelay $0x4  }
0x91: {  	[tilespmem:$0x2D0] =	vst v36  }
0x92: {  	v36 =	vld.idx.msk [tilespmem:v31+s4+$0x0], $0xffff;
	_ =	sdelay $0x4  }
0x93: {  	[tilespmem:$0x2E0] =	vst v36  }
0x94: {  	v36 =	vld.idx.msk [tilespmem:v32+s4+$0x0], $0xffff;
	_ =	sdelay $0x4  }
0x95: {  	[tilespmem:$0x2F0] =	vst v36  }
0x96: {  	v36 =	vld.idx.msk [tilespmem:v33+s4+$0x0], $0xffff;
	_ =	sdelay $0x4  }
0x97: {  	[tilespmem:$0x300] =	vst v36  }
0x98: {  	v36 =	vld.idx.msk [tilespmem:v34+s4+$0x0], $0xffff;
	_ =	sdelay $0x4  }
0x99: {  	[tilespmem:$0x310] =	vst v36  }
0x9a: {  	v36 =	vld.idx.msk [tilespmem:v17+s4+$0x0], $0xffff;
	_ =	sdelay $0x4  }
0x9b: {  	[tilespmem:$0x320] =	vst v36  }
0x9c: {  	v36 =	vld.idx.msk [tilespmem:v18+s4+$0x0], $0xffff;
	_ =	sdelay $0x4  }
0x9d: {  	[tilespmem:$0x330] =	vst v36  }
0x9e: {  	v36 =	vld.idx.msk [tilespmem:v13+s4+$0x0], $0xffff;
	_ =	sdelay $0x4  }
0x9f: {  	[tilespmem:$0x340] =	vst v36  }
0xa0: {  	v36 =	vld.idx.msk [tilespmem:v35+s4+$0x0], $0xffff;
	_ =	sdelay $0x4  }
0xa1: {  	[tilespmem:$0x350] =	vst v36  }
0xa2: {  	v36 =	vld.idx.msk [tilespmem:v19+s4+$0x0], $0xffff;
	_ =	sdelay $0x4  }
0xa3: {  	[tilespmem:$0x360] =	vst v36  }
0xa4: {  	v36 =	vld.idx.msk [tilespmem:v20+s4+$0x0], $0xffff;
	_ =	sdelay $0x4  }
0xa5: {  	[tilespmem:$0x370] =	vst v36  }
0xa6: {  	v36 =	vld.idx.msk [tilespmem:v22+s4+$0x0], $0xffff;
	_ =	sdelay $0x4  }
0xa7: {  	[tilespmem:$0x380] =	vst v36  }
0xa8: {  	v36 =	vld.idx.msk [tilespmem:v23+s4+$0x0], $0xffff;
	_ =	sdelay $0x4  }
0xa9: {  	[tilespmem:$0x390] =	vst v36  }
0xaa: {  	v36 =	vld.idx.msk [tilespmem:v24+s4+$0x0], $0xffff  }
0xab: {  	v0 =	vimm.s32 $0x107;
	_ =	sdelay $0x3  }
0xac: {  	[tilespmem:$0x3A0] =	vst v36  }
0xad: {  	v36 =	vld.idx.msk [tilespmem:v0+s4+$0x0], $0xffff;
	_ =	sdelay $0x4  }
0xae: {  	s2 =	sadd.s32 $0x0, s8;
	s0 =	simm.s32 $0x400;
	[tilespmem:$0x3B0] =	vst v36  }
0xaf: {  	[tilespmem:s0], [sflag:$0x1] =	stream.linear.gather [hbm4b:s2+s4], $0x80, $0x38;
	[tilespmem:$0x14400] =	vst v63  }
0xb0: {  	s2 =	simm.s32 $0x10  }
.LBB2_2:
0xb1: {  	p0 =	sne.s32 s2, $0x1F0  }
.Ltmp0:
0xb2: {  	_ = 	snop;
	(pc) =	sbr.rel @p0 .LBB2_2-.Ltmp0, $4  }
0xb3: {  	_ = 	snop  }
0xb4: {  	s6 =	sadd.s32 s2, s8;
	s0 =	sadd.s32 $0x200, s0  }
0xb5: {  	s21 =	simm.s32 $0x0;
	s2 =	sadd.s32 $0x10, s2  }
0xb6: {  	[tilespmem:s0], [sflag:$0x1] =	stream.linear.gather [hbm4b:s6+s21], $0x80, $0x38;
	[tilespmem:$0x14400] =	vst v63  }
0xb7: {  	s22 =	simm.s32 $0x0  }
.LBB2_4:
0xb8: {  	s25 =	sand.u32 $0x1, s22  }
0xb9: {  	p0 =	seq.s32 s25, $0x1  }
.Ltmp1:
0xba: {  	_ = 	snop;
	(pc) =	sbr.rel @p0 .LBB2_9-.Ltmp1, $3  }
0xbb: {  	_ =	sdelay $0x1  }
0xbc: {  	s24 =	sshrl.u32 s22, $0x1  }
0xbd: {  	s23 =	sand.u32 $0x3, s22;
	s0 =	sshll.u32 s24, $0x7  }
0xbe: {  	p0 =	sgt.u32 s22, $0x2D  }
.Ltmp2:
0xbf: {  	_ = 	snop;
	(pc) =	sbr.rel @p0 .LBB2_10-.Ltmp2, $4  }
0xc0: {  	_ = 	snop  }
0xc1: {  	_ =	swait.ge [sflag:s7], $0x1000  }
0xc2: {  	[sflag:s7] =	ssyncset.done $0x0  }
0xc3: {  	[sflag:s7] =	ssyncadd.s32 $0xFFFFF000  }
0xc4: {  	s2 =	sadd.s32 $0x1, s24  }
0xc5: {  	s6 =	sshrl.u32 s2, $0x1  }
0xc6: {  	s6 =	sand.u32 $0x3, s6  }
0xc7: {  	s6 =	sor.u32 s9, s6  }
0xc8: {  	s6 =	smul.u32 $0x3, s6  }
0xc9: {  	s13 =	sshrl.u32 s2, $0x3  }
0xca: {  	s6 =	sadd.s32 s13, s6  }
0xcb: {  	s2 =	sshll.u32 s2, $0xC;
	s6 =	sshll.u32 s6, $0x11  }
0xcc: {  	s2 =	sand.u32 $0x1000, s2;
	s6 =	sadd.s32 s5, s6  }
0xcd: {  	s29 =	sadd.s32 $0x80, s0;
	s2 =	sor.u32 s2, s6  }
0xce: {  	s30 =	sand.u32 $0x180, s29;
	s31 =	sshrl.u32 s2, $0x3  }
0xcf: {  	s2 =	sor.u32 $0x400, s30;
	s6 =	sadd.s32 s1, s31  }
0xd0: {  	s13 =	simm.s32 $0x10;
	s14 =	sadd.s32 $0x200, s2;
	s26 =	sadd.s32 $0x0, s6  }
.LBB2_7:
0xd1: {  	[tilespmem:s2], [sflag:$0x1] =	stream.linear.gather [hbm4b:s26+s4], $0x80, $0x38;
	[tilespmem:$0x14400] =	vst v63  }
0xd2: {  	s26 =	smov.u32 s13;
	s2 =	smov.u32 s14;
	p0 =	sne.s32 s13, $0x1F0  }
.Ltmp3:
0xd3: {  	s13 =	sadd.s32 $0x10, s13;
	(pc) =	sbr.rel @p0 .LBB2_7-.Ltmp3, $2  }
0xd4: {  	_ =	sdelay $0x2  }
0xd5: {  	s14 =	sadd.s32 $0x200, s14;
	s26 =	sadd.s32 s26, s6  }
0xd6: {  	[tilespmem:s2], [sflag:$0x1] =	stream.linear.gather [hbm4b:s26+s4], $0x80, $0x38;
	[tilespmem:$0x14400] =	vst v63  }
.LBB2_9:
0xd7: {  	p0 =	slt.u32 s22, $0x4  }
.Ltmp4:
0xd8: {  	_ = 	snop;
	(pc) =	sbr.rel @p0 .LBB2_11-.Ltmp4, $1  }
0xd9: {  	_ =	sdelay $0x3  }
.LBB2_10:
0xda: {  	s2 =	sadd.s32 $0x2, s23  }
0xdb: {  	_ =	swait.ge [sflag:s2], $0x4000  }
0xdc: {  	[sflag:s2] =	ssyncset.done $0x0  }
0xdd: {  	[sflag:s2] =	ssyncadd.s32 $0xFFFFC000  }
.LBB2_11:
0xde: {  	s0 =	sand.u32 $0x180, s0  }
0xdf: {  	s0 =	sor.u32 $0x400, s0  }
0xe0: {  	v37 =	vmov s0;
	_ =	sdelay $0x3  }
0xe1: {  	s28 =	simm.s32 $0x0  }
0xe2: {  	v36 =	vld.idx.msk [tilespmem:v37+s28+$0x0 ss:$0x1], $0xffff  }
0xe3: {  	v40 =	vld.idx.msk [tilespmem:v37+s28+$0x10 ss:$0x1], $0xffff  }
0xe4: {  	s31 =	sshrl.u32 s22, $0x4;
	v42 =	vld.idx.msk [tilespmem:v37+s28+$0x20 ss:$0x1], $0xffff  }
0xe5: {  	s26 =	smul.u32 $0xBB, s31;
	v43 =	vld.idx.msk [tilespmem:v37+s28+$0x30 ss:$0x1], $0xffff  }
0xe6: {  	s2 =	sshll.u32 s25, $0x2;
	v44 =	vld.idx.msk [tilespmem:v37+s28+$0x40 ss:$0x1], $0xffff  }
0xe7: {  	s2 =	sadd.s32 s2, s26;
	v45 =	vld.idx.msk [tilespmem:v37+s28+$0x50 ss:$0x1], $0xffff;
	v38 =	vmul.u32 $0x11, v36  }
0xe8: {  	v39 =	vmov s2;
	v47 =	vld.idx.msk [tilespmem:v37+s28+$0x70 ss:$0x1], $0xffff;
	v41 =	vmul.u32 $0x11, v40  }
0xe9: {  	v59 =	vld.idx.msk [tilespmem:v37+s28+$0x60 ss:$0x1], $0xffff;
	v53 =	vmul.u32 $0x11, v42;
	v48 =	vadd.s32 v39, v38  }
0xea: {  	v50 =	vmul.u32 $0x11, v43;
	v49 =	vadd.s32 v39, v41  }
0xeb: {  	s6 =	sshll.u32 s21, $0x7;
	v40 =	vmul.u32 $0x11, v44;
	v51 =	vadd.s32 v39, v53  }
0xec: {  	s0 =	sand.u32 $0x180, s6;
	v42 =	vmul.u32 $0x11, v45;
	v60 =	vadd.s32 v39, v50  }
0xed: {  	s29 =	sor.u32 $0x4400, s0;
	v45 =	vmul.u32 $0x11, v47;
	v52 =	vadd.s32 v39, v40  }
0xee: {  	v46 =	vmul.u32 $0x11, v59;
	v36 =	vmov s29;
	v54 =	vadd.s32 v39, v42;
	v48 =	vld.idx.msk [tilespmem:v48+s15+$0x0], $0xffff  }
0xef: {  	s6 =	sadd.s32 $0x1, s2;
	v55 =	vadd.s32 v39, v45;
	v61 =	vld.idx.msk [tilespmem:v49+s15+$0x0], $0xffff  }
0xf0: {  	v43 =	vmov s6;
	v62 =	vadd.s32 v39, v46;
	v51 =	vld.idx.msk [tilespmem:v51+s15+$0x0], $0xffff  }
0xf1: {  	v56 =	vadd.s32 v43, v41;
	v44 =	vld.idx.msk [tilespmem:v60+s15+$0x0], $0xffff  }
0xf2: {  	v59 =	vadd.s32 v43, v50;
	v52 =	vld.idx.msk [tilespmem:v52+s15+$0x0], $0xffff  }
0xf3: {  	v54 =	vld.idx.msk [tilespmem:v54+s15+$0x0], $0xffff;
	[tilespmem:v36+s28+$0x0 ss:$0x1] =	vst.idx.msk $0xffff, v48  }
0xf4: {  	v58 =	vadd.s32 v43, v53;
	v49 =	vld.idx.msk [tilespmem:v55+s15+$0x0], $0xffff;
	[tilespmem:v36+s28+$0x10 ss:$0x1] =	vst.idx.msk $0xffff, v61  }
0xf5: {  	v47 =	vadd.s32 v43, v42;
	v48 =	vld.idx.msk [tilespmem:v62+s15+$0x0], $0xffff;
	[tilespmem:v36+s28+$0x20 ss:$0x1] =	vst.idx.msk $0xffff, v51  }
0xf6: {  	s13 =	sadd.s32 $0x2, s2;
	v51 =	vadd.s32 v43, v45;
	[tilespmem:v36+s28+$0x30 ss:$0x1] =	vst.idx.msk $0xffff, v44;
	v55 =	vld.idx.msk [tilespmem:v56+s15+$0x0], $0xffff  }
0xf7: {  	v44 =	vmov s13;
	v56 =	vadd.s32 v43, v46;
	v59 =	vld.idx.msk [tilespmem:v59+s15+$0x0], $0xffff  }
0xf8: {  	[tilespmem:v36+s28+$0x50 ss:$0x1] =	vst.idx.msk $0xffff, v54;
	v54 =	vadd.s32 v44, v50  }
0xf9: {  	v60 =	vadd.s32 v43, v40;
	[tilespmem:v36+s28+$0x40 ss:$0x1] =	vst.idx.msk $0xffff, v52;
	v58 =	vld.idx.msk [tilespmem:v58+s15+$0x0], $0xffff  }
0xfa: {  	v57 =	vadd.s32 v43, v38;
	[tilespmem:v36+s28+$0x70 ss:$0x1] =	vst.idx.msk $0xffff, v49;
	v61 =	vld.idx.msk [tilespmem:v47+s15+$0x0], $0xffff  }
0xfb: {  	v52 =	vadd.s32 v44, v53;
	[tilespmem:v36+s28+$0x60 ss:$0x1] =	vst.idx.msk $0xffff, v48;
	v49 =	vld.idx.msk [tilespmem:v51+s15+$0x0], $0xffff  }
0xfc: {  	v48 =	vadd.s32 v44, v42;
	v51 =	vld.idx.msk [tilespmem:v56+s15+$0x0], $0xffff;
	[tilespmem:v36+s28+$0x4030 ss:$0x1] =	vst.idx.msk $0xffff, v59  }
0xfd: {  	[tilespmem:v36+s28+$0x4010 ss:$0x1] =	vst.idx.msk $0xffff, v55;
	v55 =	vadd.s32 v44, v45;
	v54 =	vld.idx.msk [tilespmem:v54+s15+$0x0], $0xffff  }
0xfe: {  	v56 =	vld.idx.msk [tilespmem:v60+s15+$0x0], $0xffff;
	[tilespmem:v36+s28+$0x4020 ss:$0x1] =	vst.idx.msk $0xffff, v58;
	v58 =	vadd.s32 v44, v46  }
0xff: {  	s2 =	sadd.s32 $0x3, s2;
	v57 =	vld.idx.msk [tilespmem:v57+s15+$0x0], $0xffff;
	v60 =	vadd.s32 v44, v40;
	[tilespmem:v36+s28+$0x4050 ss:$0x1] =	vst.idx.msk $0xffff, v61  }
0x100: {  	v47 =	vmov s2;
	v62 =	vld.idx.msk [tilespmem:v52+s15+$0x0], $0xffff;
	v52 =	vadd.s32 v44, v41;
	[tilespmem:v36+s28+$0x4070 ss:$0x1] =	vst.idx.msk $0xffff, v49  }
0x101: {  	v63 =	vadd.s32 v47, v50;
	v48 =	vld.idx.msk [tilespmem:v48+s15+$0x0], $0xffff;
	[tilespmem:v36+s28+$0x4060 ss:$0x1] =	vst.idx.msk $0xffff, v51  }
0x102: {  	v50 =	vld.idx.msk [tilespmem:v55+s15+$0x0], $0xffff;
	[tilespmem:v36+s28+$0x8030 ss:$0x1] =	vst.idx.msk $0xffff, v54;
	v54 =	vadd.s32 v47, v53  }
0x103: {  	[tilespmem:v36+s28+$0x4040 ss:$0x1] =	vst.idx.msk $0xffff, v56;
	v49 =	vld.idx.msk [tilespmem:v58+s15+$0x0], $0xffff  }
0x104: {  	s14 =	sshrl.u32 s22, $0x2;
	v51 =	vld.idx.msk [tilespmem:v60+s15+$0x0], $0xffff  }
0x105: {  	s26 =	sor.u32 $0x10400, s0;
	s30 =	sor.u32 $0xC400, s0;
	s6 =	simm.s32 $0x0;
	[tilespmem:v36+s28+$0x4000 ss:$0x1] =	vst.idx.msk $0xffff, v57;
	v52 =	vld.idx.msk [tilespmem:v52+s15+$0x0], $0xffff  }
0x106: {  	s13 =	simm.s32 $0x800;
	s2 =	sor.u32 $0x8400, s0;
	s0 =	sand.u32 $0x3, s14;
	[tilespmem:v36+s28+$0x8020 ss:$0x1] =	vst.idx.msk $0xffff, v62;
	v53 =	vld.idx.msk [tilespmem:v63+s15+$0x0], $0xffff  }
.LBB2_12:
0x107: {  	s14 =	sshra.s32 s13, $0x2;
	s6 =	sadd.s32 $0x8, s6;
	v54 =	vld.idx.msk [tilespmem:v54+s15+$0x0], $0xffff  }
0x108: {  	v55 =	vld.idx.msk [tilespmem:v37+s14+$0x0 ss:$0x1], $0xffff;
	p0 =	slt.u32 s6, $0xF8;
	[tilespmem:v36+s28+$0x8070 ss:$0x1] =	vst.idx.msk $0xffff, v50  }
0x109: {  	v50 =	vld.idx.msk [tilespmem:v37+s14+$0x10 ss:$0x1], $0xffff;
	[tilespmem:v36+s28+$0x8060 ss:$0x1] =	vst.idx.msk $0xffff, v49  }
0x10a: {  	v49 =	vld.idx.msk [tilespmem:v37+s14+$0x20 ss:$0x1], $0xffff;
	[tilespmem:v36+s28+$0x8040 ss:$0x1] =	vst.idx.msk $0xffff, v51  }
0x10b: {  	v46 =	vadd.s32 v47, v46;
	v51 =	vld.idx.msk [tilespmem:v37+s14+$0x30 ss:$0x1], $0xffff;
	[tilespmem:v36+s28+$0x8010 ss:$0x1] =	vst.idx.msk $0xffff, v52  }
0x10c: {  	v56 =	vadd.s32 v47, v41;
	v52 =	vld.idx.msk [tilespmem:v37+s14+$0x40 ss:$0x1], $0xffff;
	[tilespmem:v36+s28+$0xC030 ss:$0x1] =	vst.idx.msk $0xffff, v53  }
0x10d: {  	v45 =	vadd.s32 v47, v45;
	v53 =	vld.idx.msk [tilespmem:v37+s14+$0x50 ss:$0x1], $0xffff;
	[tilespmem:v36+s28+$0xC020 ss:$0x1] =	vst.idx.msk $0xffff, v54  }
0x10e: {  	v57 =	vadd.s32 v44, v38;
	v54 =	vmul.u32 $0x11, v55;
	v55 =	vld.idx.msk [tilespmem:v37+s14+$0x60 ss:$0x1], $0xffff  }
0x10f: {  	v58 =	vadd.s32 v47, v42;
	v41 =	vmul.u32 $0x11, v50;
	v50 =	vld.idx.msk [tilespmem:v37+s14+$0x70 ss:$0x1], $0xffff  }
0x110: {  	v59 =	vadd.s32 v39, v54;
	v49 =	vmul.u32 $0x11, v49;
	v60 =	vld.idx.msk [tilespmem:v46+s15+$0x0], $0xffff  }
0x111: {  	v61 =	vadd.s32 v39, v41;
	v51 =	vmul.u32 $0x11, v51;
	v56 =	vld.idx.msk [tilespmem:v56+s15+$0x0], $0xffff  }
0x112: {  	v62 =	vadd.s32 v39, v49;
	v52 =	vmul.u32 $0x11, v52;
	v63 =	vld.idx.msk [tilespmem:v45+s15+$0x0], $0xffff  }
0x113: {  	v21 =	vadd.s32 v39, v51;
	v42 =	vmul.u32 $0x11, v53;
	v53 =	vld.idx.msk [tilespmem:v57+s15+$0x0], $0xffff;
	[tilespmem:v36+s28+$0x8050 ss:$0x1] =	vst.idx.msk $0xffff, v48  }
0x114: {  	v48 =	vadd.s32 v39, v52;
	v46 =	vmul.u32 $0x11, v55;
	v55 =	vld.idx.msk [tilespmem:v58+s15+$0x0], $0xffff  }
0x115: {  	v58 =	vadd.s32 v39, v42;
	v45 =	vmul.u32 $0x11, v50;
	v57 =	vld.idx.msk [tilespmem:v59+s15+$0x0], $0xffff  }
0x116: {  	v59 =	vadd.s32 v39, v46;
	v50 =	vld.idx.msk [tilespmem:v61+s15+$0x0], $0xffff;
	v61 =	vadd.s32 v43, v46;
	[tilespmem:v36+s28+$0xC060 ss:$0x1] =	vst.idx.msk $0xffff, v60  }
0x117: {  	v60 =	vld.idx.msk [tilespmem:v62+s15+$0x0], $0xffff;
	v62 =	vadd.s32 v39, v45;
	[tilespmem:v36+s28+$0xC010 ss:$0x1] =	vst.idx.msk $0xffff, v56  }
0x118: {  	v0 =	vadd.s32 v43, v41;
	v56 =	vadd.s32 v43, v54;
	v21 =	vld.idx.msk [tilespmem:v21+s15+$0x0], $0xffff;
	[tilespmem:v36+s28+$0xC070 ss:$0x1] =	vst.idx.msk $0xffff, v63  }
0x119: {  	v63 =	vadd.s32 v43, v49;
	v48 =	vld.idx.msk [tilespmem:v48+s15+$0x0], $0xffff;
	[tilespmem:v36+s28+$0x8000 ss:$0x1] =	vst.idx.msk $0xffff, v53  }
0x11a: {  	v53 =	vadd.s32 v43, v51;
	v58 =	vld.idx.msk [tilespmem:v58+s15+$0x0], $0xffff;
	[tilespmem:v36+s28+$0xC050 ss:$0x1] =	vst.idx.msk $0xffff, v55  }
0x11b: {  	v55 =	vadd.s32 v43, v52;
	[tilespmem:v36+s14+$0x0 ss:$0x1] =	vst.idx.msk $0xffff, v57;
	v57 =	vld.idx.msk [tilespmem:v59+s15+$0x0], $0xffff  }
0x11c: {  	[tilespmem:v36+s14+$0x10 ss:$0x1] =	vst.idx.msk $0xffff, v50;
	v50 =	vadd.s32 v43, v42;
	v59 =	vld.idx.msk [tilespmem:v62+s15+$0x0], $0xffff  }
0x11d: {  	v0 =	vld.idx.msk [tilespmem:v0+s15+$0x0], $0xffff;
	[tilespmem:v36+s14+$0x20 ss:$0x1] =	vst.idx.msk $0xffff, v60  }
0x11e: {  	v56 =	vld.idx.msk [tilespmem:v56+s15+$0x0], $0xffff;
	[tilespmem:v36+s14+$0x30 ss:$0x1] =	vst.idx.msk $0xffff, v21;
	v21 =	vadd.s32 v43, v45  }
0x11f: {  	v60 =	vld.idx.msk [tilespmem:v63+s15+$0x0], $0xffff;
	[tilespmem:v36+s14+$0x40 ss:$0x1] =	vst.idx.msk $0xffff, v48  }
0x120: {  	v48 =	vadd.s32 v44, v49;
	v53 =	vld.idx.msk [tilespmem:v53+s15+$0x0], $0xffff;
	[tilespmem:v36+s14+$0x50 ss:$0x1] =	vst.idx.msk $0xffff, v58;
	v58 =	vadd.s32 v47, v40  }
0x121: {  	v62 =	vadd.s32 v44, v51;
	v40 =	vmov v52;
	v55 =	vld.idx.msk [tilespmem:v55+s15+$0x0], $0xffff;
	[tilespmem:v36+s14+$0x60 ss:$0x1] =	vst.idx.msk $0xffff, v57  }
0x122: {  	v52 =	vadd.s32 v44, v40;
	v50 =	vld.idx.msk [tilespmem:v50+s15+$0x0], $0xffff;
	[tilespmem:v36+s14+$0x70 ss:$0x1] =	vst.idx.msk $0xffff, v59  }
0x123: {  	v57 =	vadd.s32 v47, v38;
	[tilespmem:v36+s14+$0x4010 ss:$0x1] =	vst.idx.msk $0xffff, v0;
	v0 =	vadd.s32 v44, v42;
	v21 =	vld.idx.msk [tilespmem:v21+s15+$0x0], $0xffff  }
0x124: {  	v38 =	vmov v54;
	[tilespmem:v36+s14+$0x4000 ss:$0x1] =	vst.idx.msk $0xffff, v56;
	v56 =	vld.idx.msk [tilespmem:v61+s15+$0x0], $0xffff  }
0x125: {  	v59 =	vadd.s32 v44, v45;
	[tilespmem:v36+s14+$0x4020 ss:$0x1] =	vst.idx.msk $0xffff, v60;
	v58 =	vld.idx.msk [tilespmem:v58+s15+$0x0], $0xffff  }
0x126: {  	v60 =	vld.idx.msk [tilespmem:v48+s15+$0x0], $0xffff;
	[tilespmem:v36+s14+$0x4030 ss:$0x1] =	vst.idx.msk $0xffff, v53;
	v53 =	vadd.s32 v44, v46  }
0x127: {  	v61 =	vld.idx.msk [tilespmem:v62+s15+$0x0], $0xffff;
	[tilespmem:v36+s14+$0x4040 ss:$0x1] =	vst.idx.msk $0xffff, v55  }
0x128: {  	v55 =	vadd.s32 v44, v41;
	[tilespmem:v36+s14+$0x4050 ss:$0x1] =	vst.idx.msk $0xffff, v50;
	v57 =	vld.idx.msk [tilespmem:v57+s15+$0x0], $0xffff  }
0x129: {  	v62 =	vadd.s32 v47, v51;
	v48 =	vld.idx.msk [tilespmem:v0+s15+$0x0], $0xffff;
	[tilespmem:v36+s14+$0x4070 ss:$0x1] =	vst.idx.msk $0xffff, v21  }
.Ltmp5:
0x12a: {  	v54 =	vadd.s32 v47, v49;
	[tilespmem:v36+s14+$0x4060 ss:$0x1] =	vst.idx.msk $0xffff, v56;
	v50 =	vld.idx.msk [tilespmem:v59+s15+$0x0], $0xffff;
	(pc) =	sbr.rel @p0 .LBB2_12-.Ltmp5, $4  }
0x12b: {  	v49 =	vld.idx.msk [tilespmem:v53+s15+$0x0], $0xffff;
	[tilespmem:v36+s28+$0xC040 ss:$0x1] =	vst.idx.msk $0xffff, v58  }
0x12c: {  	[tilespmem:v36+s14+$0x8020 ss:$0x1] =	vst.idx.msk $0xffff, v60;
	v51 =	vld.idx.msk [tilespmem:v52+s15+$0x0], $0xffff  }
0x12d: {  	v52 =	vld.idx.msk [tilespmem:v55+s15+$0x0], $0xffff;
	[tilespmem:v36+s14+$0x8030 ss:$0x1] =	vst.idx.msk $0xffff, v61  }
0x12e: {  	s13 =	sadd.s32 $0x800, s13;
	v53 =	vld.idx.msk [tilespmem:v62+s15+$0x0], $0xffff;
	[tilespmem:v36+s28+$0xC000 ss:$0x1] =	vst.idx.msk $0xffff, v57;
	s28 =	smov.u32 s14  }
0x12f: {  	_ = 	snop  }
0x130: {  	v0 =	vadd.s32 v44, v38  }
0x131: {  	v21 =	vadd.s32 v47, v46  }
0x132: {  	v37 =	vadd.s32 v47, v41  }
0x133: {  	[tilespmem:v36+s28+$0x8070 ss:$0x1] =	vst.idx.msk $0xffff, v50;
	v39 =	vadd.s32 v47, v45  }
0x134: {  	v61 =	vld.idx.msk [tilespmem:v54+s15+$0x0], $0xffff;
	v42 =	vadd.s32 v47, v42;
	[tilespmem:v36+s28+$0x8050 ss:$0x1] =	vst.idx.msk $0xffff, v48  }
0x135: {  	v40 =	vadd.s32 v47, v40;
	[tilespmem:v36+s28+$0x8060 ss:$0x1] =	vst.idx.msk $0xffff, v49;
	v0 =	vld.idx.msk [tilespmem:v0+s15+$0x0], $0xffff  }
0x136: {  	v62 =	vadd.s32 v47, v38;
	[tilespmem:v36+s28+$0x8010 ss:$0x1] =	vst.idx.msk $0xffff, v52;
	v21 =	vld.idx.msk [tilespmem:v21+s15+$0x0], $0xffff  }
0x137: {  	s6 =	sshll.u32 s31, $0x6;
	s13 =	sshll.u32 s25, $0x5;
	[tilespmem:v36+s28+$0x8040 ss:$0x1] =	vst.idx.msk $0xffff, v51;
	v37 =	vld.idx.msk [tilespmem:v37+s15+$0x0], $0xffff  }
0x138: {  	s6 =	sor.u32 s13, s6;
	[tilespmem:v36+s28+$0xC030 ss:$0x1] =	vst.idx.msk $0xffff, v53;
	v39 =	vld.idx.msk [tilespmem:v39+s15+$0x0], $0xffff  }
0x139: {  	s0 =	sor.u32 s0, s6;
	[tilespmem:v36+s28+$0xC020 ss:$0x1] =	vst.idx.msk $0xffff, v61;
	v63 =	vld.idx.msk [tilespmem:v42+s15+$0x0], $0xffff  }
0x13a: {  	s0 =	sor.u32 s9, s0;
	[tilespmem:v36+s28+$0x8000 ss:$0x1] =	vst.idx.msk $0xffff, v0;
	v0 =	vld.idx.msk [tilespmem:v40+s15+$0x0], $0xffff  }
0x13b: {  	s31 =	sshll.u32 s24, $0xC;
	s6 =	sshll.u32 s0, $0x11;
	[tilespmem:v36+s28+$0xC060 ss:$0x1] =	vst.idx.msk $0xffff, v21;
	v21 =	vld.idx.msk [tilespmem:v62+s15+$0x0], $0xffff  }
0x13c: {  	s13 =	sand.u32 $0x1000, s31;
	s0 =	sadd.s32 s5, s6;
	[tilespmem:v36+s28+$0xC010 ss:$0x1] =	vst.idx.msk $0xffff, v37  }
0x13d: {  	s0 =	sor.u32 s13, s0;
	[tilespmem:v36+s28+$0xC070 ss:$0x1] =	vst.idx.msk $0xffff, v39  }
0x13e: {  	s14 =	sshrl.u32 s0, $0x3;
	[tilespmem:v36+s28+$0xC050 ss:$0x1] =	vst.idx.msk $0xffff, v63  }
0x13f: {  	s24 =	sadd.s32 $0x200, s29;
	s14 =	sadd.s32 s3, s14;
	[tilespmem:v36+s28+$0xC040 ss:$0x1] =	vst.idx.msk $0xffff, v0  }
0x140: {  	s0 =	sadd.s32 $0x2, s23;
	s23 =	simm.s32 $0x10;
	s25 =	sadd.s32 $0x0, s14;
	[tilespmem:v36+s28+$0xC000 ss:$0x1] =	vst.idx.msk $0xffff, v21  }
.LBB2_14:
0x141: {  	[hbm4b:s25+s4] =	stream.linear.scatter [tilespmem:s29], [sflag:s0], $0x80, $0x38;
	[tilespmem:$0x14400] =	vst v63  }
0x142: {  	s25 =	smov.u32 s23;
	s29 =	smov.u32 s24;
	p0 =	sne.s32 s23, $0x1F0  }
.Ltmp6:
0x143: {  	s23 =	sadd.s32 $0x10, s23;
	(pc) =	sbr.rel @p0 .LBB2_14-.Ltmp6, $2  }
0x144: {  	_ =	sdelay $0x2  }
0x145: {  	s24 =	sadd.s32 $0x200, s24;
	s25 =	sadd.s32 s25, s14  }
0x146: {  	[hbm4b:s25+s4] =	stream.linear.scatter [tilespmem:s29], [sflag:s0], $0x80, $0x38;
	[tilespmem:$0x14400] =	vst v63  }
0x147: {  	s14 =	sor.u32 s13, s10  }
0x148: {  	s14 =	sadd.s32 s6, s14  }
0x149: {  	s14 =	sshrl.u32 s14, $0x3  }
0x14a: {  	s14 =	sadd.s32 s3, s14  }
0x14b: {  	s23 =	simm.s32 $0x10;
	s24 =	sadd.s32 $0x200, s2;
	s25 =	sadd.s32 $0x0, s14  }
.LBB2_16:
0x14c: {  	[hbm4b:s25+s4] =	stream.linear.scatter [tilespmem:s2], [sflag:s0], $0x80, $0x38;
	[tilespmem:$0x14400] =	vst v63  }
0x14d: {  	s25 =	smov.u32 s23;
	s2 =	smov.u32 s24;
	p0 =	sne.s32 s23, $0x1F0  }
.Ltmp7:
0x14e: {  	s23 =	sadd.s32 $0x10, s23;
	(pc) =	sbr.rel @p0 .LBB2_16-.Ltmp7, $2  }
0x14f: {  	_ =	sdelay $0x2  }
0x150: {  	s24 =	sadd.s32 $0x200, s24;
	s25 =	sadd.s32 s25, s14  }
0x151: {  	[hbm4b:s25+s4] =	stream.linear.scatter [tilespmem:s2], [sflag:s0], $0x80, $0x38;
	[tilespmem:$0x14400] =	vst v63  }
0x152: {  	s31 =	sor.u32 s13, s11  }
0x153: {  	s2 =	sadd.s32 s6, s31  }
0x154: {  	s2 =	sshrl.u32 s2, $0x3  }
0x155: {  	s2 =	sadd.s32 s3, s2  }
0x156: {  	s14 =	simm.s32 $0x10;
	s23 =	sadd.s32 $0x200, s30;
	s24 =	sadd.s32 $0x0, s2  }
.LBB2_18:
0x157: {  	[hbm4b:s24+s4] =	stream.linear.scatter [tilespmem:s30], [sflag:s0], $0x80, $0x38;
	[tilespmem:$0x14400] =	vst v63  }
0x158: {  	s24 =	smov.u32 s14;
	s30 =	smov.u32 s23;
	p0 =	sne.s32 s14, $0x1F0  }
.Ltmp8:
0x159: {  	s14 =	sadd.s32 $0x10, s14;
	(pc) =	sbr.rel @p0 .LBB2_18-.Ltmp8, $2  }
0x15a: {  	_ =	sdelay $0x2  }
0x15b: {  	s23 =	sadd.s32 $0x200, s23;
	s24 =	sadd.s32 s24, s2  }
0x15c: {  	[hbm4b:s24+s4] =	stream.linear.scatter [tilespmem:s30], [sflag:s0], $0x80, $0x38;
	[tilespmem:$0x14400] =	vst v63  }
0x15d: {  	s2 =	sor.u32 s13, s12  }
0x15e: {  	s2 =	sadd.s32 s6, s2  }
0x15f: {  	s2 =	sshrl.u32 s2, $0x3  }
0x160: {  	s2 =	sadd.s32 s3, s2  }
0x161: {  	s13 =	sadd.s32 $0x200, s26;
	s6 =	simm.s32 $0x10;
	s14 =	sadd.s32 $0x0, s2  }
.LBB2_20:
0x162: {  	[hbm4b:s14+s4] =	stream.linear.scatter [tilespmem:s26], [sflag:s0], $0x80, $0x38;
	[tilespmem:$0x14400] =	vst v63  }
0x163: {  	s14 =	smov.u32 s6;
	s26 =	smov.u32 s13;
	p0 =	sne.s32 s6, $0x1F0  }
.Ltmp9:
0x164: {  	s6 =	sadd.s32 $0x10, s6;
	(pc) =	sbr.rel @p0 .LBB2_20-.Ltmp9, $2  }
0x165: {  	_ =	sdelay $0x2  }
0x166: {  	s13 =	sadd.s32 $0x200, s13;
	s14 =	sadd.s32 s14, s2  }
0x167: {  	s22 =	sadd.s32 $0x1, s22  }
0x168: {  	p0 =	sne.s32 s22, $0x30  }
.Ltmp10:
0x169: {  	_ = 	snop;
	(pc) =	sbr.rel @p0 .LBB2_4-.Ltmp10, $3  }
0x16a: {  	_ =	sdelay $0x1  }
0x16b: {  	[hbm4b:s14+s4] =	stream.linear.scatter [tilespmem:s26], [sflag:s0], $0x80, $0x38;
	[tilespmem:$0x14400] =	vst v63  }
0x16c: {  	s21 =	sadd.s32 $0x1, s21  }
0x16d: {  	_ =	swait.ge [sflag:s16], $0x4000  }
0x16e: {  	[sflag:s16] =	ssyncset.done $0x0  }
0x16f: {  	[sflag:s16] =	ssyncadd.s32 $0xFFFFC000  }
0x170: {  	_ =	swait.ge [sflag:s17], $0x4000  }
0x171: {  	[sflag:s17] =	ssyncset.done $0x0  }
0x172: {  	[sflag:s17] =	ssyncadd.s32 $0xFFFFC000  }
0x173: {  	_ =	swait.ge [sflag:s18], $0x4000  }
0x174: {  	[sflag:s18] =	ssyncset.done $0x0  }
0x175: {  	[sflag:s18] =	ssyncadd.s32 $0xFFFFC000  }
0x176: {  	_ =	swait.ge [sflag:s19], $0x4000  }
0x177: {  	s20 =	sadd.s32 $0x1, s20;
	s0 =	rddreg [dreg:$0x5]  }
0x178: {  	p0 =	sne.s32 s20, s0  }
.Ltmp11:
0x179: {  	_ = 	snop;
	(pc) =	sbr.rel @p0 .LBB2_1-.Ltmp11, $3  }
0x17a: {  	_ =	sdelay $0x1  }
0x17b: {  	[sflag:s19] =	ssyncset.done $0x0  }
0x17c: {  	[sflag:s19] =	ssyncadd.s32 $0xFFFFC000  }
0x17d: {  	_ =	sfence.sel $0x180000  }
0x17e: {  	[bflag:$0x0] =	sbarrier.arrive $0xFFFF  }
0x17f: {  	_ =	strace $0x90000047  }
0x180: {  	s0 =	stileid.u32;
	[bflag:$0x2] =	sbarrier.arrive $0xFFFF  }
0x181: {  	p0 =	sne.s32 s0, $0x0;
	s0 =	rddreg [dreg:$0x3]  }
0x182: {  	s0 =	sadd.s32 @!p0 $0x100000, s0  }
0x183: {  	[sflag:s0] =	ssyncadd.tile.s32 @!p0 $0x1;
	_ =	shalt  }
.Lfunc_end2:
_tile_overlayer_lowered:
.L_overlay_start_2:
0x184: {  	(tag) =	ssettag $0x2  }
0x185: {  	s0 =	rddreg [dreg:$0x0];
	s2 =	stileid.u32  }
0x186: {  	s1 =	rddreg [dreg:$0x1];
	p0 =	sne.s32 s2, $0x0  }
0x187: {  	s3 =	rddreg [dreg:$0x2];
	[bflag:$0x3] =	sbarrier.arrive $0xFFFF;
	s2 =	simm.s32 @!p0 $0x1C06  }
0x188: {  	[timem:s3], [sflag:s2] =	dma.local @!p0 [hbm:s0], s1  }
0x189: {  	s0 =	simm.s32 @!p0 $0x6  }
0x18a: {  	_ =	swait.ge @!p0 [sflag:s0], s1  }
0x18b: {  	s1 =	ssub.s32 @!p0 $0x0, s1;
	[sflag:s0] =	ssyncset.done @!p0 $0x0  }
0x18c: {  	[sflag:s0] =	ssyncadd.s32 @!p0 s1  }
0x18d: {  	[bflag:$0x3] =	sbarrier.arrive $0xFFFF  }
0x18e: {  	_ =	shalt  }

</sc_bundles>
